<compile_context>
chip_gen: v7x
topology: tpu7x:2x2x1
jax: 0.10.2.dev20260603
libtpu: 0.0.44.dev20260713+nightly
codegen_flags: <defaults>
</compile_context>

<pallas_src>
import functools

import jax
import jax.numpy as jnp
from jax import lax
from jax.experimental import pallas as pl
from jax.experimental.pallas import tpu as pltpu
from jax.experimental.pallas import tpu_sc as plsc

VOCAB = 1000000
EMB = 64
BATCH = 16384
NC = 2
NS = 16
L = 16
SLOTS = BATCH // NS
D_PER_CORE = EMB // NC
NPAIR = D_PER_CORE // 2
NCH = SLOTS // 128
RCH = (VOCAB // NS) // 128 * 128
TAIL_OFF = RCH * NS
TAIL = 640
VPAD = TAIL_OFF + TAIL


def _sc_body(qid_hbm, did_hbm, tabt_hbm, tail_hbm, out_hbm,
             qid_v, did_v, buf0, buf1, qv_v, dv_v, acc_v,
             sem0, sem1, semg):
    c = lax.axis_index("c")
    s = lax.axis_index("s")
    d_base = c * D_PER_CORE

    pltpu.sync_copy(qid_hbm.at[s], qid_v)
    pltpu.sync_copy(did_hbm.at[s], did_v)

    zero = jnp.zeros((L,), jnp.float32)
    for k in range(SLOTS // L):
        acc_v[pl.ds(k * L, L)] = zero

    HCH = RCH // 2

    def row_copies(d, buf, sem):
        sla = pl.ds(s * RCH, HCH)
        slb = pl.ds(s * RCH + HCH, HCH)
        tl = pl.ds(TAIL_OFF, TAIL)
        return (pltpu.make_async_copy(tabt_hbm.at[d].at[sla], buf.at[sla], sem),
                pltpu.make_async_copy(tabt_hbm.at[d].at[slb], buf.at[slb], sem),
                pltpu.make_async_copy(tail_hbm.at[d], buf.at[tl], sem))

    def row_start(d, buf, sem):
        ca, cb, tail = row_copies(d, buf, sem)
        ca.start()
        cb.start()

        @pl.when(s == 0)
        def _():
            tail.start()

    def row_wait(d, buf, sem):
        ca, cb, tail = row_copies(d, buf, sem)
        ca.wait()
        cb.wait()

        @pl.when(s == 0)
        def _():
            tail.wait()

    def process(buf):
        copies = []
        for j in range(NCH):
            copies.append(pltpu.async_copy(
                buf.at[qid_v.at[j]], qv_v.at[pl.ds(j * 128, 128)], semg))
            copies.append(pltpu.async_copy(
                buf.at[did_v.at[j]], dv_v.at[pl.ds(j * 128, 128)], semg))
        for j in range(NCH):
            copies[2 * j].wait()
            copies[2 * j + 1].wait()
            for k in range(128 // L):
                sl = pl.ds(j * 128 + k * L, L)
                plsc.addupdate(acc_v.at[sl], qv_v[sl] * dv_v[sl])

    row_start(d_base, buf0, sem0)

    def pair(i, carry):
        d0 = d_base + i * 2

        row_wait(d0, buf0, sem0)
        row_start(d0 + 1, buf1, sem1)

        plsc.subcore_barrier()
        process(buf0)
        plsc.subcore_barrier()

        row_wait(d0 + 1, buf1, sem1)

        @pl.when(i + 1 < NPAIR)
        def _():
            row_start(d0 + 2, buf0, sem0)

        plsc.subcore_barrier()
        process(buf1)
        plsc.subcore_barrier()
        return carry

    lax.fori_loop(0, NPAIR, pair, 0)

    pltpu.sync_copy(acc_v, out_hbm.at[c, pl.ds(s * SLOTS, SLOTS)])


@jax.jit
def _run(qid, did, tabt, tail):
    mesh = plsc.VectorSubcoreMesh(core_axis_name="c", subcore_axis_name="s")
    f = functools.partial(
        pl.kernel, mesh=mesh,
        out_type=jax.ShapeDtypeStruct((NC, BATCH), jnp.float32),
        scratch_types=[
            pltpu.VMEM((NCH, 128), jnp.int32),
            pltpu.VMEM((NCH, 128), jnp.int32),
            pltpu.VMEM_SHARED((VPAD,), jnp.float32),
            pltpu.VMEM_SHARED((VPAD,), jnp.float32),
            pltpu.VMEM((SLOTS,), jnp.float32),
            pltpu.VMEM((SLOTS,), jnp.float32),
            pltpu.VMEM((SLOTS,), jnp.float32),
            pltpu.SemaphoreType.DMA,
            pltpu.SemaphoreType.DMA,
            pltpu.SemaphoreType.DMA,
        ],
        compiler_params=pltpu.CompilerParams(
            needs_layout_passes=False, use_tc_tiling_on_sc=True),
    )(_sc_body)
    return f(qid, did, tabt, tail)


def kernel(input_ids, attention_mask, token_type_ids, qid, did,
           session_qid, session_did, session_len, id2emb):
    qid3 = qid.astype(jnp.int32).reshape(NS, NCH, 128)
    did3 = did.astype(jnp.int32).reshape(NS, NCH, 128)
    tabt = id2emb.T
    tail = jnp.pad(tabt[:, TAIL_OFF:], ((0, 0), (0, TAIL - (VOCAB - TAIL_OFF))))
    partial = _run(qid3, did3, tabt, tail)
    return partial[0] + partial[1]

# --- scband reference (transcript-rebuilt; emitter-appended) ---
"""Pipeline reference for scband-ranker-emb-6992206758108 (READ-ONLY COPY).

The authoritative reference and input builder live on the scoring server;
editing this copy changes nothing except your own understanding.
"""

import jax, jax.numpy as jnp
import numpy as np

VOCAB = 1000000
EMB = 64
BATCH = 16384
HIST = 20
SEQ = 16

def setup_inputs(seed: int = 0) -> dict:
    key = jax.random.key(seed)
    k_tab, k_q, k_d, k_sq, k_sd, k_sl, k_in = jax.random.split(key, 7)
    id2emb = jax.random.normal(k_tab, (VOCAB, EMB), dtype=jnp.float32)
    input_ids = jax.random.randint(k_in, (BATCH, SEQ), 0, 30000, dtype=jnp.int64) if jax.config.jax_enable_x64 else jax.random.randint(k_in, (BATCH, SEQ), 0, 30000).astype(jnp.int32)
    attention_mask = jnp.ones((BATCH, SEQ), dtype=jnp.int32)
    token_type_ids = jnp.zeros((BATCH, SEQ), dtype=jnp.int32)
    qid = jax.random.randint(k_q, (BATCH,), 0, VOCAB).astype(jnp.int32)
    did = jax.random.randint(k_d, (BATCH,), 0, VOCAB).astype(jnp.int32)
    session_qid = jax.random.randint(k_sq, (BATCH, HIST), 0, VOCAB).astype(jnp.int32)
    session_did = jax.random.randint(k_sd, (BATCH, HIST), 0, VOCAB).astype(jnp.int32)
    session_len = jax.random.randint(k_sl, (BATCH,), 0, HIST).astype(jnp.int32)
    return {"input_ids": input_ids, "attention_mask": attention_mask, "token_type_ids": token_type_ids, "qid": qid, "did": did, "session_qid": session_qid, "session_did": session_did, "session_len": session_len, "id2emb": id2emb}

def reference(input_ids, attention_mask, token_type_ids, qid, did, session_qid, session_did, session_len, id2emb):
    # d_emb = id2emb[did]; q_emb = id2emb[qid]
    d_emb = jnp.take(id2emb, did, axis=0)
    q_emb = jnp.take(id2emb, qid, axis=0)
    ad_rep = q_emb * d_emb
    y_pred = ad_rep.sum(axis=1)
    return y_pred

if __name__ == "__main__":
    import jax
    _d = setup_inputs()
    print(jax.jit(kernel)(*tuple(_d.values())))

</pallas_src>

<mosaic_0001>
#map = affine_map<(d0, d1) -> (0, 0, 0)>
#map1 = affine_map<(d0, d1) -> (0, 0)>
module attributes {stable_mosaic.version = 14 : i64} {
  func.func @_sc_body(%arg0: i32, %arg1: i32, %arg2: memref<16x8x128xi32, #tpu.memory_space<hbm>>, %arg3: memref<16x8x128xi32, #tpu.memory_space<hbm>>, %arg4: memref<64x1000000xf32, #tpu.memory_space<hbm>>, %arg5: memref<64x640xf32, #tpu.memory_space<hbm>>, %arg6: memref<2x16384xf32, #tpu.memory_space<hbm>>, %arg7: memref<8x128xi32, #tpu.memory_space<vmem>>, %arg8: memref<8x128xi32, #tpu.memory_space<vmem>>, %arg9: memref<1000064xf32, #tpu.memory_space<vmem_shared>>, %arg10: memref<1000064xf32, #tpu.memory_space<vmem_shared>>, %arg11: memref<1024xf32, #tpu.memory_space<vmem>>, %arg12: memref<1024xf32, #tpu.memory_space<vmem>>, %arg13: memref<1024xf32, #tpu.memory_space<vmem>>, %arg14: memref<!tpu.dma_semaphore, #tpu.memory_space<semaphore_mem>>, %arg15: memref<!tpu.dma_semaphore, #tpu.memory_space<semaphore_mem>>, %arg16: memref<!tpu.dma_semaphore, #tpu.memory_space<semaphore_mem>>) attributes {dimension_semantics = [#tpu.dimension_semantics<core_parallel>, #tpu.dimension_semantics<subcore_parallel>], iteration_bounds = array<i64: 2, 16>, scalar_prefetch = 0 : i64, scratch_operands = 10 : i64, tpu.core_type = #tpu.core_type<sc_vector_subcore>, window_params = [{transform_indices = #map}, {transform_indices = #map}, {transform_indices = #map1}, {transform_indices = #map1}, {transform_indices = #map1}]} {
    %mul3A = arith.constant 32 : i32
    %mul3A_0 = arith.muli %arg0, %mul3A : i32
    "tpu.region"() ({
      %run_scoped3A = tpu.sem_alloc : memref<!tpu.dma_semaphore, #tpu.memory_space<semaphore_mem>>
      %dma_start3A_152 = arith.constant 0 : i32
      %dma_start3A_153 = arith.constant 0 : i32
      %dma_start3A_154 = tpu.memref_slice %arg2[%arg1, %dma_start3A_152, %dma_start3A_153] : memref<16x8x128xi32, #tpu.memory_space<hbm>> -> memref<1x8x128xi32, #tpu.memory_space<hbm>>
      %dma_start3A_155 = tpu.memref_squeeze %dma_start3A_154 : memref<1x8x128xi32, #tpu.memory_space<hbm>> -> memref<8x128xi32, #tpu.memory_space<hbm>>
      %dma_start3A_156 = arith.constant 0 : i32
      %dma_start3A_157 = arith.constant 0 : i32
      %dma_start3A_158 = tpu.memref_slice %arg2[%arg1, %dma_start3A_156, %dma_start3A_157] : memref<16x8x128xi32, #tpu.memory_space<hbm>> -> memref<1x8x128xi32, #tpu.memory_space<hbm>>
      %dma_start3A_159 = tpu.memref_squeeze %dma_start3A_158 : memref<1x8x128xi32, #tpu.memory_space<hbm>> -> memref<8x128xi32, #tpu.memory_space<hbm>>
      tpu.enqueue_dma source(%dma_start3A_159 : memref<8x128xi32, #tpu.memory_space<hbm>>) target(%arg7 : memref<8x128xi32, #tpu.memory_space<vmem>>) target_semaphore(%run_scoped3A : memref<!tpu.dma_semaphore, #tpu.memory_space<semaphore_mem>>)
      %dma_wait3A = arith.constant 0 : i32
      %dma_wait3A_160 = arith.constant 0 : i32
      %dma_wait3A_161 = tpu.memref_slice %arg2[%arg1, %dma_wait3A, %dma_wait3A_160] : memref<16x8x128xi32, #tpu.memory_space<hbm>> -> memref<1x8x128xi32, #tpu.memory_space<hbm>>
      %dma_wait3A_162 = tpu.memref_squeeze %dma_wait3A_161 : memref<1x8x128xi32, #tpu.memory_space<hbm>> -> memref<8x128xi32, #tpu.memory_space<hbm>>
      %dma_wait3A_163 = arith.constant 0 : i32
      %dma_wait3A_164 = arith.constant 0 : i32
      %dma_wait3A_165 = tpu.memref_slice %arg2[%arg1, %dma_wait3A_163, %dma_wait3A_164] : memref<16x8x128xi32, #tpu.memory_space<hbm>> -> memref<1x8x128xi32, #tpu.memory_space<hbm>>
      %dma_wait3A_166 = tpu.memref_squeeze %dma_wait3A_165 : memref<1x8x128xi32, #tpu.memory_space<hbm>> -> memref<8x128xi32, #tpu.memory_space<hbm>>
      tpu.wait_dma2 semaphore(%run_scoped3A : memref<!tpu.dma_semaphore, #tpu.memory_space<semaphore_mem>>) src(%dma_wait3A_166 : memref<8x128xi32, #tpu.memory_space<hbm>>) dst(%arg7 : memref<8x128xi32, #tpu.memory_space<vmem>>)
      tpu.yield
    }) : () -> ()
    "tpu.region"() ({
      %run_scoped3A = tpu.sem_alloc : memref<!tpu.dma_semaphore, #tpu.memory_space<semaphore_mem>>
      %dma_start3A_152 = arith.constant 0 : i32
      %dma_start3A_153 = arith.constant 0 : i32
      %dma_start3A_154 = tpu.memref_slice %arg3[%arg1, %dma_start3A_152, %dma_start3A_153] : memref<16x8x128xi32, #tpu.memory_space<hbm>> -> memref<1x8x128xi32, #tpu.memory_space<hbm>>
      %dma_start3A_155 = tpu.memref_squeeze %dma_start3A_154 : memref<1x8x128xi32, #tpu.memory_space<hbm>> -> memref<8x128xi32, #tpu.memory_space<hbm>>
      %dma_start3A_156 = arith.constant 0 : i32
      %dma_start3A_157 = arith.constant 0 : i32
      %dma_start3A_158 = tpu.memref_slice %arg3[%arg1, %dma_start3A_156, %dma_start3A_157] : memref<16x8x128xi32, #tpu.memory_space<hbm>> -> memref<1x8x128xi32, #tpu.memory_space<hbm>>
      %dma_start3A_159 = tpu.memref_squeeze %dma_start3A_158 : memref<1x8x128xi32, #tpu.memory_space<hbm>> -> memref<8x128xi32, #tpu.memory_space<hbm>>
      tpu.enqueue_dma source(%dma_start3A_159 : memref<8x128xi32, #tpu.memory_space<hbm>>) target(%arg8 : memref<8x128xi32, #tpu.memory_space<vmem>>) target_semaphore(%run_scoped3A : memref<!tpu.dma_semaphore, #tpu.memory_space<semaphore_mem>>)
      %dma_wait3A = arith.constant 0 : i32
      %dma_wait3A_160 = arith.constant 0 : i32
      %dma_wait3A_161 = tpu.memref_slice %arg3[%arg1, %dma_wait3A, %dma_wait3A_160] : memref<16x8x128xi32, #tpu.memory_space<hbm>> -> memref<1x8x128xi32, #tpu.memory_space<hbm>>
      %dma_wait3A_162 = tpu.memref_squeeze %dma_wait3A_161 : memref<1x8x128xi32, #tpu.memory_space<hbm>> -> memref<8x128xi32, #tpu.memory_space<hbm>>
      %dma_wait3A_163 = arith.constant 0 : i32
      %dma_wait3A_164 = arith.constant 0 : i32
      %dma_wait3A_165 = tpu.memref_slice %arg3[%arg1, %dma_wait3A_163, %dma_wait3A_164] : memref<16x8x128xi32, #tpu.memory_space<hbm>> -> memref<1x8x128xi32, #tpu.memory_space<hbm>>
      %dma_wait3A_166 = tpu.memref_squeeze %dma_wait3A_165 : memref<1x8x128xi32, #tpu.memory_space<hbm>> -> memref<8x128xi32, #tpu.memory_space<hbm>>
      tpu.wait_dma2 semaphore(%run_scoped3A : memref<!tpu.dma_semaphore, #tpu.memory_space<semaphore_mem>>) src(%dma_wait3A_166 : memref<8x128xi32, #tpu.memory_space<hbm>>) dst(%arg8 : memref<8x128xi32, #tpu.memory_space<vmem>>)
      tpu.yield
    }) : () -> ()
    %broadcast_in_dim3A = arith.constant 0.000000e+00 : f32
    %broadcast_in_dim3A_1 = vector.broadcast %broadcast_in_dim3A : f32 to vector<16xf32>
    %swap3A = arith.constant 0 : index
    %swap3A_2 = tpu.vector_load %arg13[%swap3A] {strides = array<i32>} : memref<1024xf32, #tpu.memory_space<vmem>>, vector<16xf32>,
    tpu.vector_store %arg13[%swap3A], %broadcast_in_dim3A_1 {strides = array<i32>} : memref<1024xf32, #tpu.memory_space<vmem>>, vector<16xf32>,
    %swap3A_3 = arith.constant 16 : index
    %swap3A_4 = tpu.vector_load %arg13[%swap3A_3] {strides = array<i32>} : memref<1024xf32, #tpu.memory_space<vmem>>, vector<16xf32>,
    tpu.vector_store %arg13[%swap3A_3], %broadcast_in_dim3A_1 {strides = array<i32>} : memref<1024xf32, #tpu.memory_space<vmem>>, vector<16xf32>,
    %swap3A_5 = arith.constant 32 : index
    %swap3A_6 = tpu.vector_load %arg13[%swap3A_5] {strides = array<i32>} : memref<1024xf32, #tpu.memory_space<vmem>>, vector<16xf32>,
    tpu.vector_store %arg13[%swap3A_5], %broadcast_in_dim3A_1 {strides = array<i32>} : memref<1024xf32, #tpu.memory_space<vmem>>, vector<16xf32>,
    %swap3A_7 = arith.constant 48 : index
    %swap3A_8 = tpu.vector_load %arg13[%swap3A_7] {strides = array<i32>} : memref<1024xf32, #tpu.memory_space<vmem>>, vector<16xf32>,
    tpu.vector_store %arg13[%swap3A_7], %broadcast_in_dim3A_1 {strides = array<i32>} : memref<1024xf32, #tpu.memory_space<vmem>>, vector<16xf32>,
    %swap3A_9 = arith.constant 64 : index
    %swap3A_10 = tpu.vector_load %arg13[%swap3A_9] {strides = array<i32>} : memref<1024xf32, #tpu.memory_space<vmem>>, vector<16xf32>,
    tpu.vector_store %arg13[%swap3A_9], %broadcast_in_dim3A_1 {strides = array<i32>} : memref<1024xf32, #tpu.memory_space<vmem>>, vector<16xf32>,
    %swap3A_11 = arith.constant 80 : index
    %swap3A_12 = tpu.vector_load %arg13[%swap3A_11] {strides = array<i32>} : memref<1024xf32, #tpu.memory_space<vmem>>, vector<16xf32>,
    tpu.vector_store %arg13[%swap3A_11], %broadcast_in_dim3A_1 {strides = array<i32>} : memref<1024xf32, #tpu.memory_space<vmem>>, vector<16xf32>,
    %swap3A_13 = arith.constant 96 : index
    %swap3A_14 = tpu.vector_load %arg13[%swap3A_13] {strides = array<i32>} : memref<1024xf32, #tpu.memory_space<vmem>>, vector<16xf32>,
    tpu.vector_store %arg13[%swap3A_13], %broadcast_in_dim3A_1 {strides = array<i32>} : memref<1024xf32, #tpu.memory_space<vmem>>, vector<16xf32>,
    %swap3A_15 = arith.constant 112 : index
    %swap3A_16 = tpu.vector_load %arg13[%swap3A_15] {strides = array<i32>} : memref<1024xf32, #tpu.memory_space<vmem>>, vector<16xf32>,
    tpu.vector_store %arg13[%swap3A_15], %broadcast_in_dim3A_1 {strides = array<i32>} : memref<1024xf32, #tpu.memory_space<vmem>>, vector<16xf32>,
    %swap3A_17 = arith.constant 128 : index
    %swap3A_18 = tpu.vector_load %arg13[%swap3A_17] {strides = array<i32>} : memref<1024xf32, #tpu.memory_space<vmem>>, vector<16xf32>,
    tpu.vector_store %arg13[%swap3A_17], %broadcast_in_dim3A_1 {strides = array<i32>} : memref<1024xf32, #tpu.memory_space<vmem>>, vector<16xf32>,
    %swap3A_19 = arith.constant 144 : index
    %swap3A_20 = tpu.vector_load %arg13[%swap3A_19] {strides = array<i32>} : memref<1024xf32, #tpu.memory_space<vmem>>, vector<16xf32>,
    tpu.vector_store %arg13[%swap3A_19], %broadcast_in_dim3A_1 {strides = array<i32>} : memref<1024xf32, #tpu.memory_space<vmem>>, vector<16xf32>,
    %swap3A_21 = arith.constant 160 : index
    %swap3A_22 = tpu.vector_load %arg13[%swap3A_21] {strides = array<i32>} : memref<1024xf32, #tpu.memory_space<vmem>>, vector<16xf32>,
    tpu.vector_store %arg13[%swap3A_21], %broadcast_in_dim3A_1 {strides = array<i32>} : memref<1024xf32, #tpu.memory_space<vmem>>, vector<16xf32>,
    %swap3A_23 = arith.constant 176 : index
    %swap3A_24 = tpu.vector_load %arg13[%swap3A_23] {strides = array<i32>} : memref<1024xf32, #tpu.memory_space<vmem>>, vector<16xf32>,
    tpu.vector_store %arg13[%swap3A_23], %broadcast_in_dim3A_1 {strides = array<i32>} : memref<1024xf32, #tpu.memory_space<vmem>>, vector<16xf32>,
    %swap3A_25 = arith.constant 192 : index
    %swap3A_26 = tpu.vector_load %arg13[%swap3A_25] {strides = array<i32>} : memref<1024xf32, #tpu.memory_space<vmem>>, vector<16xf32>,
    tpu.vector_store %arg13[%swap3A_25], %broadcast_in_dim3A_1 {strides = array<i32>} : memref<1024xf32, #tpu.memory_space<vmem>>, vector<16xf32>,
    %swap3A_27 = arith.constant 208 : index
    %swap3A_28 = tpu.vector_load %arg13[%swap3A_27] {strides = array<i32>} : memref<1024xf32, #tpu.memory_space<vmem>>, vector<16xf32>,
    tpu.vector_store %arg13[%swap3A_27], %broadcast_in_dim3A_1 {strides = array<i32>} : memref<1024xf32, #tpu.memory_space<vmem>>, vector<16xf32>,
    %swap3A_29 = arith.constant 224 : index
    %swap3A_30 = tpu.vector_load %arg13[%swap3A_29] {strides = array<i32>} : memref<1024xf32, #tpu.memory_space<vmem>>, vector<16xf32>,
    tpu.vector_store %arg13[%swap3A_29], %broadcast_in_dim3A_1 {strides = array<i32>} : memref<1024xf32, #tpu.memory_space<vmem>>, vector<16xf32>,
    %swap3A_31 = arith.constant 240 : index
    %swap3A_32 = tpu.vector_load %arg13[%swap3A_31] {strides = array<i32>} : memref<1024xf32, #tpu.memory_space<vmem>>, vector<16xf32>,
    tpu.vector_store %arg13[%swap3A_31], %broadcast_in_dim3A_1 {strides = array<i32>} : memref<1024xf32, #tpu.memory_space<vmem>>, vector<16xf32>,
    %swap3A_33 = arith.constant 256 : index
    %swap3A_34 = tpu.vector_load %arg13[%swap3A_33] {strides = array<i32>} : memref<1024xf32, #tpu.memory_space<vmem>>, vector<16xf32>,
    tpu.vector_store %arg13[%swap3A_33], %broadcast_in_dim3A_1 {strides = array<i32>} : memref<1024xf32, #tpu.memory_space<vmem>>, vector<16xf32>,
    %swap3A_35 = arith.constant 272 : index
    %swap3A_36 = tpu.vector_load %arg13[%swap3A_35] {strides = array<i32>} : memref<1024xf32, #tpu.memory_space<vmem>>, vector<16xf32>,
    tpu.vector_store %arg13[%swap3A_35], %broadcast_in_dim3A_1 {strides = array<i32>} : memref<1024xf32, #tpu.memory_space<vmem>>, vector<16xf32>,
    %swap3A_37 = arith.constant 288 : index
    %swap3A_38 = tpu.vector_load %arg13[%swap3A_37] {strides = array<i32>} : memref<1024xf32, #tpu.memory_space<vmem>>, vector<16xf32>,
    tpu.vector_store %arg13[%swap3A_37], %broadcast_in_dim3A_1 {strides = array<i32>} : memref<1024xf32, #tpu.memory_space<vmem>>, vector<16xf32>,
    %swap3A_39 = arith.constant 304 : index
    %swap3A_40 = tpu.vector_load %arg13[%swap3A_39] {strides = array<i32>} : memref<1024xf32, #tpu.memory_space<vmem>>, vector<16xf32>,
    tpu.vector_store %arg13[%swap3A_39], %broadcast_in_dim3A_1 {strides = array<i32>} : memref<1024xf32, #tpu.memory_space<vmem>>, vector<16xf32>,
    %swap3A_41 = arith.constant 320 : index
    %swap3A_42 = tpu.vector_load %arg13[%swap3A_41] {strides = array<i32>} : memref<1024xf32, #tpu.memory_space<vmem>>, vector<16xf32>,
    tpu.vector_store %arg13[%swap3A_41], %broadcast_in_dim3A_1 {strides = array<i32>} : memref<1024xf32, #tpu.memory_space<vmem>>, vector<16xf32>,
    %swap3A_43 = arith.constant 336 : index
    %swap3A_44 = tpu.vector_load %arg13[%swap3A_43] {strides = array<i32>} : memref<1024xf32, #tpu.memory_space<vmem>>, vector<16xf32>,
    tpu.vector_store %arg13[%swap3A_43], %broadcast_in_dim3A_1 {strides = array<i32>} : memref<1024xf32, #tpu.memory_space<vmem>>, vector<16xf32>,
    %swap3A_45 = arith.constant 352 : index
    %swap3A_46 = tpu.vector_load %arg13[%swap3A_45] {strides = array<i32>} : memref<1024xf32, #tpu.memory_space<vmem>>, vector<16xf32>,
    tpu.vector_store %arg13[%swap3A_45], %broadcast_in_dim3A_1 {strides = array<i32>} : memref<1024xf32, #tpu.memory_space<vmem>>, vector<16xf32>,
    %swap3A_47 = arith.constant 368 : index
    %swap3A_48 = tpu.vector_load %arg13[%swap3A_47] {strides = array<i32>} : memref<1024xf32, #tpu.memory_space<vmem>>, vector<16xf32>,
    tpu.vector_store %arg13[%swap3A_47], %broadcast_in_dim3A_1 {strides = array<i32>} : memref<1024xf32, #tpu.memory_space<vmem>>, vector<16xf32>,
    %swap3A_49 = arith.constant 384 : index
    %swap3A_50 = tpu.vector_load %arg13[%swap3A_49] {strides = array<i32>} : memref<1024xf32, #tpu.memory_space<vmem>>, vector<16xf32>,
    tpu.vector_store %arg13[%swap3A_49], %broadcast_in_dim3A_1 {strides = array<i32>} : memref<1024xf32, #tpu.memory_space<vmem>>, vector<16xf32>,
    %swap3A_51 = arith.constant 400 : index
    %swap3A_52 = tpu.vector_load %arg13[%swap3A_51] {strides = array<i32>} : memref<1024xf32, #tpu.memory_space<vmem>>, vector<16xf32>,
    tpu.vector_store %arg13[%swap3A_51], %broadcast_in_dim3A_1 {strides = array<i32>} : memref<1024xf32, #tpu.memory_space<vmem>>, vector<16xf32>,
    %swap3A_53 = arith.constant 416 : index
    %swap3A_54 = tpu.vector_load %arg13[%swap3A_53] {strides = array<i32>} : memref<1024xf32, #tpu.memory_space<vmem>>, vector<16xf32>,
    tpu.vector_store %arg13[%swap3A_53], %broadcast_in_dim3A_1 {strides = array<i32>} : memref<1024xf32, #tpu.memory_space<vmem>>, vector<16xf32>,
    %swap3A_55 = arith.constant 432 : index
    %swap3A_56 = tpu.vector_load %arg13[%swap3A_55] {strides = array<i32>} : memref<1024xf32, #tpu.memory_space<vmem>>, vector<16xf32>,
    tpu.vector_store %arg13[%swap3A_55], %broadcast_in_dim3A_1 {strides = array<i32>} : memref<1024xf32, #tpu.memory_space<vmem>>, vector<16xf32>,
    %swap3A_57 = arith.constant 448 : index
    %swap3A_58 = tpu.vector_load %arg13[%swap3A_57] {strides = array<i32>} : memref<1024xf32, #tpu.memory_space<vmem>>, vector<16xf32>,
    tpu.vector_store %arg13[%swap3A_57], %broadcast_in_dim3A_1 {strides = array<i32>} : memref<1024xf32, #tpu.memory_space<vmem>>, vector<16xf32>,
    %swap3A_59 = arith.constant 464 : index
    %swap3A_60 = tpu.vector_load %arg13[%swap3A_59] {strides = array<i32>} : memref<1024xf32, #tpu.memory_space<vmem>>, vector<16xf32>,
    tpu.vector_store %arg13[%swap3A_59], %broadcast_in_dim3A_1 {strides = array<i32>} : memref<1024xf32, #tpu.memory_space<vmem>>, vector<16xf32>,
    %swap3A_61 = arith.constant 480 : index
    %swap3A_62 = tpu.vector_load %arg13[%swap3A_61] {strides = array<i32>} : memref<1024xf32, #tpu.memory_space<vmem>>, vector<16xf32>,
    tpu.vector_store %arg13[%swap3A_61], %broadcast_in_dim3A_1 {strides = array<i32>} : memref<1024xf32, #tpu.memory_space<vmem>>, vector<16xf32>,
    %swap3A_63 = arith.constant 496 : index
    %swap3A_64 = tpu.vector_load %arg13[%swap3A_63] {strides = array<i32>} : memref<1024xf32, #tpu.memory_space<vmem>>, vector<16xf32>,
    tpu.vector_store %arg13[%swap3A_63], %broadcast_in_dim3A_1 {strides = array<i32>} : memref<1024xf32, #tpu.memory_space<vmem>>, vector<16xf32>,
    %swap3A_65 = arith.constant 512 : index
    %swap3A_66 = tpu.vector_load %arg13[%swap3A_65] {strides = array<i32>} : memref<1024xf32, #tpu.memory_space<vmem>>, vector<16xf32>,
    tpu.vector_store %arg13[%swap3A_65], %broadcast_in_dim3A_1 {strides = array<i32>} : memref<1024xf32, #tpu.memory_space<vmem>>, vector<16xf32>,
    %swap3A_67 = arith.constant 528 : index
    %swap3A_68 = tpu.vector_load %arg13[%swap3A_67] {strides = array<i32>} : memref<1024xf32, #tpu.memory_space<vmem>>, vector<16xf32>,
    tpu.vector_store %arg13[%swap3A_67], %broadcast_in_dim3A_1 {strides = array<i32>} : memref<1024xf32, #tpu.memory_space<vmem>>, vector<16xf32>,
    %swap3A_69 = arith.constant 544 : index
    %swap3A_70 = tpu.vector_load %arg13[%swap3A_69] {strides = array<i32>} : memref<1024xf32, #tpu.memory_space<vmem>>, vector<16xf32>,
    tpu.vector_store %arg13[%swap3A_69], %broadcast_in_dim3A_1 {strides = array<i32>} : memref<1024xf32, #tpu.memory_space<vmem>>, vector<16xf32>,
    %swap3A_71 = arith.constant 560 : index
    %swap3A_72 = tpu.vector_load %arg13[%swap3A_71] {strides = array<i32>} : memref<1024xf32, #tpu.memory_space<vmem>>, vector<16xf32>,
    tpu.vector_store %arg13[%swap3A_71], %broadcast_in_dim3A_1 {strides = array<i32>} : memref<1024xf32, #tpu.memory_space<vmem>>, vector<16xf32>,
    %swap3A_73 = arith.constant 576 : index
    %swap3A_74 = tpu.vector_load %arg13[%swap3A_73] {strides = array<i32>} : memref<1024xf32, #tpu.memory_space<vmem>>, vector<16xf32>,
    tpu.vector_store %arg13[%swap3A_73], %broadcast_in_dim3A_1 {strides = array<i32>} : memref<1024xf32, #tpu.memory_space<vmem>>, vector<16xf32>,
    %swap3A_75 = arith.constant 592 : index
    %swap3A_76 = tpu.vector_load %arg13[%swap3A_75] {strides = array<i32>} : memref<1024xf32, #tpu.memory_space<vmem>>, vector<16xf32>,
    tpu.vector_store %arg13[%swap3A_75], %broadcast_in_dim3A_1 {strides = array<i32>} : memref<1024xf32, #tpu.memory_space<vmem>>, vector<16xf32>,
    %swap3A_77 = arith.constant 608 : index
    %swap3A_78 = tpu.vector_load %arg13[%swap3A_77] {strides = array<i32>} : memref<1024xf32, #tpu.memory_space<vmem>>, vector<16xf32>,
    tpu.vector_store %arg13[%swap3A_77], %broadcast_in_dim3A_1 {strides = array<i32>} : memref<1024xf32, #tpu.memory_space<vmem>>, vector<16xf32>,
    %swap3A_79 = arith.constant 624 : index
    %swap3A_80 = tpu.vector_load %arg13[%swap3A_79] {strides = array<i32>} : memref<1024xf32, #tpu.memory_space<vmem>>, vector<16xf32>,
    tpu.vector_store %arg13[%swap3A_79], %broadcast_in_dim3A_1 {strides = array<i32>} : memref<1024xf32, #tpu.memory_space<vmem>>, vector<16xf32>,
    %swap3A_81 = arith.constant 640 : index
    %swap3A_82 = tpu.vector_load %arg13[%swap3A_81] {strides = array<i32>} : memref<1024xf32, #tpu.memory_space<vmem>>, vector<16xf32>,
    tpu.vector_store %arg13[%swap3A_81], %broadcast_in_dim3A_1 {strides = array<i32>} : memref<1024xf32, #tpu.memory_space<vmem>>, vector<16xf32>,
    %swap3A_83 = arith.constant 656 : index
    %swap3A_84 = tpu.vector_load %arg13[%swap3A_83] {strides = array<i32>} : memref<1024xf32, #tpu.memory_space<vmem>>, vector<16xf32>,
    tpu.vector_store %arg13[%swap3A_83], %broadcast_in_dim3A_1 {strides = array<i32>} : memref<1024xf32, #tpu.memory_space<vmem>>, vector<16xf32>,
    %swap3A_85 = arith.constant 672 : index
    %swap3A_86 = tpu.vector_load %arg13[%swap3A_85] {strides = array<i32>} : memref<1024xf32, #tpu.memory_space<vmem>>, vector<16xf32>,
    tpu.vector_store %arg13[%swap3A_85], %broadcast_in_dim3A_1 {strides = array<i32>} : memref<1024xf32, #tpu.memory_space<vmem>>, vector<16xf32>,
    %swap3A_87 = arith.constant 688 : index
    %swap3A_88 = tpu.vector_load %arg13[%swap3A_87] {strides = array<i32>} : memref<1024xf32, #tpu.memory_space<vmem>>, vector<16xf32>,
    tpu.vector_store %arg13[%swap3A_87], %broadcast_in_dim3A_1 {strides = array<i32>} : memref<1024xf32, #tpu.memory_space<vmem>>, vector<16xf32>,
    %swap3A_89 = arith.constant 704 : index
    %swap3A_90 = tpu.vector_load %arg13[%swap3A_89] {strides = array<i32>} : memref<1024xf32, #tpu.memory_space<vmem>>, vector<16xf32>,
    tpu.vector_store %arg13[%swap3A_89], %broadcast_in_dim3A_1 {strides = array<i32>} : memref<1024xf32, #tpu.memory_space<vmem>>, vector<16xf32>,
    %swap3A_91 = arith.constant 720 : index
    %swap3A_92 = tpu.vector_load %arg13[%swap3A_91] {strides = array<i32>} : memref<1024xf32, #tpu.memory_space<vmem>>, vector<16xf32>,
    tpu.vector_store %arg13[%swap3A_91], %broadcast_in_dim3A_1 {strides = array<i32>} : memref<1024xf32, #tpu.memory_space<vmem>>, vector<16xf32>,
    %swap3A_93 = arith.constant 736 : index
    %swap3A_94 = tpu.vector_load %arg13[%swap3A_93] {strides = array<i32>} : memref<1024xf32, #tpu.memory_space<vmem>>, vector<16xf32>,
    tpu.vector_store %arg13[%swap3A_93], %broadcast_in_dim3A_1 {strides = array<i32>} : memref<1024xf32, #tpu.memory_space<vmem>>, vector<16xf32>,
    %swap3A_95 = arith.constant 752 : index
    %swap3A_96 = tpu.vector_load %arg13[%swap3A_95] {strides = array<i32>} : memref<1024xf32, #tpu.memory_space<vmem>>, vector<16xf32>,
    tpu.vector_store %arg13[%swap3A_95], %broadcast_in_dim3A_1 {strides = array<i32>} : memref<1024xf32, #tpu.memory_space<vmem>>, vector<16xf32>,
    %swap3A_97 = arith.constant 768 : index
    %swap3A_98 = tpu.vector_load %arg13[%swap3A_97] {strides = array<i32>} : memref<1024xf32, #tpu.memory_space<vmem>>, vector<16xf32>,
    tpu.vector_store %arg13[%swap3A_97], %broadcast_in_dim3A_1 {strides = array<i32>} : memref<1024xf32, #tpu.memory_space<vmem>>, vector<16xf32>,
    %swap3A_99 = arith.constant 784 : index
    %swap3A_100 = tpu.vector_load %arg13[%swap3A_99] {strides = array<i32>} : memref<1024xf32, #tpu.memory_space<vmem>>, vector<16xf32>,
    tpu.vector_store %arg13[%swap3A_99], %broadcast_in_dim3A_1 {strides = array<i32>} : memref<1024xf32, #tpu.memory_space<vmem>>, vector<16xf32>,
    %swap3A_101 = arith.constant 800 : index
    %swap3A_102 = tpu.vector_load %arg13[%swap3A_101] {strides = array<i32>} : memref<1024xf32, #tpu.memory_space<vmem>>, vector<16xf32>,
    tpu.vector_store %arg13[%swap3A_101], %broadcast_in_dim3A_1 {strides = array<i32>} : memref<1024xf32, #tpu.memory_space<vmem>>, vector<16xf32>,
    %swap3A_103 = arith.constant 816 : index
    %swap3A_104 = tpu.vector_load %arg13[%swap3A_103] {strides = array<i32>} : memref<1024xf32, #tpu.memory_space<vmem>>, vector<16xf32>,
    tpu.vector_store %arg13[%swap3A_103], %broadcast_in_dim3A_1 {strides = array<i32>} : memref<1024xf32, #tpu.memory_space<vmem>>, vector<16xf32>,
    %swap3A_105 = arith.constant 832 : index
    %swap3A_106 = tpu.vector_load %arg13[%swap3A_105] {strides = array<i32>} : memref<1024xf32, #tpu.memory_space<vmem>>, vector<16xf32>,
    tpu.vector_store %arg13[%swap3A_105], %broadcast_in_dim3A_1 {strides = array<i32>} : memref<1024xf32, #tpu.memory_space<vmem>>, vector<16xf32>,
    %swap3A_107 = arith.constant 848 : index
    %swap3A_108 = tpu.vector_load %arg13[%swap3A_107] {strides = array<i32>} : memref<1024xf32, #tpu.memory_space<vmem>>, vector<16xf32>,
    tpu.vector_store %arg13[%swap3A_107], %broadcast_in_dim3A_1 {strides = array<i32>} : memref<1024xf32, #tpu.memory_space<vmem>>, vector<16xf32>,
    %swap3A_109 = arith.constant 864 : index
    %swap3A_110 = tpu.vector_load %arg13[%swap3A_109] {strides = array<i32>} : memref<1024xf32, #tpu.memory_space<vmem>>, vector<16xf32>,
    tpu.vector_store %arg13[%swap3A_109], %broadcast_in_dim3A_1 {strides = array<i32>} : memref<1024xf32, #tpu.memory_space<vmem>>, vector<16xf32>,
    %swap3A_111 = arith.constant 880 : index
    %swap3A_112 = tpu.vector_load %arg13[%swap3A_111] {strides = array<i32>} : memref<1024xf32, #tpu.memory_space<vmem>>, vector<16xf32>,
    tpu.vector_store %arg13[%swap3A_111], %broadcast_in_dim3A_1 {strides = array<i32>} : memref<1024xf32, #tpu.memory_space<vmem>>, vector<16xf32>,
    %swap3A_113 = arith.constant 896 : index
    %swap3A_114 = tpu.vector_load %arg13[%swap3A_113] {strides = array<i32>} : memref<1024xf32, #tpu.memory_space<vmem>>, vector<16xf32>,
    tpu.vector_store %arg13[%swap3A_113], %broadcast_in_dim3A_1 {strides = array<i32>} : memref<1024xf32, #tpu.memory_space<vmem>>, vector<16xf32>,
    %swap3A_115 = arith.constant 912 : index
    %swap3A_116 = tpu.vector_load %arg13[%swap3A_115] {strides = array<i32>} : memref<1024xf32, #tpu.memory_space<vmem>>, vector<16xf32>,
    tpu.vector_store %arg13[%swap3A_115], %broadcast_in_dim3A_1 {strides = array<i32>} : memref<1024xf32, #tpu.memory_space<vmem>>, vector<16xf32>,
    %swap3A_117 = arith.constant 928 : index
    %swap3A_118 = tpu.vector_load %arg13[%swap3A_117] {strides = array<i32>} : memref<1024xf32, #tpu.memory_space<vmem>>, vector<16xf32>,
    tpu.vector_store %arg13[%swap3A_117], %broadcast_in_dim3A_1 {strides = array<i32>} : memref<1024xf32, #tpu.memory_space<vmem>>, vector<16xf32>,
    %swap3A_119 = arith.constant 944 : index
    %swap3A_120 = tpu.vector_load %arg13[%swap3A_119] {strides = array<i32>} : memref<1024xf32, #tpu.memory_space<vmem>>, vector<16xf32>,
    tpu.vector_store %arg13[%swap3A_119], %broadcast_in_dim3A_1 {strides = array<i32>} : memref<1024xf32, #tpu.memory_space<vmem>>, vector<16xf32>,
    %swap3A_121 = arith.constant 960 : index
    %swap3A_122 = tpu.vector_load %arg13[%swap3A_121] {strides = array<i32>} : memref<1024xf32, #tpu.memory_space<vmem>>, vector<16xf32>,
    tpu.vector_store %arg13[%swap3A_121], %broadcast_in_dim3A_1 {strides = array<i32>} : memref<1024xf32, #tpu.memory_space<vmem>>, vector<16xf32>,
    %swap3A_123 = arith.constant 976 : index
    %swap3A_124 = tpu.vector_load %arg13[%swap3A_123] {strides = array<i32>} : memref<1024xf32, #tpu.memory_space<vmem>>, vector<16xf32>,
    tpu.vector_store %arg13[%swap3A_123], %broadcast_in_dim3A_1 {strides = array<i32>} : memref<1024xf32, #tpu.memory_space<vmem>>, vector<16xf32>,
    %swap3A_125 = arith.constant 992 : index
    %swap3A_126 = tpu.vector_load %arg13[%swap3A_125] {strides = array<i32>} : memref<1024xf32, #tpu.memory_space<vmem>>, vector<16xf32>,
    tpu.vector_store %arg13[%swap3A_125], %broadcast_in_dim3A_1 {strides = array<i32>} : memref<1024xf32, #tpu.memory_space<vmem>>, vector<16xf32>,
    %swap3A_127 = arith.constant 1008 : index
    %swap3A_128 = tpu.vector_load %arg13[%swap3A_127] {strides = array<i32>} : memref<1024xf32, #tpu.memory_space<vmem>>, vector<16xf32>,
    tpu.vector_store %arg13[%swap3A_127], %broadcast_in_dim3A_1 {strides = array<i32>} : memref<1024xf32, #tpu.memory_space<vmem>>, vector<16xf32>,
    %mul3A_129 = arith.constant 62464 : i32
    %mul3A_130 = arith.muli %arg1, %mul3A_129 : i32
    %mul3A_131 = arith.constant 62464 : i32
    %mul3A_132 = arith.muli %arg1, %mul3A_131 : i32
    %add3A = arith.constant 31232 : i32
    %add3A_133 = arith.addi %mul3A_132, %add3A : i32
    %dma_start3A = tpu.memref_slice %arg9[%mul3A_130] : memref<1000064xf32, #tpu.memory_space<vmem_shared>> -> memref<31232xf32, #tpu.memory_space<vmem_shared>>
    %dma_start3A_134 = arith.constant 0 : i32
    %dma_start3A_135 = tpu.memref_slice %arg4[%mul3A_0, %dma_start3A_134] : memref<64x1000000xf32, #tpu.memory_space<hbm>> -> memref<1x1000000xf32, #tpu.memory_space<hbm>>
    %dma_start3A_136 = tpu.memref_squeeze %dma_start3A_135 : memref<1x1000000xf32, #tpu.memory_space<hbm>> -> memref<1000000xf32, #tpu.memory_space<hbm>>
    %dma_start3A_137 = tpu.memref_slice %dma_start3A_136[%mul3A_130] : memref<1000000xf32, #tpu.memory_space<hbm>> -> memref<31232xf32, #tpu.memory_space<hbm>>
    tpu.enqueue_dma source(%dma_start3A_137 : memref<31232xf32, #tpu.memory_space<hbm>>) target(%dma_start3A : memref<31232xf32, #tpu.memory_space<vmem_shared>>) target_semaphore(%arg14 : memref<!tpu.dma_semaphore, #tpu.memory_space<semaphore_mem>>)
    %dma_start3A_138 = tpu.memref_slice %arg9[%add3A_133] : memref<1000064xf32, #tpu.memory_space<vmem_shared>> -> memref<31232xf32, #tpu.memory_space<vmem_shared>>
    %dma_start3A_139 = arith.constant 0 : i32
    %dma_start3A_140 = tpu.memref_slice %arg4[%mul3A_0, %dma_start3A_139] : memref<64x1000000xf32, #tpu.memory_space<hbm>> -> memref<1x1000000xf32, #tpu.memory_space<hbm>>
    %dma_start3A_141 = tpu.memref_squeeze %dma_start3A_140 : memref<1x1000000xf32, #tpu.memory_space<hbm>> -> memref<1000000xf32, #tpu.memory_space<hbm>>
    %dma_start3A_142 = tpu.memref_slice %dma_start3A_141[%add3A_133] : memref<1000000xf32, #tpu.memory_space<hbm>> -> memref<31232xf32, #tpu.memory_space<hbm>>
    tpu.enqueue_dma source(%dma_start3A_142 : memref<31232xf32, #tpu.memory_space<hbm>>) target(%dma_start3A_138 : memref<31232xf32, #tpu.memory_space<vmem_shared>>) target_semaphore(%arg14 : memref<!tpu.dma_semaphore, #tpu.memory_space<semaphore_mem>>)
    %eq3A = arith.constant 0 : i32
    %eq3A_143 = arith.cmpi eq, %arg1, %eq3A : i32
    %convert_element_type3A = arith.extui %eq3A_143 : i1 to i32
    %cond3A = arith.constant 0 : i32
    %cond3A_144 = arith.cmpi ne, %convert_element_type3A, %cond3A : i32
    scf.if %cond3A_144 {
      %dma_start3A_152 = arith.constant 999424 : i32
      %dma_start3A_153 = tpu.memref_slice %arg9[%dma_start3A_152] : memref<1000064xf32, #tpu.memory_space<vmem_shared>> -> memref<640xf32, #tpu.memory_space<vmem_shared>>
      %dma_start3A_154 = arith.constant 0 : i32
      %dma_start3A_155 = tpu.memref_slice %arg5[%mul3A_0, %dma_start3A_154] : memref<64x640xf32, #tpu.memory_space<hbm>> -> memref<1x640xf32, #tpu.memory_space<hbm>>
      %dma_start3A_156 = tpu.memref_squeeze %dma_start3A_155 : memref<1x640xf32, #tpu.memory_space<hbm>> -> memref<640xf32, #tpu.memory_space<hbm>>
      tpu.enqueue_dma source(%dma_start3A_156 : memref<640xf32, #tpu.memory_space<hbm>>) target(%dma_start3A_153 : memref<640xf32, #tpu.memory_space<vmem_shared>>) target_semaphore(%arg14 : memref<!tpu.dma_semaphore, #tpu.memory_space<semaphore_mem>>)
    } else {
    }
    %scan3A = arith.constant 0 : i32
    %scan3A_145 = arith.constant 0 : i32
    %scan3A_146 = arith.constant 16 : i32
    %scan3A_147 = arith.addi %scan3A_145, %scan3A_146 : i32
    %scan3A_148 = arith.constant 1 : i32
    scf.for %scan3A_152 = %scan3A_145 to %scan3A_147 step %scan3A_148  : i32 {
      %mul3A_153 = arith.constant 2 : i32
      %mul3A_154 = arith.muli %scan3A_152, %mul3A_153 : i32
      %add3A_155 = arith.addi %mul3A_0, %mul3A_154 : i32
      %mul3A_156 = arith.constant 62464 : i32
      %mul3A_157 = arith.muli %arg1, %mul3A_156 : i32
      %mul3A_158 = arith.constant 62464 : i32
      %mul3A_159 = arith.muli %arg1, %mul3A_158 : i32
      %add3A_160 = arith.constant 31232 : i32
      %add3A_161 = arith.addi %mul3A_159, %add3A_160 : i32
      %dma_wait3A = tpu.memref_slice %arg9[%mul3A_157] : memref<1000064xf32, #tpu.memory_space<vmem_shared>> -> memref<31232xf32, #tpu.memory_space<vmem_shared>>
      %dma_wait3A_162 = arith.constant 0 : i32
      %dma_wait3A_163 = tpu.memref_slice %arg4[%add3A_155, %dma_wait3A_162] : memref<64x1000000xf32, #tpu.memory_space<hbm>> -> memref<1x1000000xf32, #tpu.memory_space<hbm>>
      %dma_wait3A_164 = tpu.memref_squeeze %dma_wait3A_163 : memref<1x1000000xf32, #tpu.memory_space<hbm>> -> memref<1000000xf32, #tpu.memory_space<hbm>>
      %dma_wait3A_165 = tpu.memref_slice %dma_wait3A_164[%mul3A_157] : memref<1000000xf32, #tpu.memory_space<hbm>> -> memref<31232xf32, #tpu.memory_space<hbm>>
      tpu.wait_dma2 semaphore(%arg14 : memref<!tpu.dma_semaphore, #tpu.memory_space<semaphore_mem>>) src(%dma_wait3A_165 : memref<31232xf32, #tpu.memory_space<hbm>>) dst(%dma_wait3A : memref<31232xf32, #tpu.memory_space<vmem_shared>>)
      %dma_wait3A_166 = tpu.memref_slice %arg9[%add3A_161] : memref<1000064xf32, #tpu.memory_space<vmem_shared>> -> memref<31232xf32, #tpu.memory_space<vmem_shared>>
      %dma_wait3A_167 = arith.constant 0 : i32
      %dma_wait3A_168 = tpu.memref_slice %arg4[%add3A_155, %dma_wait3A_167] : memref<64x1000000xf32, #tpu.memory_space<hbm>> -> memref<1x1000000xf32, #tpu.memory_space<hbm>>
      %dma_wait3A_169 = tpu.memref_squeeze %dma_wait3A_168 : memref<1x1000000xf32, #tpu.memory_space<hbm>> -> memref<1000000xf32, #tpu.memory_space<hbm>>
      %dma_wait3A_170 = tpu.memref_slice %dma_wait3A_169[%add3A_161] : memref<1000000xf32, #tpu.memory_space<hbm>> -> memref<31232xf32, #tpu.memory_space<hbm>>
      tpu.wait_dma2 semaphore(%arg14 : memref<!tpu.dma_semaphore, #tpu.memory_space<semaphore_mem>>) src(%dma_wait3A_170 : memref<31232xf32, #tpu.memory_space<hbm>>) dst(%dma_wait3A_166 : memref<31232xf32, #tpu.memory_space<vmem_shared>>)
      %eq3A_171 = arith.constant 0 : i32
      %eq3A_172 = arith.cmpi eq, %arg1, %eq3A_171 : i32
      %convert_element_type3A_173 = arith.extui %eq3A_172 : i1 to i32
      %cond3A_174 = arith.constant 0 : i32
      %cond3A_175 = arith.cmpi ne, %convert_element_type3A_173, %cond3A_174 : i32
      scf.if %cond3A_175 {
        %dma_wait3A_1638 = arith.constant 999424 : i32
        %dma_wait3A_1639 = tpu.memref_slice %arg9[%dma_wait3A_1638] : memref<1000064xf32, #tpu.memory_space<vmem_shared>> -> memref<640xf32, #tpu.memory_space<vmem_shared>>
        %dma_wait3A_1640 = arith.constant 0 : i32
        %dma_wait3A_1641 = tpu.memref_slice %arg5[%add3A_155, %dma_wait3A_1640] : memref<64x640xf32, #tpu.memory_space<hbm>> -> memref<1x640xf32, #tpu.memory_space<hbm>>
        %dma_wait3A_1642 = tpu.memref_squeeze %dma_wait3A_1641 : memref<1x640xf32, #tpu.memory_space<hbm>> -> memref<640xf32, #tpu.memory_space<hbm>>
        tpu.wait_dma2 semaphore(%arg14 : memref<!tpu.dma_semaphore, #tpu.memory_space<semaphore_mem>>) src(%dma_wait3A_1642 : memref<640xf32, #tpu.memory_space<hbm>>) dst(%dma_wait3A_1639 : memref<640xf32, #tpu.memory_space<vmem_shared>>)
      } else {
      }
      %add3A_176 = arith.constant 1 : i32
      %add3A_177 = arith.addi %add3A_155, %add3A_176 : i32
      %mul3A_178 = arith.constant 62464 : i32
      %mul3A_179 = arith.muli %arg1, %mul3A_178 : i32
      %mul3A_180 = arith.constant 62464 : i32
      %mul3A_181 = arith.muli %arg1, %mul3A_180 : i32
      %add3A_182 = arith.constant 31232 : i32
      %add3A_183 = arith.addi %mul3A_181, %add3A_182 : i32
      %dma_start3A_184 = tpu.memref_slice %arg10[%mul3A_179] : memref<1000064xf32, #tpu.memory_space<vmem_shared>> -> memref<31232xf32, #tpu.memory_space<vmem_shared>>
      %dma_start3A_185 = arith.constant 0 : i32
      %dma_start3A_186 = tpu.memref_slice %arg4[%add3A_177, %dma_start3A_185] : memref<64x1000000xf32, #tpu.memory_space<hbm>> -> memref<1x1000000xf32, #tpu.memory_space<hbm>>
      %dma_start3A_187 = tpu.memref_squeeze %dma_start3A_186 : memref<1x1000000xf32, #tpu.memory_space<hbm>> -> memref<1000000xf32, #tpu.memory_space<hbm>>
      %dma_start3A_188 = tpu.memref_slice %dma_start3A_187[%mul3A_179] : memref<1000000xf32, #tpu.memory_space<hbm>> -> memref<31232xf32, #tpu.memory_space<hbm>>
      tpu.enqueue_dma source(%dma_start3A_188 : memref<31232xf32, #tpu.memory_space<hbm>>) target(%dma_start3A_184 : memref<31232xf32, #tpu.memory_space<vmem_shared>>) target_semaphore(%arg15 : memref<!tpu.dma_semaphore, #tpu.memory_space<semaphore_mem>>)
      %dma_start3A_189 = tpu.memref_slice %arg10[%add3A_183] : memref<1000064xf32, #tpu.memory_space<vmem_shared>> -> memref<31232xf32, #tpu.memory_space<vmem_shared>>
      %dma_start3A_190 = arith.constant 0 : i32
      %dma_start3A_191 = tpu.memref_slice %arg4[%add3A_177, %dma_start3A_190] : memref<64x1000000xf32, #tpu.memory_space<hbm>> -> memref<1x1000000xf32, #tpu.memory_space<hbm>>
      %dma_start3A_192 = tpu.memref_squeeze %dma_start3A_191 : memref<1x1000000xf32, #tpu.memory_space<hbm>> -> memref<1000000xf32, #tpu.memory_space<hbm>>
      %dma_start3A_193 = tpu.memref_slice %dma_start3A_192[%add3A_183] : memref<1000000xf32, #tpu.memory_space<hbm>> -> memref<31232xf32, #tpu.memory_space<hbm>>
      tpu.enqueue_dma source(%dma_start3A_193 : memref<31232xf32, #tpu.memory_space<hbm>>) target(%dma_start3A_189 : memref<31232xf32, #tpu.memory_space<vmem_shared>>) target_semaphore(%arg15 : memref<!tpu.dma_semaphore, #tpu.memory_space<semaphore_mem>>)
      %eq3A_194 = arith.constant 0 : i32
      %eq3A_195 = arith.cmpi eq, %arg1, %eq3A_194 : i32
      %convert_element_type3A_196 = arith.extui %eq3A_195 : i1 to i32
      %cond3A_197 = arith.constant 0 : i32
      %cond3A_198 = arith.cmpi ne, %convert_element_type3A_196, %cond3A_197 : i32
      scf.if %cond3A_198 {
        %dma_start3A_1638 = arith.constant 999424 : i32
        %dma_start3A_1639 = tpu.memref_slice %arg10[%dma_start3A_1638] : memref<1000064xf32, #tpu.memory_space<vmem_shared>> -> memref<640xf32, #tpu.memory_space<vmem_shared>>
        %dma_start3A_1640 = arith.constant 0 : i32
        %dma_start3A_1641 = tpu.memref_slice %arg5[%add3A_177, %dma_start3A_1640] : memref<64x640xf32, #tpu.memory_space<hbm>> -> memref<1x640xf32, #tpu.memory_space<hbm>>
        %dma_start3A_1642 = tpu.memref_squeeze %dma_start3A_1641 : memref<1x640xf32, #tpu.memory_space<hbm>> -> memref<640xf32, #tpu.memory_space<hbm>>
        tpu.enqueue_dma source(%dma_start3A_1642 : memref<640xf32, #tpu.memory_space<hbm>>) target(%dma_start3A_1639 : memref<640xf32, #tpu.memory_space<vmem_shared>>) target_semaphore(%arg15 : memref<!tpu.dma_semaphore, #tpu.memory_space<semaphore_mem>>)
      } else {
      }
      %barrier3A = arith.constant 0 : index
      tpu.barrier barrier_id(%barrier3A)
      %dma_start3A_199 = arith.constant 0 : i32
      %dma_start3A_200 = arith.constant 0 : i32
      %dma_start3A_201 = tpu.memref_slice %arg11[%dma_start3A_200] : memref<1024xf32, #tpu.memory_space<vmem>> -> memref<128xf32, #tpu.memory_space<vmem>>
      %dma_start3A_202 = arith.constant 0 : i32
      %dma_start3A_203 = tpu.memref_slice %arg7[%dma_start3A_199, %dma_start3A_202] : memref<8x128xi32, #tpu.memory_space<vmem>> -> memref<1x128xi32, #tpu.memory_space<vmem>>
      %dma_start3A_204 = tpu.memref_squeeze %dma_start3A_203 : memref<1x128xi32, #tpu.memory_space<vmem>> -> memref<128xi32, #tpu.memory_space<vmem>>
      %dma_start3A_205 = arith.constant 0 : i32
      %dma_start3A_206 = tpu.memref_slice %arg9[%dma_start3A_205] : memref<1000064xf32, #tpu.memory_space<vmem_shared>> -> memref<1000064xf32, #tpu.memory_space<vmem_shared>>
      tpu.enqueue_indirect_dma source(%dma_start3A_206 : memref<1000064xf32, #tpu.memory_space<vmem_shared>>) target(%dma_start3A_201 : memref<128xf32, #tpu.memory_space<vmem>>) offsets(%dma_start3A_204 : memref<128xi32, #tpu.memory_space<vmem>>) semaphore(%arg16 : memref<!tpu.dma_semaphore, #tpu.memory_space<semaphore_mem>>)
      %dma_start3A_207 = arith.constant 0 : i32
      %dma_start3A_208 = arith.constant 0 : i32
      %dma_start3A_209 = tpu.memref_slice %arg12[%dma_start3A_208] : memref<1024xf32, #tpu.memory_space<vmem>> -> memref<128xf32, #tpu.memory_space<vmem>>
      %dma_start3A_210 = arith.constant 0 : i32
      %dma_start3A_211 = tpu.memref_slice %arg8[%dma_start3A_207, %dma_start3A_210] : memref<8x128xi32, #tpu.memory_space<vmem>> -> memref<1x128xi32, #tpu.memory_space<vmem>>
      %dma_start3A_212 = tpu.memref_squeeze %dma_start3A_211 : memref<1x128xi32, #tpu.memory_space<vmem>> -> memref<128xi32, #tpu.memory_space<vmem>>
      %dma_start3A_213 = arith.constant 0 : i32
      %dma_start3A_214 = tpu.memref_slice %arg9[%dma_start3A_213] : memref<1000064xf32, #tpu.memory_space<vmem_shared>> -> memref<1000064xf32, #tpu.memory_space<vmem_shared>>
      tpu.enqueue_indirect_dma source(%dma_start3A_214 : memref<1000064xf32, #tpu.memory_space<vmem_shared>>) target(%dma_start3A_209 : memref<128xf32, #tpu.memory_space<vmem>>) offsets(%dma_start3A_212 : memref<128xi32, #tpu.memory_space<vmem>>) semaphore(%arg16 : memref<!tpu.dma_semaphore, #tpu.memory_space<semaphore_mem>>)
      %dma_start3A_215 = arith.constant 1 : i32
      %dma_start3A_216 = arith.constant 128 : i32
      %dma_start3A_217 = tpu.memref_slice %arg11[%dma_start3A_216] : memref<1024xf32, #tpu.memory_space<vmem>> -> memref<128xf32, #tpu.memory_space<vmem>>
      %dma_start3A_218 = arith.constant 0 : i32
      %dma_start3A_219 = tpu.memref_slice %arg7[%dma_start3A_215, %dma_start3A_218] : memref<8x128xi32, #tpu.memory_space<vmem>> -> memref<1x128xi32, #tpu.memory_space<vmem>>
      %dma_start3A_220 = tpu.memref_squeeze %dma_start3A_219 : memref<1x128xi32, #tpu.memory_space<vmem>> -> memref<128xi32, #tpu.memory_space<vmem>>
      %dma_start3A_221 = arith.constant 0 : i32
      %dma_start3A_222 = tpu.memref_slice %arg9[%dma_start3A_221] : memref<1000064xf32, #tpu.memory_space<vmem_shared>> -> memref<1000064xf32, #tpu.memory_space<vmem_shared>>
      tpu.enqueue_indirect_dma source(%dma_start3A_222 : memref<1000064xf32, #tpu.memory_space<vmem_shared>>) target(%dma_start3A_217 : memref<128xf32, #tpu.memory_space<vmem>>) offsets(%dma_start3A_220 : memref<128xi32, #tpu.memory_space<vmem>>) semaphore(%arg16 : memref<!tpu.dma_semaphore, #tpu.memory_space<semaphore_mem>>)
      %dma_start3A_223 = arith.constant 1 : i32
      %dma_start3A_224 = arith.constant 128 : i32
      %dma_start3A_225 = tpu.memref_slice %arg12[%dma_start3A_224] : memref<1024xf32, #tpu.memory_space<vmem>> -> memref<128xf32, #tpu.memory_space<vmem>>
      %dma_start3A_226 = arith.constant 0 : i32
      %dma_start3A_227 = tpu.memref_slice %arg8[%dma_start3A_223, %dma_start3A_226] : memref<8x128xi32, #tpu.memory_space<vmem>> -> memref<1x128xi32, #tpu.memory_space<vmem>>
      %dma_start3A_228 = tpu.memref_squeeze %dma_start3A_227 : memref<1x128xi32, #tpu.memory_space<vmem>> -> memref<128xi32, #tpu.memory_space<vmem>>
      %dma_start3A_229 = arith.constant 0 : i32
      %dma_start3A_230 = tpu.memref_slice %arg9[%dma_start3A_229] : memref<1000064xf32, #tpu.memory_space<vmem_shared>> -> memref<1000064xf32, #tpu.memory_space<vmem_shared>>
      tpu.enqueue_indirect_dma source(%dma_start3A_230 : memref<1000064xf32, #tpu.memory_space<vmem_shared>>) target(%dma_start3A_225 : memref<128xf32, #tpu.memory_space<vmem>>) offsets(%dma_start3A_228 : memref<128xi32, #tpu.memory_space<vmem>>) semaphore(%arg16 : memref<!tpu.dma_semaphore, #tpu.memory_space<semaphore_mem>>)
      %dma_start3A_231 = arith.constant 2 : i32
      %dma_start3A_232 = arith.constant 256 : i32
      %dma_start3A_233 = tpu.memref_slice %arg11[%dma_start3A_232] : memref<1024xf32, #tpu.memory_space<vmem>> -> memref<128xf32, #tpu.memory_space<vmem>>
      %dma_start3A_234 = arith.constant 0 : i32
      %dma_start3A_235 = tpu.memref_slice %arg7[%dma_start3A_231, %dma_start3A_234] : memref<8x128xi32, #tpu.memory_space<vmem>> -> memref<1x128xi32, #tpu.memory_space<vmem>>
      %dma_start3A_236 = tpu.memref_squeeze %dma_start3A_235 : memref<1x128xi32, #tpu.memory_space<vmem>> -> memref<128xi32, #tpu.memory_space<vmem>>
      %dma_start3A_237 = arith.constant 0 : i32
      %dma_start3A_238 = tpu.memref_slice %arg9[%dma_start3A_237] : memref<1000064xf32, #tpu.memory_space<vmem_shared>> -> memref<1000064xf32, #tpu.memory_space<vmem_shared>>
      tpu.enqueue_indirect_dma source(%dma_start3A_238 : memref<1000064xf32, #tpu.memory_space<vmem_shared>>) target(%dma_start3A_233 : memref<128xf32, #tpu.memory_space<vmem>>) offsets(%dma_start3A_236 : memref<128xi32, #tpu.memory_space<vmem>>) semaphore(%arg16 : memref<!tpu.dma_semaphore, #tpu.memory_space<semaphore_mem>>)
      %dma_start3A_239 = arith.constant 2 : i32
      %dma_start3A_240 = arith.constant 256 : i32
      %dma_start3A_241 = tpu.memref_slice %arg12[%dma_start3A_240] : memref<1024xf32, #tpu.memory_space<vmem>> -> memref<128xf32, #tpu.memory_space<vmem>>
      %dma_start3A_242 = arith.constant 0 : i32
      %dma_start3A_243 = tpu.memref_slice %arg8[%dma_start3A_239, %dma_start3A_242] : memref<8x128xi32, #tpu.memory_space<vmem>> -> memref<1x128xi32, #tpu.memory_space<vmem>>
      %dma_start3A_244 = tpu.memref_squeeze %dma_start3A_243 : memref<1x128xi32, #tpu.memory_space<vmem>> -> memref<128xi32, #tpu.memory_space<vmem>>
      %dma_start3A_245 = arith.constant 0 : i32
      %dma_start3A_246 = tpu.memref_slice %arg9[%dma_start3A_245] : memref<1000064xf32, #tpu.memory_space<vmem_shared>> -> memref<1000064xf32, #tpu.memory_space<vmem_shared>>
      tpu.enqueue_indirect_dma source(%dma_start3A_246 : memref<1000064xf32, #tpu.memory_space<vmem_shared>>) target(%dma_start3A_241 : memref<128xf32, #tpu.memory_space<vmem>>) offsets(%dma_start3A_244 : memref<128xi32, #tpu.memory_space<vmem>>) semaphore(%arg16 : memref<!tpu.dma_semaphore, #tpu.memory_space<semaphore_mem>>)
      %dma_start3A_247 = arith.constant 3 : i32
      %dma_start3A_248 = arith.constant 384 : i32
      %dma_start3A_249 = tpu.memref_slice %arg11[%dma_start3A_248] : memref<1024xf32, #tpu.memory_space<vmem>> -> memref<128xf32, #tpu.memory_space<vmem>>
      %dma_start3A_250 = arith.constant 0 : i32
      %dma_start3A_251 = tpu.memref_slice %arg7[%dma_start3A_247, %dma_start3A_250] : memref<8x128xi32, #tpu.memory_space<vmem>> -> memref<1x128xi32, #tpu.memory_space<vmem>>
      %dma_start3A_252 = tpu.memref_squeeze %dma_start3A_251 : memref<1x128xi32, #tpu.memory_space<vmem>> -> memref<128xi32, #tpu.memory_space<vmem>>
      %dma_start3A_253 = arith.constant 0 : i32
      %dma_start3A_254 = tpu.memref_slice %arg9[%dma_start3A_253] : memref<1000064xf32, #tpu.memory_space<vmem_shared>> -> memref<1000064xf32, #tpu.memory_space<vmem_shared>>
      tpu.enqueue_indirect_dma source(%dma_start3A_254 : memref<1000064xf32, #tpu.memory_space<vmem_shared>>) target(%dma_start3A_249 : memref<128xf32, #tpu.memory_space<vmem>>) offsets(%dma_start3A_252 : memref<128xi32, #tpu.memory_space<vmem>>) semaphore(%arg16 : memref<!tpu.dma_semaphore, #tpu.memory_space<semaphore_mem>>)
      %dma_start3A_255 = arith.constant 3 : i32
      %dma_start3A_256 = arith.constant 384 : i32
      %dma_start3A_257 = tpu.memref_slice %arg12[%dma_start3A_256] : memref<1024xf32, #tpu.memory_space<vmem>> -> memref<128xf32, #tpu.memory_space<vmem>>
      %dma_start3A_258 = arith.constant 0 : i32
      %dma_start3A_259 = tpu.memref_slice %arg8[%dma_start3A_255, %dma_start3A_258] : memref<8x128xi32, #tpu.memory_space<vmem>> -> memref<1x128xi32, #tpu.memory_space<vmem>>
      %dma_start3A_260 = tpu.memref_squeeze %dma_start3A_259 : memref<1x128xi32, #tpu.memory_space<vmem>> -> memref<128xi32, #tpu.memory_space<vmem>>
      %dma_start3A_261 = arith.constant 0 : i32
      %dma_start3A_262 = tpu.memref_slice %arg9[%dma_start3A_261] : memref<1000064xf32, #tpu.memory_space<vmem_shared>> -> memref<1000064xf32, #tpu.memory_space<vmem_shared>>
      tpu.enqueue_indirect_dma source(%dma_start3A_262 : memref<1000064xf32, #tpu.memory_space<vmem_shared>>) target(%dma_start3A_257 : memref<128xf32, #tpu.memory_space<vmem>>) offsets(%dma_start3A_260 : memref<128xi32, #tpu.memory_space<vmem>>) semaphore(%arg16 : memref<!tpu.dma_semaphore, #tpu.memory_space<semaphore_mem>>)
      %dma_start3A_263 = arith.constant 4 : i32
      %dma_start3A_264 = arith.constant 512 : i32
      %dma_start3A_265 = tpu.memref_slice %arg11[%dma_start3A_264] : memref<1024xf32, #tpu.memory_space<vmem>> -> memref<128xf32, #tpu.memory_space<vmem>>
      %dma_start3A_266 = arith.constant 0 : i32
      %dma_start3A_267 = tpu.memref_slice %arg7[%dma_start3A_263, %dma_start3A_266] : memref<8x128xi32, #tpu.memory_space<vmem>> -> memref<1x128xi32, #tpu.memory_space<vmem>>
      %dma_start3A_268 = tpu.memref_squeeze %dma_start3A_267 : memref<1x128xi32, #tpu.memory_space<vmem>> -> memref<128xi32, #tpu.memory_space<vmem>>
      %dma_start3A_269 = arith.constant 0 : i32
      %dma_start3A_270 = tpu.memref_slice %arg9[%dma_start3A_269] : memref<1000064xf32, #tpu.memory_space<vmem_shared>> -> memref<1000064xf32, #tpu.memory_space<vmem_shared>>
      tpu.enqueue_indirect_dma source(%dma_start3A_270 : memref<1000064xf32, #tpu.memory_space<vmem_shared>>) target(%dma_start3A_265 : memref<128xf32, #tpu.memory_space<vmem>>) offsets(%dma_start3A_268 : memref<128xi32, #tpu.memory_space<vmem>>) semaphore(%arg16 : memref<!tpu.dma_semaphore, #tpu.memory_space<semaphore_mem>>)
      %dma_start3A_271 = arith.constant 4 : i32
      %dma_start3A_272 = arith.constant 512 : i32
      %dma_start3A_273 = tpu.memref_slice %arg12[%dma_start3A_272] : memref<1024xf32, #tpu.memory_space<vmem>> -> memref<128xf32, #tpu.memory_space<vmem>>
      %dma_start3A_274 = arith.constant 0 : i32
      %dma_start3A_275 = tpu.memref_slice %arg8[%dma_start3A_271, %dma_start3A_274] : memref<8x128xi32, #tpu.memory_space<vmem>> -> memref<1x128xi32, #tpu.memory_space<vmem>>
      %dma_start3A_276 = tpu.memref_squeeze %dma_start3A_275 : memref<1x128xi32, #tpu.memory_space<vmem>> -> memref<128xi32, #tpu.memory_space<vmem>>
      %dma_start3A_277 = arith.constant 0 : i32
      %dma_start3A_278 = tpu.memref_slice %arg9[%dma_start3A_277] : memref<1000064xf32, #tpu.memory_space<vmem_shared>> -> memref<1000064xf32, #tpu.memory_space<vmem_shared>>
      tpu.enqueue_indirect_dma source(%dma_start3A_278 : memref<1000064xf32, #tpu.memory_space<vmem_shared>>) target(%dma_start3A_273 : memref<128xf32, #tpu.memory_space<vmem>>) offsets(%dma_start3A_276 : memref<128xi32, #tpu.memory_space<vmem>>) semaphore(%arg16 : memref<!tpu.dma_semaphore, #tpu.memory_space<semaphore_mem>>)
      %dma_start3A_279 = arith.constant 5 : i32
      %dma_start3A_280 = arith.constant 640 : i32
      %dma_start3A_281 = tpu.memref_slice %arg11[%dma_start3A_280] : memref<1024xf32, #tpu.memory_space<vmem>> -> memref<128xf32, #tpu.memory_space<vmem>>
      %dma_start3A_282 = arith.constant 0 : i32
      %dma_start3A_283 = tpu.memref_slice %arg7[%dma_start3A_279, %dma_start3A_282] : memref<8x128xi32, #tpu.memory_space<vmem>> -> memref<1x128xi32, #tpu.memory_space<vmem>>
      %dma_start3A_284 = tpu.memref_squeeze %dma_start3A_283 : memref<1x128xi32, #tpu.memory_space<vmem>> -> memref<128xi32, #tpu.memory_space<vmem>>
      %dma_start3A_285 = arith.constant 0 : i32
      %dma_start3A_286 = tpu.memref_slice %arg9[%dma_start3A_285] : memref<1000064xf32, #tpu.memory_space<vmem_shared>> -> memref<1000064xf32, #tpu.memory_space<vmem_shared>>
      tpu.enqueue_indirect_dma source(%dma_start3A_286 : memref<1000064xf32, #tpu.memory_space<vmem_shared>>) target(%dma_start3A_281 : memref<128xf32, #tpu.memory_space<vmem>>) offsets(%dma_start3A_284 : memref<128xi32, #tpu.memory_space<vmem>>) semaphore(%arg16 : memref<!tpu.dma_semaphore, #tpu.memory_space<semaphore_mem>>)
      %dma_start3A_287 = arith.constant 5 : i32
      %dma_start3A_288 = arith.constant 640 : i32
      %dma_start3A_289 = tpu.memref_slice %arg12[%dma_start3A_288] : memref<1024xf32, #tpu.memory_space<vmem>> -> memref<128xf32, #tpu.memory_space<vmem>>
      %dma_start3A_290 = arith.constant 0 : i32
      %dma_start3A_291 = tpu.memref_slice %arg8[%dma_start3A_287, %dma_start3A_290] : memref<8x128xi32, #tpu.memory_space<vmem>> -> memref<1x128xi32, #tpu.memory_space<vmem>>
      %dma_start3A_292 = tpu.memref_squeeze %dma_start3A_291 : memref<1x128xi32, #tpu.memory_space<vmem>> -> memref<128xi32, #tpu.memory_space<vmem>>
      %dma_start3A_293 = arith.constant 0 : i32
      %dma_start3A_294 = tpu.memref_slice %arg9[%dma_start3A_293] : memref<1000064xf32, #tpu.memory_space<vmem_shared>> -> memref<1000064xf32, #tpu.memory_space<vmem_shared>>
      tpu.enqueue_indirect_dma source(%dma_start3A_294 : memref<1000064xf32, #tpu.memory_space<vmem_shared>>) target(%dma_start3A_289 : memref<128xf32, #tpu.memory_space<vmem>>) offsets(%dma_start3A_292 : memref<128xi32, #tpu.memory_space<vmem>>) semaphore(%arg16 : memref<!tpu.dma_semaphore, #tpu.memory_space<semaphore_mem>>)
      %dma_start3A_295 = arith.constant 6 : i32
      %dma_start3A_296 = arith.constant 768 : i32
      %dma_start3A_297 = tpu.memref_slice %arg11[%dma_start3A_296] : memref<1024xf32, #tpu.memory_space<vmem>> -> memref<128xf32, #tpu.memory_space<vmem>>
      %dma_start3A_298 = arith.constant 0 : i32
      %dma_start3A_299 = tpu.memref_slice %arg7[%dma_start3A_295, %dma_start3A_298] : memref<8x128xi32, #tpu.memory_space<vmem>> -> memref<1x128xi32, #tpu.memory_space<vmem>>
      %dma_start3A_300 = tpu.memref_squeeze %dma_start3A_299 : memref<1x128xi32, #tpu.memory_space<vmem>> -> memref<128xi32, #tpu.memory_space<vmem>>
      %dma_start3A_301 = arith.constant 0 : i32
      %dma_start3A_302 = tpu.memref_slice %arg9[%dma_start3A_301] : memref<1000064xf32, #tpu.memory_space<vmem_shared>> -> memref<1000064xf32, #tpu.memory_space<vmem_shared>>
      tpu.enqueue_indirect_dma source(%dma_start3A_302 : memref<1000064xf32, #tpu.memory_space<vmem_shared>>) target(%dma_start3A_297 : memref<128xf32, #tpu.memory_space<vmem>>) offsets(%dma_start3A_300 : memref<128xi32, #tpu.memory_space<vmem>>) semaphore(%arg16 : memref<!tpu.dma_semaphore, #tpu.memory_space<semaphore_mem>>)
      %dma_start3A_303 = arith.constant 6 : i32
      %dma_start3A_304 = arith.constant 768 : i32
      %dma_start3A_305 = tpu.memref_slice %arg12[%dma_start3A_304] : memref<1024xf32, #tpu.memory_space<vmem>> -> memref<128xf32, #tpu.memory_space<vmem>>
      %dma_start3A_306 = arith.constant 0 : i32
      %dma_start3A_307 = tpu.memref_slice %arg8[%dma_start3A_303, %dma_start3A_306] : memref<8x128xi32, #tpu.memory_space<vmem>> -> memref<1x128xi32, #tpu.memory_space<vmem>>
      %dma_start3A_308 = tpu.memref_squeeze %dma_start3A_307 : memref<1x128xi32, #tpu.memory_space<vmem>> -> memref<128xi32, #tpu.memory_space<vmem>>
      %dma_start3A_309 = arith.constant 0 : i32
      %dma_start3A_310 = tpu.memref_slice %arg9[%dma_start3A_309] : memref<1000064xf32, #tpu.memory_space<vmem_shared>> -> memref<1000064xf32, #tpu.memory_space<vmem_shared>>
      tpu.enqueue_indirect_dma source(%dma_start3A_310 : memref<1000064xf32, #tpu.memory_space<vmem_shared>>) target(%dma_start3A_305 : memref<128xf32, #tpu.memory_space<vmem>>) offsets(%dma_start3A_308 : memref<128xi32, #tpu.memory_space<vmem>>) semaphore(%arg16 : memref<!tpu.dma_semaphore, #tpu.memory_space<semaphore_mem>>)
      %dma_start3A_311 = arith.constant 7 : i32
      %dma_start3A_312 = arith.constant 896 : i32
      %dma_start3A_313 = tpu.memref_slice %arg11[%dma_start3A_312] : memref<1024xf32, #tpu.memory_space<vmem>> -> memref<128xf32, #tpu.memory_space<vmem>>
      %dma_start3A_314 = arith.constant 0 : i32
      %dma_start3A_315 = tpu.memref_slice %arg7[%dma_start3A_311, %dma_start3A_314] : memref<8x128xi32, #tpu.memory_space<vmem>> -> memref<1x128xi32, #tpu.memory_space<vmem>>
      %dma_start3A_316 = tpu.memref_squeeze %dma_start3A_315 : memref<1x128xi32, #tpu.memory_space<vmem>> -> memref<128xi32, #tpu.memory_space<vmem>>
      %dma_start3A_317 = arith.constant 0 : i32
      %dma_start3A_318 = tpu.memref_slice %arg9[%dma_start3A_317] : memref<1000064xf32, #tpu.memory_space<vmem_shared>> -> memref<1000064xf32, #tpu.memory_space<vmem_shared>>
      tpu.enqueue_indirect_dma source(%dma_start3A_318 : memref<1000064xf32, #tpu.memory_space<vmem_shared>>) target(%dma_start3A_313 : memref<128xf32, #tpu.memory_space<vmem>>) offsets(%dma_start3A_316 : memref<128xi32, #tpu.memory_space<vmem>>) semaphore(%arg16 : memref<!tpu.dma_semaphore, #tpu.memory_space<semaphore_mem>>)
      %dma_start3A_319 = arith.constant 7 : i32
      %dma_start3A_320 = arith.constant 896 : i32
      %dma_start3A_321 = tpu.memref_slice %arg12[%dma_start3A_320] : memref<1024xf32, #tpu.memory_space<vmem>> -> memref<128xf32, #tpu.memory_space<vmem>>
      %dma_start3A_322 = arith.constant 0 : i32
      %dma_start3A_323 = tpu.memref_slice %arg8[%dma_start3A_319, %dma_start3A_322] : memref<8x128xi32, #tpu.memory_space<vmem>> -> memref<1x128xi32, #tpu.memory_space<vmem>>
      %dma_start3A_324 = tpu.memref_squeeze %dma_start3A_323 : memref<1x128xi32, #tpu.memory_space<vmem>> -> memref<128xi32, #tpu.memory_space<vmem>>
      %dma_start3A_325 = arith.constant 0 : i32
      %dma_start3A_326 = tpu.memref_slice %arg9[%dma_start3A_325] : memref<1000064xf32, #tpu.memory_space<vmem_shared>> -> memref<1000064xf32, #tpu.memory_space<vmem_shared>>
      tpu.enqueue_indirect_dma source(%dma_start3A_326 : memref<1000064xf32, #tpu.memory_space<vmem_shared>>) target(%dma_start3A_321 : memref<128xf32, #tpu.memory_space<vmem>>) offsets(%dma_start3A_324 : memref<128xi32, #tpu.memory_space<vmem>>) semaphore(%arg16 : memref<!tpu.dma_semaphore, #tpu.memory_space<semaphore_mem>>)
      %dma_wait3A_327 = arith.constant 0 : i32
      %dma_wait3A_328 = arith.constant 0 : i32
      %dma_wait3A_329 = tpu.memref_slice %arg11[%dma_wait3A_328] : memref<1024xf32, #tpu.memory_space<vmem>> -> memref<128xf32, #tpu.memory_space<vmem>>
      %dma_wait3A_330 = arith.constant 0 : i32
      %dma_wait3A_331 = tpu.memref_slice %arg7[%dma_wait3A_327, %dma_wait3A_330] : memref<8x128xi32, #tpu.memory_space<vmem>> -> memref<1x128xi32, #tpu.memory_space<vmem>>
      %dma_wait3A_332 = tpu.memref_squeeze %dma_wait3A_331 : memref<1x128xi32, #tpu.memory_space<vmem>> -> memref<128xi32, #tpu.memory_space<vmem>>
      %dma_wait3A_333 = arith.constant 0 : i32
      %dma_wait3A_334 = tpu.memref_slice %arg9[%dma_wait3A_333] : memref<1000064xf32, #tpu.memory_space<vmem_shared>> -> memref<1000064xf32, #tpu.memory_space<vmem_shared>>
      tpu.wait_indirect_dma semaphore(%arg16 : memref<!tpu.dma_semaphore, #tpu.memory_space<semaphore_mem>>) src(%dma_wait3A_334 : memref<1000064xf32, #tpu.memory_space<vmem_shared>>) dst(%dma_wait3A_329 : memref<128xf32, #tpu.memory_space<vmem>>)
      %dma_wait3A_335 = arith.constant 0 : i32
      %dma_wait3A_336 = arith.constant 0 : i32
      %dma_wait3A_337 = tpu.memref_slice %arg12[%dma_wait3A_336] : memref<1024xf32, #tpu.memory_space<vmem>> -> memref<128xf32, #tpu.memory_space<vmem>>
      %dma_wait3A_338 = arith.constant 0 : i32
      %dma_wait3A_339 = tpu.memref_slice %arg8[%dma_wait3A_335, %dma_wait3A_338] : memref<8x128xi32, #tpu.memory_space<vmem>> -> memref<1x128xi32, #tpu.memory_space<vmem>>
      %dma_wait3A_340 = tpu.memref_squeeze %dma_wait3A_339 : memref<1x128xi32, #tpu.memory_space<vmem>> -> memref<128xi32, #tpu.memory_space<vmem>>
      %dma_wait3A_341 = arith.constant 0 : i32
      %dma_wait3A_342 = tpu.memref_slice %arg9[%dma_wait3A_341] : memref<1000064xf32, #tpu.memory_space<vmem_shared>> -> memref<1000064xf32, #tpu.memory_space<vmem_shared>>
      tpu.wait_indirect_dma semaphore(%arg16 : memref<!tpu.dma_semaphore, #tpu.memory_space<semaphore_mem>>) src(%dma_wait3A_342 : memref<1000064xf32, #tpu.memory_space<vmem_shared>>) dst(%dma_wait3A_337 : memref<128xf32, #tpu.memory_space<vmem>>)
      %get3A = arith.constant 0 : index
      %get3A_343 = tpu.vector_load %arg11[%get3A] {strides = array<i32>} : memref<1024xf32, #tpu.memory_space<vmem>>, vector<16xf32>,
      %get3A_344 = arith.constant 0 : index
      %get3A_345 = tpu.vector_load %arg12[%get3A_344] {strides = array<i32>} : memref<1024xf32, #tpu.memory_space<vmem>>, vector<16xf32>,
      %mul3A_346 = arith.mulf %get3A_343, %get3A_345 : vector<16xf32>
      %swap3A_347 = arith.constant 0 : index
      %swap3A_348 = tpu.vector_load %arg13[%swap3A_347] {strides = array<i32>} : memref<1024xf32, #tpu.memory_space<vmem>>, vector<16xf32>,
      tpu.vector_store %arg13[%swap3A_347], %mul3A_346 {add = true, strides = array<i32>} : memref<1024xf32, #tpu.memory_space<vmem>>, vector<16xf32>,
      %get3A_349 = arith.constant 16 : index
      %get3A_350 = tpu.vector_load %arg11[%get3A_349] {strides = array<i32>} : memref<1024xf32, #tpu.memory_space<vmem>>, vector<16xf32>,
      %get3A_351 = arith.constant 16 : index
      %get3A_352 = tpu.vector_load %arg12[%get3A_351] {strides = array<i32>} : memref<1024xf32, #tpu.memory_space<vmem>>, vector<16xf32>,
      %mul3A_353 = arith.mulf %get3A_350, %get3A_352 : vector<16xf32>
      %swap3A_354 = arith.constant 16 : index
      %swap3A_355 = tpu.vector_load %arg13[%swap3A_354] {strides = array<i32>} : memref<1024xf32, #tpu.memory_space<vmem>>, vector<16xf32>,
      tpu.vector_store %arg13[%swap3A_354], %mul3A_353 {add = true, strides = array<i32>} : memref<1024xf32, #tpu.memory_space<vmem>>, vector<16xf32>,
      %get3A_356 = arith.constant 32 : index
      %get3A_357 = tpu.vector_load %arg11[%get3A_356] {strides = array<i32>} : memref<1024xf32, #tpu.memory_space<vmem>>, vector<16xf32>,
      %get3A_358 = arith.constant 32 : index
      %get3A_359 = tpu.vector_load %arg12[%get3A_358] {strides = array<i32>} : memref<1024xf32, #tpu.memory_space<vmem>>, vector<16xf32>,
      %mul3A_360 = arith.mulf %get3A_357, %get3A_359 : vector<16xf32>
      %swap3A_361 = arith.constant 32 : index
      %swap3A_362 = tpu.vector_load %arg13[%swap3A_361] {strides = array<i32>} : memref<1024xf32, #tpu.memory_space<vmem>>, vector<16xf32>,
      tpu.vector_store %arg13[%swap3A_361], %mul3A_360 {add = true, strides = array<i32>} : memref<1024xf32, #tpu.memory_space<vmem>>, vector<16xf32>,
      %get3A_363 = arith.constant 48 : index
      %get3A_364 = tpu.vector_load %arg11[%get3A_363] {strides = array<i32>} : memref<1024xf32, #tpu.memory_space<vmem>>, vector<16xf32>,
      %get3A_365 = arith.constant 48 : index
      %get3A_366 = tpu.vector_load %arg12[%get3A_365] {strides = array<i32>} : memref<1024xf32, #tpu.memory_space<vmem>>, vector<16xf32>,
      %mul3A_367 = arith.mulf %get3A_364, %get3A_366 : vector<16xf32>
      %swap3A_368 = arith.constant 48 : index
      %swap3A_369 = tpu.vector_load %arg13[%swap3A_368] {strides = array<i32>} : memref<1024xf32, #tpu.memory_space<vmem>>, vector<16xf32>,
      tpu.vector_store %arg13[%swap3A_368], %mul3A_367 {add = true, strides = array<i32>} : memref<1024xf32, #tpu.memory_space<vmem>>, vector<16xf32>,
      %get3A_370 = arith.constant 64 : index
      %get3A_371 = tpu.vector_load %arg11[%get3A_370] {strides = array<i32>} : memref<1024xf32, #tpu.memory_space<vmem>>, vector<16xf32>,
      %get3A_372 = arith.constant 64 : index
      %get3A_373 = tpu.vector_load %arg12[%get3A_372] {strides = array<i32>} : memref<1024xf32, #tpu.memory_space<vmem>>, vector<16xf32>,
      %mul3A_374 = arith.mulf %get3A_371, %get3A_373 : vector<16xf32>
      %swap3A_375 = arith.constant 64 : index
      %swap3A_376 = tpu.vector_load %arg13[%swap3A_375] {strides = array<i32>} : memref<1024xf32, #tpu.memory_space<vmem>>, vector<16xf32>,
      tpu.vector_store %arg13[%swap3A_375], %mul3A_374 {add = true, strides = array<i32>} : memref<1024xf32, #tpu.memory_space<vmem>>, vector<16xf32>,
      %get3A_377 = arith.constant 80 : index
      %get3A_378 = tpu.vector_load %arg11[%get3A_377] {strides = array<i32>} : memref<1024xf32, #tpu.memory_space<vmem>>, vector<16xf32>,
      %get3A_379 = arith.constant 80 : index
      %get3A_380 = tpu.vector_load %arg12[%get3A_379] {strides = array<i32>} : memref<1024xf32, #tpu.memory_space<vmem>>, vector<16xf32>,
      %mul3A_381 = arith.mulf %get3A_378, %get3A_380 : vector<16xf32>
      %swap3A_382 = arith.constant 80 : index
      %swap3A_383 = tpu.vector_load %arg13[%swap3A_382] {strides = array<i32>} : memref<1024xf32, #tpu.memory_space<vmem>>, vector<16xf32>,
      tpu.vector_store %arg13[%swap3A_382], %mul3A_381 {add = true, strides = array<i32>} : memref<1024xf32, #tpu.memory_space<vmem>>, vector<16xf32>,
      %get3A_384 = arith.constant 96 : index
      %get3A_385 = tpu.vector_load %arg11[%get3A_384] {strides = array<i32>} : memref<1024xf32, #tpu.memory_space<vmem>>, vector<16xf32>,
      %get3A_386 = arith.constant 96 : index
      %get3A_387 = tpu.vector_load %arg12[%get3A_386] {strides = array<i32>} : memref<1024xf32, #tpu.memory_space<vmem>>, vector<16xf32>,
      %mul3A_388 = arith.mulf %get3A_385, %get3A_387 : vector<16xf32>
      %swap3A_389 = arith.constant 96 : index
      %swap3A_390 = tpu.vector_load %arg13[%swap3A_389] {strides = array<i32>} : memref<1024xf32, #tpu.memory_space<vmem>>, vector<16xf32>,
      tpu.vector_store %arg13[%swap3A_389], %mul3A_388 {add = true, strides = array<i32>} : memref<1024xf32, #tpu.memory_space<vmem>>, vector<16xf32>,
      %get3A_391 = arith.constant 112 : index
      %get3A_392 = tpu.vector_load %arg11[%get3A_391] {strides = array<i32>} : memref<1024xf32, #tpu.memory_space<vmem>>, vector<16xf32>,
      %get3A_393 = arith.constant 112 : index
      %get3A_394 = tpu.vector_load %arg12[%get3A_393] {strides = array<i32>} : memref<1024xf32, #tpu.memory_space<vmem>>, vector<16xf32>,
      %mul3A_395 = arith.mulf %get3A_392, %get3A_394 : vector<16xf32>
      %swap3A_396 = arith.constant 112 : index
      %swap3A_397 = tpu.vector_load %arg13[%swap3A_396] {strides = array<i32>} : memref<1024xf32, #tpu.memory_space<vmem>>, vector<16xf32>,
      tpu.vector_store %arg13[%swap3A_396], %mul3A_395 {add = true, strides = array<i32>} : memref<1024xf32, #tpu.memory_space<vmem>>, vector<16xf32>,
      %dma_wait3A_398 = arith.constant 1 : i32
      %dma_wait3A_399 = arith.constant 128 : i32
      %dma_wait3A_400 = tpu.memref_slice %arg11[%dma_wait3A_399] : memref<1024xf32, #tpu.memory_space<vmem>> -> memref<128xf32, #tpu.memory_space<vmem>>
      %dma_wait3A_401 = arith.constant 0 : i32
      %dma_wait3A_402 = tpu.memref_slice %arg7[%dma_wait3A_398, %dma_wait3A_401] : memref<8x128xi32, #tpu.memory_space<vmem>> -> memref<1x128xi32, #tpu.memory_space<vmem>>
      %dma_wait3A_403 = tpu.memref_squeeze %dma_wait3A_402 : memref<1x128xi32, #tpu.memory_space<vmem>> -> memref<128xi32, #tpu.memory_space<vmem>>
      %dma_wait3A_404 = arith.constant 0 : i32
      %dma_wait3A_405 = tpu.memref_slice %arg9[%dma_wait3A_404] : memref<1000064xf32, #tpu.memory_space<vmem_shared>> -> memref<1000064xf32, #tpu.memory_space<vmem_shared>>
      tpu.wait_indirect_dma semaphore(%arg16 : memref<!tpu.dma_semaphore, #tpu.memory_space<semaphore_mem>>) src(%dma_wait3A_405 : memref<1000064xf32, #tpu.memory_space<vmem_shared>>) dst(%dma_wait3A_400 : memref<128xf32, #tpu.memory_space<vmem>>)
      %dma_wait3A_406 = arith.constant 1 : i32
      %dma_wait3A_407 = arith.constant 128 : i32
      %dma_wait3A_408 = tpu.memref_slice %arg12[%dma_wait3A_407] : memref<1024xf32, #tpu.memory_space<vmem>> -> memref<128xf32, #tpu.memory_space<vmem>>
      %dma_wait3A_409 = arith.constant 0 : i32
      %dma_wait3A_410 = tpu.memref_slice %arg8[%dma_wait3A_406, %dma_wait3A_409] : memref<8x128xi32, #tpu.memory_space<vmem>> -> memref<1x128xi32, #tpu.memory_space<vmem>>
      %dma_wait3A_411 = tpu.memref_squeeze %dma_wait3A_410 : memref<1x128xi32, #tpu.memory_space<vmem>> -> memref<128xi32, #tpu.memory_space<vmem>>
      %dma_wait3A_412 = arith.constant 0 : i32
      %dma_wait3A_413 = tpu.memref_slice %arg9[%dma_wait3A_412] : memref<1000064xf32, #tpu.memory_space<vmem_shared>> -> memref<1000064xf32, #tpu.memory_space<vmem_shared>>
      tpu.wait_indirect_dma semaphore(%arg16 : memref<!tpu.dma_semaphore, #tpu.memory_space<semaphore_mem>>) src(%dma_wait3A_413 : memref<1000064xf32, #tpu.memory_space<vmem_shared>>) dst(%dma_wait3A_408 : memref<128xf32, #tpu.memory_space<vmem>>)
      %get3A_414 = arith.constant 128 : index
      %get3A_415 = tpu.vector_load %arg11[%get3A_414] {strides = array<i32>} : memref<1024xf32, #tpu.memory_space<vmem>>, vector<16xf32>,
      %get3A_416 = arith.constant 128 : index
      %get3A_417 = tpu.vector_load %arg12[%get3A_416] {strides = array<i32>} : memref<1024xf32, #tpu.memory_space<vmem>>, vector<16xf32>,
      %mul3A_418 = arith.mulf %get3A_415, %get3A_417 : vector<16xf32>
      %swap3A_419 = arith.constant 128 : index
      %swap3A_420 = tpu.vector_load %arg13[%swap3A_419] {strides = array<i32>} : memref<1024xf32, #tpu.memory_space<vmem>>, vector<16xf32>,
      tpu.vector_store %arg13[%swap3A_419], %mul3A_418 {add = true, strides = array<i32>} : memref<1024xf32, #tpu.memory_space<vmem>>, vector<16xf32>,
      %get3A_421 = arith.constant 144 : index
      %get3A_422 = tpu.vector_load %arg11[%get3A_421] {strides = array<i32>} : memref<1024xf32, #tpu.memory_space<vmem>>, vector<16xf32>,
      %get3A_423 = arith.constant 144 : index
      %get3A_424 = tpu.vector_load %arg12[%get3A_423] {strides = array<i32>} : memref<1024xf32, #tpu.memory_space<vmem>>, vector<16xf32>,
      %mul3A_425 = arith.mulf %get3A_422, %get3A_424 : vector<16xf32>
      %swap3A_426 = arith.constant 144 : index
      %swap3A_427 = tpu.vector_load %arg13[%swap3A_426] {strides = array<i32>} : memref<1024xf32, #tpu.memory_space<vmem>>, vector<16xf32>,
      tpu.vector_store %arg13[%swap3A_426], %mul3A_425 {add = true, strides = array<i32>} : memref<1024xf32, #tpu.memory_space<vmem>>, vector<16xf32>,
      %get3A_428 = arith.constant 160 : index
      %get3A_429 = tpu.vector_load %arg11[%get3A_428] {strides = array<i32>} : memref<1024xf32, #tpu.memory_space<vmem>>, vector<16xf32>,
      %get3A_430 = arith.constant 160 : index
      %get3A_431 = tpu.vector_load %arg12[%get3A_430] {strides = array<i32>} : memref<1024xf32, #tpu.memory_space<vmem>>, vector<16xf32>,
      %mul3A_432 = arith.mulf %get3A_429, %get3A_431 : vector<16xf32>
      %swap3A_433 = arith.constant 160 : index
      %swap3A_434 = tpu.vector_load %arg13[%swap3A_433] {strides = array<i32>} : memref<1024xf32, #tpu.memory_space<vmem>>, vector<16xf32>,
      tpu.vector_store %arg13[%swap3A_433], %mul3A_432 {add = true, strides = array<i32>} : memref<1024xf32, #tpu.memory_space<vmem>>, vector<16xf32>,
      %get3A_435 = arith.constant 176 : index
      %get3A_436 = tpu.vector_load %arg11[%get3A_435] {strides = array<i32>} : memref<1024xf32, #tpu.memory_space<vmem>>, vector<16xf32>,
      %get3A_437 = arith.constant 176 : index
      %get3A_438 = tpu.vector_load %arg12[%get3A_437] {strides = array<i32>} : memref<1024xf32, #tpu.memory_space<vmem>>, vector<16xf32>,
      %mul3A_439 = arith.mulf %get3A_436, %get3A_438 : vector<16xf32>
      %swap3A_440 = arith.constant 176 : index
      %swap3A_441 = tpu.vector_load %arg13[%swap3A_440] {strides = array<i32>} : memref<1024xf32, #tpu.memory_space<vmem>>, vector<16xf32>,
      tpu.vector_store %arg13[%swap3A_440], %mul3A_439 {add = true, strides = array<i32>} : memref<1024xf32, #tpu.memory_space<vmem>>, vector<16xf32>,
      %get3A_442 = arith.constant 192 : index
      %get3A_443 = tpu.vector_load %arg11[%get3A_442] {strides = array<i32>} : memref<1024xf32, #tpu.memory_space<vmem>>, vector<16xf32>,
      %get3A_444 = arith.constant 192 : index
      %get3A_445 = tpu.vector_load %arg12[%get3A_444] {strides = array<i32>} : memref<1024xf32, #tpu.memory_space<vmem>>, vector<16xf32>,
      %mul3A_446 = arith.mulf %get3A_443, %get3A_445 : vector<16xf32>
      %swap3A_447 = arith.constant 192 : index
      %swap3A_448 = tpu.vector_load %arg13[%swap3A_447] {strides = array<i32>} : memref<1024xf32, #tpu.memory_space<vmem>>, vector<16xf32>,
      tpu.vector_store %arg13[%swap3A_447], %mul3A_446 {add = true, strides = array<i32>} : memref<1024xf32, #tpu.memory_space<vmem>>, vector<16xf32>,
      %get3A_449 = arith.constant 208 : index
      %get3A_450 = tpu.vector_load %arg11[%get3A_449] {strides = array<i32>} : memref<1024xf32, #tpu.memory_space<vmem>>, vector<16xf32>,
      %get3A_451 = arith.constant 208 : index
      %get3A_452 = tpu.vector_load %arg12[%get3A_451] {strides = array<i32>} : memref<1024xf32, #tpu.memory_space<vmem>>, vector<16xf32>,
      %mul3A_453 = arith.mulf %get3A_450, %get3A_452 : vector<16xf32>
      %swap3A_454 = arith.constant 208 : index
      %swap3A_455 = tpu.vector_load %arg13[%swap3A_454] {strides = array<i32>} : memref<1024xf32, #tpu.memory_space<vmem>>, vector<16xf32>,
      tpu.vector_store %arg13[%swap3A_454], %mul3A_453 {add = true, strides = array<i32>} : memref<1024xf32, #tpu.memory_space<vmem>>, vector<16xf32>,
      %get3A_456 = arith.constant 224 : index
      %get3A_457 = tpu.vector_load %arg11[%get3A_456] {strides = array<i32>} : memref<1024xf32, #tpu.memory_space<vmem>>, vector<16xf32>,
      %get3A_458 = arith.constant 224 : index
      %get3A_459 = tpu.vector_load %arg12[%get3A_458] {strides = array<i32>} : memref<1024xf32, #tpu.memory_space<vmem>>, vector<16xf32>,
      %mul3A_460 = arith.mulf %get3A_457, %get3A_459 : vector<16xf32>
      %swap3A_461 = arith.constant 224 : index
      %swap3A_462 = tpu.vector_load %arg13[%swap3A_461] {strides = array<i32>} : memref<1024xf32, #tpu.memory_space<vmem>>, vector<16xf32>,
      tpu.vector_store %arg13[%swap3A_461], %mul3A_460 {add = true, strides = array<i32>} : memref<1024xf32, #tpu.memory_space<vmem>>, vector<16xf32>,
      %get3A_463 = arith.constant 240 : index
      %get3A_464 = tpu.vector_load %arg11[%get3A_463] {strides = array<i32>} : memref<1024xf32, #tpu.memory_space<vmem>>, vector<16xf32>,
      %get3A_465 = arith.constant 240 : index
      %get3A_466 = tpu.vector_load %arg12[%get3A_465] {strides = array<i32>} : memref<1024xf32, #tpu.memory_space<vmem>>, vector<16xf32>,
      %mul3A_467 = arith.mulf %get3A_464, %get3A_466 : vector<16xf32>
      %swap3A_468 = arith.constant 240 : index
      %swap3A_469 = tpu.vector_load %arg13[%swap3A_468] {strides = array<i32>} : memref<1024xf32, #tpu.memory_space<vmem>>, vector<16xf32>,
      tpu.vector_store %arg13[%swap3A_468], %mul3A_467 {add = true, strides = array<i32>} : memref<1024xf32, #tpu.memory_space<vmem>>, vector<16xf32>,
      %dma_wait3A_470 = arith.constant 2 : i32
      %dma_wait3A_471 = arith.constant 256 : i32
      %dma_wait3A_472 = tpu.memref_slice %arg11[%dma_wait3A_471] : memref<1024xf32, #tpu.memory_space<vmem>> -> memref<128xf32, #tpu.memory_space<vmem>>
      %dma_wait3A_473 = arith.constant 0 : i32
      %dma_wait3A_474 = tpu.memref_slice %arg7[%dma_wait3A_470, %dma_wait3A_473] : memref<8x128xi32, #tpu.memory_space<vmem>> -> memref<1x128xi32, #tpu.memory_space<vmem>>
      %dma_wait3A_475 = tpu.memref_squeeze %dma_wait3A_474 : memref<1x128xi32, #tpu.memory_space<vmem>> -> memref<128xi32, #tpu.memory_space<vmem>>
      %dma_wait3A_476 = arith.constant 0 : i32
      %dma_wait3A_477 = tpu.memref_slice %arg9[%dma_wait3A_476] : memref<1000064xf32, #tpu.memory_space<vmem_shared>> -> memref<1000064xf32, #tpu.memory_space<vmem_shared>>
      tpu.wait_indirect_dma semaphore(%arg16 : memref<!tpu.dma_semaphore, #tpu.memory_space<semaphore_mem>>) src(%dma_wait3A_477 : memref<1000064xf32, #tpu.memory_space<vmem_shared>>) dst(%dma_wait3A_472 : memref<128xf32, #tpu.memory_space<vmem>>)
      %dma_wait3A_478 = arith.constant 2 : i32
      %dma_wait3A_479 = arith.constant 256 : i32
      %dma_wait3A_480 = tpu.memref_slice %arg12[%dma_wait3A_479] : memref<1024xf32, #tpu.memory_space<vmem>> -> memref<128xf32, #tpu.memory_space<vmem>>
      %dma_wait3A_481 = arith.constant 0 : i32
      %dma_wait3A_482 = tpu.memref_slice %arg8[%dma_wait3A_478, %dma_wait3A_481] : memref<8x128xi32, #tpu.memory_space<vmem>> -> memref<1x128xi32, #tpu.memory_space<vmem>>
      %dma_wait3A_483 = tpu.memref_squeeze %dma_wait3A_482 : memref<1x128xi32, #tpu.memory_space<vmem>> -> memref<128xi32, #tpu.memory_space<vmem>>
      %dma_wait3A_484 = arith.constant 0 : i32
      %dma_wait3A_485 = tpu.memref_slice %arg9[%dma_wait3A_484] : memref<1000064xf32, #tpu.memory_space<vmem_shared>> -> memref<1000064xf32, #tpu.memory_space<vmem_shared>>
      tpu.wait_indirect_dma semaphore(%arg16 : memref<!tpu.dma_semaphore, #tpu.memory_space<semaphore_mem>>) src(%dma_wait3A_485 : memref<1000064xf32, #tpu.memory_space<vmem_shared>>) dst(%dma_wait3A_480 : memref<128xf32, #tpu.memory_space<vmem>>)
      %get3A_486 = arith.constant 256 : index
      %get3A_487 = tpu.vector_load %arg11[%get3A_486] {strides = array<i32>} : memref<1024xf32, #tpu.memory_space<vmem>>, vector<16xf32>,
      %get3A_488 = arith.constant 256 : index
      %get3A_489 = tpu.vector_load %arg12[%get3A_488] {strides = array<i32>} : memref<1024xf32, #tpu.memory_space<vmem>>, vector<16xf32>,
      %mul3A_490 = arith.mulf %get3A_487, %get3A_489 : vector<16xf32>
      %swap3A_491 = arith.constant 256 : index
      %swap3A_492 = tpu.vector_load %arg13[%swap3A_491] {strides = array<i32>} : memref<1024xf32, #tpu.memory_space<vmem>>, vector<16xf32>,
      tpu.vector_store %arg13[%swap3A_491], %mul3A_490 {add = true, strides = array<i32>} : memref<1024xf32, #tpu.memory_space<vmem>>, vector<16xf32>,
      %get3A_493 = arith.constant 272 : index
      %get3A_494 = tpu.vector_load %arg11[%get3A_493] {strides = array<i32>} : memref<1024xf32, #tpu.memory_space<vmem>>, vector<16xf32>,
      %get3A_495 = arith.constant 272 : index
      %get3A_496 = tpu.vector_load %arg12[%get3A_495] {strides = array<i32>} : memref<1024xf32, #tpu.memory_space<vmem>>, vector<16xf32>,
      %mul3A_497 = arith.mulf %get3A_494, %get3A_496 : vector<16xf32>
      %swap3A_498 = arith.constant 272 : index
      %swap3A_499 = tpu.vector_load %arg13[%swap3A_498] {strides = array<i32>} : memref<1024xf32, #tpu.memory_space<vmem>>, vector<16xf32>,
      tpu.vector_store %arg13[%swap3A_498], %mul3A_497 {add = true, strides = array<i32>} : memref<1024xf32, #tpu.memory_space<vmem>>, vector<16xf32>,
      %get3A_500 = arith.constant 288 : index
      %get3A_501 = tpu.vector_load %arg11[%get3A_500] {strides = array<i32>} : memref<1024xf32, #tpu.memory_space<vmem>>, vector<16xf32>,
      %get3A_502 = arith.constant 288 : index
      %get3A_503 = tpu.vector_load %arg12[%get3A_502] {strides = array<i32>} : memref<1024xf32, #tpu.memory_space<vmem>>, vector<16xf32>,
      %mul3A_504 = arith.mulf %get3A_501, %get3A_503 : vector<16xf32>
      %swap3A_505 = arith.constant 288 : index
      %swap3A_506 = tpu.vector_load %arg13[%swap3A_505] {strides = array<i32>} : memref<1024xf32, #tpu.memory_space<vmem>>, vector<16xf32>,
      tpu.vector_store %arg13[%swap3A_505], %mul3A_504 {add = true, strides = array<i32>} : memref<1024xf32, #tpu.memory_space<vmem>>, vector<16xf32>,
      %get3A_507 = arith.constant 304 : index
      %get3A_508 = tpu.vector_load %arg11[%get3A_507] {strides = array<i32>} : memref<1024xf32, #tpu.memory_space<vmem>>, vector<16xf32>,
      %get3A_509 = arith.constant 304 : index
      %get3A_510 = tpu.vector_load %arg12[%get3A_509] {strides = array<i32>} : memref<1024xf32, #tpu.memory_space<vmem>>, vector<16xf32>,
      %mul3A_511 = arith.mulf %get3A_508, %get3A_510 : vector<16xf32>
      %swap3A_512 = arith.constant 304 : index
      %swap3A_513 = tpu.vector_load %arg13[%swap3A_512] {strides = array<i32>} : memref<1024xf32, #tpu.memory_space<vmem>>, vector<16xf32>,
      tpu.vector_store %arg13[%swap3A_512], %mul3A_511 {add = true, strides = array<i32>} : memref<1024xf32, #tpu.memory_space<vmem>>, vector<16xf32>,
      %get3A_514 = arith.constant 320 : index
      %get3A_515 = tpu.vector_load %arg11[%get3A_514] {strides = array<i32>} : memref<1024xf32, #tpu.memory_space<vmem>>, vector<16xf32>,
      %get3A_516 = arith.constant 320 : index
      %get3A_517 = tpu.vector_load %arg12[%get3A_516] {strides = array<i32>} : memref<1024xf32, #tpu.memory_space<vmem>>, vector<16xf32>,
      %mul3A_518 = arith.mulf %get3A_515, %get3A_517 : vector<16xf32>
      %swap3A_519 = arith.constant 320 : index
      %swap3A_520 = tpu.vector_load %arg13[%swap3A_519] {strides = array<i32>} : memref<1024xf32, #tpu.memory_space<vmem>>, vector<16xf32>,
      tpu.vector_store %arg13[%swap3A_519], %mul3A_518 {add = true, strides = array<i32>} : memref<1024xf32, #tpu.memory_space<vmem>>, vector<16xf32>,
      %get3A_521 = arith.constant 336 : index
      %get3A_522 = tpu.vector_load %arg11[%get3A_521] {strides = array<i32>} : memref<1024xf32, #tpu.memory_space<vmem>>, vector<16xf32>,
      %get3A_523 = arith.constant 336 : index
      %get3A_524 = tpu.vector_load %arg12[%get3A_523] {strides = array<i32>} : memref<1024xf32, #tpu.memory_space<vmem>>, vector<16xf32>,
      %mul3A_525 = arith.mulf %get3A_522, %get3A_524 : vector<16xf32>
      %swap3A_526 = arith.constant 336 : index
      %swap3A_527 = tpu.vector_load %arg13[%swap3A_526] {strides = array<i32>} : memref<1024xf32, #tpu.memory_space<vmem>>, vector<16xf32>,
      tpu.vector_store %arg13[%swap3A_526], %mul3A_525 {add = true, strides = array<i32>} : memref<1024xf32, #tpu.memory_space<vmem>>, vector<16xf32>,
      %get3A_528 = arith.constant 352 : index
      %get3A_529 = tpu.vector_load %arg11[%get3A_528] {strides = array<i32>} : memref<1024xf32, #tpu.memory_space<vmem>>, vector<16xf32>,
      %get3A_530 = arith.constant 352 : index
      %get3A_531 = tpu.vector_load %arg12[%get3A_530] {strides = array<i32>} : memref<1024xf32, #tpu.memory_space<vmem>>, vector<16xf32>,
      %mul3A_532 = arith.mulf %get3A_529, %get3A_531 : vector<16xf32>
      %swap3A_533 = arith.constant 352 : index
      %swap3A_534 = tpu.vector_load %arg13[%swap3A_533] {strides = array<i32>} : memref<1024xf32, #tpu.memory_space<vmem>>, vector<16xf32>,
      tpu.vector_store %arg13[%swap3A_533], %mul3A_532 {add = true, strides = array<i32>} : memref<1024xf32, #tpu.memory_space<vmem>>, vector<16xf32>,
      %get3A_535 = arith.constant 368 : index
      %get3A_536 = tpu.vector_load %arg11[%get3A_535] {strides = array<i32>} : memref<1024xf32, #tpu.memory_space<vmem>>, vector<16xf32>,
      %get3A_537 = arith.constant 368 : index
      %get3A_538 = tpu.vector_load %arg12[%get3A_537] {strides = array<i32>} : memref<1024xf32, #tpu.memory_space<vmem>>, vector<16xf32>,
      %mul3A_539 = arith.mulf %get3A_536, %get3A_538 : vector<16xf32>
      %swap3A_540 = arith.constant 368 : index
      %swap3A_541 = tpu.vector_load %arg13[%swap3A_540] {strides = array<i32>} : memref<1024xf32, #tpu.memory_space<vmem>>, vector<16xf32>,
      tpu.vector_store %arg13[%swap3A_540], %mul3A_539 {add = true, strides = array<i32>} : memref<1024xf32, #tpu.memory_space<vmem>>, vector<16xf32>,
      %dma_wait3A_542 = arith.constant 3 : i32
      %dma_wait3A_543 = arith.constant 384 : i32
      %dma_wait3A_544 = tpu.memref_slice %arg11[%dma_wait3A_543] : memref<1024xf32, #tpu.memory_space<vmem>> -> memref<128xf32, #tpu.memory_space<vmem>>
      %dma_wait3A_545 = arith.constant 0 : i32
      %dma_wait3A_546 = tpu.memref_slice %arg7[%dma_wait3A_542, %dma_wait3A_545] : memref<8x128xi32, #tpu.memory_space<vmem>> -> memref<1x128xi32, #tpu.memory_space<vmem>>
      %dma_wait3A_547 = tpu.memref_squeeze %dma_wait3A_546 : memref<1x128xi32, #tpu.memory_space<vmem>> -> memref<128xi32, #tpu.memory_space<vmem>>
      %dma_wait3A_548 = arith.constant 0 : i32
      %dma_wait3A_549 = tpu.memref_slice %arg9[%dma_wait3A_548] : memref<1000064xf32, #tpu.memory_space<vmem_shared>> -> memref<1000064xf32, #tpu.memory_space<vmem_shared>>
      tpu.wait_indirect_dma semaphore(%arg16 : memref<!tpu.dma_semaphore, #tpu.memory_space<semaphore_mem>>) src(%dma_wait3A_549 : memref<1000064xf32, #tpu.memory_space<vmem_shared>>) dst(%dma_wait3A_544 : memref<128xf32, #tpu.memory_space<vmem>>)
      %dma_wait3A_550 = arith.constant 3 : i32
      %dma_wait3A_551 = arith.constant 384 : i32
      %dma_wait3A_552 = tpu.memref_slice %arg12[%dma_wait3A_551] : memref<1024xf32, #tpu.memory_space<vmem>> -> memref<128xf32, #tpu.memory_space<vmem>>
      %dma_wait3A_553 = arith.constant 0 : i32
      %dma_wait3A_554 = tpu.memref_slice %arg8[%dma_wait3A_550, %dma_wait3A_553] : memref<8x128xi32, #tpu.memory_space<vmem>> -> memref<1x128xi32, #tpu.memory_space<vmem>>
      %dma_wait3A_555 = tpu.memref_squeeze %dma_wait3A_554 : memref<1x128xi32, #tpu.memory_space<vmem>> -> memref<128xi32, #tpu.memory_space<vmem>>
      %dma_wait3A_556 = arith.constant 0 : i32
      %dma_wait3A_557 = tpu.memref_slice %arg9[%dma_wait3A_556] : memref<1000064xf32, #tpu.memory_space<vmem_shared>> -> memref<1000064xf32, #tpu.memory_space<vmem_shared>>
      tpu.wait_indirect_dma semaphore(%arg16 : memref<!tpu.dma_semaphore, #tpu.memory_space<semaphore_mem>>) src(%dma_wait3A_557 : memref<1000064xf32, #tpu.memory_space<vmem_shared>>) dst(%dma_wait3A_552 : memref<128xf32, #tpu.memory_space<vmem>>)
      %get3A_558 = arith.constant 384 : index
      %get3A_559 = tpu.vector_load %arg11[%get3A_558] {strides = array<i32>} : memref<1024xf32, #tpu.memory_space<vmem>>, vector<16xf32>,
      %get3A_560 = arith.constant 384 : index
      %get3A_561 = tpu.vector_load %arg12[%get3A_560] {strides = array<i32>} : memref<1024xf32, #tpu.memory_space<vmem>>, vector<16xf32>,
      %mul3A_562 = arith.mulf %get3A_559, %get3A_561 : vector<16xf32>
      %swap3A_563 = arith.constant 384 : index
      %swap3A_564 = tpu.vector_load %arg13[%swap3A_563] {strides = array<i32>} : memref<1024xf32, #tpu.memory_space<vmem>>, vector<16xf32>,
      tpu.vector_store %arg13[%swap3A_563], %mul3A_562 {add = true, strides = array<i32>} : memref<1024xf32, #tpu.memory_space<vmem>>, vector<16xf32>,
      %get3A_565 = arith.constant 400 : index
      %get3A_566 = tpu.vector_load %arg11[%get3A_565] {strides = array<i32>} : memref<1024xf32, #tpu.memory_space<vmem>>, vector<16xf32>,
      %get3A_567 = arith.constant 400 : index
      %get3A_568 = tpu.vector_load %arg12[%get3A_567] {strides = array<i32>} : memref<1024xf32, #tpu.memory_space<vmem>>, vector<16xf32>,
      %mul3A_569 = arith.mulf %get3A_566, %get3A_568 : vector<16xf32>
      %swap3A_570 = arith.constant 400 : index
      %swap3A_571 = tpu.vector_load %arg13[%swap3A_570] {strides = array<i32>} : memref<1024xf32, #tpu.memory_space<vmem>>, vector<16xf32>,
      tpu.vector_store %arg13[%swap3A_570], %mul3A_569 {add = true, strides = array<i32>} : memref<1024xf32, #tpu.memory_space<vmem>>, vector<16xf32>,
      %get3A_572 = arith.constant 416 : index
      %get3A_573 = tpu.vector_load %arg11[%get3A_572] {strides = array<i32>} : memref<1024xf32, #tpu.memory_space<vmem>>, vector<16xf32>,
      %get3A_574 = arith.constant 416 : index
      %get3A_575 = tpu.vector_load %arg12[%get3A_574] {strides = array<i32>} : memref<1024xf32, #tpu.memory_space<vmem>>, vector<16xf32>,
      %mul3A_576 = arith.mulf %get3A_573, %get3A_575 : vector<16xf32>
      %swap3A_577 = arith.constant 416 : index
      %swap3A_578 = tpu.vector_load %arg13[%swap3A_577] {strides = array<i32>} : memref<1024xf32, #tpu.memory_space<vmem>>, vector<16xf32>,
      tpu.vector_store %arg13[%swap3A_577], %mul3A_576 {add = true, strides = array<i32>} : memref<1024xf32, #tpu.memory_space<vmem>>, vector<16xf32>,
      %get3A_579 = arith.constant 432 : index
      %get3A_580 = tpu.vector_load %arg11[%get3A_579] {strides = array<i32>} : memref<1024xf32, #tpu.memory_space<vmem>>, vector<16xf32>,
      %get3A_581 = arith.constant 432 : index
      %get3A_582 = tpu.vector_load %arg12[%get3A_581] {strides = array<i32>} : memref<1024xf32, #tpu.memory_space<vmem>>, vector<16xf32>,
      %mul3A_583 = arith.mulf %get3A_580, %get3A_582 : vector<16xf32>
      %swap3A_584 = arith.constant 432 : index
      %swap3A_585 = tpu.vector_load %arg13[%swap3A_584] {strides = array<i32>} : memref<1024xf32, #tpu.memory_space<vmem>>, vector<16xf32>,
      tpu.vector_store %arg13[%swap3A_584], %mul3A_583 {add = true, strides = array<i32>} : memref<1024xf32, #tpu.memory_space<vmem>>, vector<16xf32>,
      %get3A_586 = arith.constant 448 : index
      %get3A_587 = tpu.vector_load %arg11[%get3A_586] {strides = array<i32>} : memref<1024xf32, #tpu.memory_space<vmem>>, vector<16xf32>,
      %get3A_588 = arith.constant 448 : index
      %get3A_589 = tpu.vector_load %arg12[%get3A_588] {strides = array<i32>} : memref<1024xf32, #tpu.memory_space<vmem>>, vector<16xf32>,
      %mul3A_590 = arith.mulf %get3A_587, %get3A_589 : vector<16xf32>
      %swap3A_591 = arith.constant 448 : index
      %swap3A_592 = tpu.vector_load %arg13[%swap3A_591] {strides = array<i32>} : memref<1024xf32, #tpu.memory_space<vmem>>, vector<16xf32>,
      tpu.vector_store %arg13[%swap3A_591], %mul3A_590 {add = true, strides = array<i32>} : memref<1024xf32, #tpu.memory_space<vmem>>, vector<16xf32>,
      %get3A_593 = arith.constant 464 : index
      %get3A_594 = tpu.vector_load %arg11[%get3A_593] {strides = array<i32>} : memref<1024xf32, #tpu.memory_space<vmem>>, vector<16xf32>,
      %get3A_595 = arith.constant 464 : index
      %get3A_596 = tpu.vector_load %arg12[%get3A_595] {strides = array<i32>} : memref<1024xf32, #tpu.memory_space<vmem>>, vector<16xf32>,
      %mul3A_597 = arith.mulf %get3A_594, %get3A_596 : vector<16xf32>
      %swap3A_598 = arith.constant 464 : index
      %swap3A_599 = tpu.vector_load %arg13[%swap3A_598] {strides = array<i32>} : memref<1024xf32, #tpu.memory_space<vmem>>, vector<16xf32>,
      tpu.vector_store %arg13[%swap3A_598], %mul3A_597 {add = true, strides = array<i32>} : memref<1024xf32, #tpu.memory_space<vmem>>, vector<16xf32>,
      %get3A_600 = arith.constant 480 : index
      %get3A_601 = tpu.vector_load %arg11[%get3A_600] {strides = array<i32>} : memref<1024xf32, #tpu.memory_space<vmem>>, vector<16xf32>,
      %get3A_602 = arith.constant 480 : index
      %get3A_603 = tpu.vector_load %arg12[%get3A_602] {strides = array<i32>} : memref<1024xf32, #tpu.memory_space<vmem>>, vector<16xf32>,
      %mul3A_604 = arith.mulf %get3A_601, %get3A_603 : vector<16xf32>
      %swap3A_605 = arith.constant 480 : index
      %swap3A_606 = tpu.vector_load %arg13[%swap3A_605] {strides = array<i32>} : memref<1024xf32, #tpu.memory_space<vmem>>, vector<16xf32>,
      tpu.vector_store %arg13[%swap3A_605], %mul3A_604 {add = true, strides = array<i32>} : memref<1024xf32, #tpu.memory_space<vmem>>, vector<16xf32>,
      %get3A_607 = arith.constant 496 : index
      %get3A_608 = tpu.vector_load %arg11[%get3A_607] {strides = array<i32>} : memref<1024xf32, #tpu.memory_space<vmem>>, vector<16xf32>,
      %get3A_609 = arith.constant 496 : index
      %get3A_610 = tpu.vector_load %arg12[%get3A_609] {strides = array<i32>} : memref<1024xf32, #tpu.memory_space<vmem>>, vector<16xf32>,
      %mul3A_611 = arith.mulf %get3A_608, %get3A_610 : vector<16xf32>
      %swap3A_612 = arith.constant 496 : index
      %swap3A_613 = tpu.vector_load %arg13[%swap3A_612] {strides = array<i32>} : memref<1024xf32, #tpu.memory_space<vmem>>, vector<16xf32>,
      tpu.vector_store %arg13[%swap3A_612], %mul3A_611 {add = true, strides = array<i32>} : memref<1024xf32, #tpu.memory_space<vmem>>, vector<16xf32>,
      %dma_wait3A_614 = arith.constant 4 : i32
      %dma_wait3A_615 = arith.constant 512 : i32
      %dma_wait3A_616 = tpu.memref_slice %arg11[%dma_wait3A_615] : memref<1024xf32, #tpu.memory_space<vmem>> -> memref<128xf32, #tpu.memory_space<vmem>>
      %dma_wait3A_617 = arith.constant 0 : i32
      %dma_wait3A_618 = tpu.memref_slice %arg7[%dma_wait3A_614, %dma_wait3A_617] : memref<8x128xi32, #tpu.memory_space<vmem>> -> memref<1x128xi32, #tpu.memory_space<vmem>>
      %dma_wait3A_619 = tpu.memref_squeeze %dma_wait3A_618 : memref<1x128xi32, #tpu.memory_space<vmem>> -> memref<128xi32, #tpu.memory_space<vmem>>
      %dma_wait3A_620 = arith.constant 0 : i32
      %dma_wait3A_621 = tpu.memref_slice %arg9[%dma_wait3A_620] : memref<1000064xf32, #tpu.memory_space<vmem_shared>> -> memref<1000064xf32, #tpu.memory_space<vmem_shared>>
      tpu.wait_indirect_dma semaphore(%arg16 : memref<!tpu.dma_semaphore, #tpu.memory_space<semaphore_mem>>) src(%dma_wait3A_621 : memref<1000064xf32, #tpu.memory_space<vmem_shared>>) dst(%dma_wait3A_616 : memref<128xf32, #tpu.memory_space<vmem>>)
      %dma_wait3A_622 = arith.constant 4 : i32
      %dma_wait3A_623 = arith.constant 512 : i32
      %dma_wait3A_624 = tpu.memref_slice %arg12[%dma_wait3A_623] : memref<1024xf32, #tpu.memory_space<vmem>> -> memref<128xf32, #tpu.memory_space<vmem>>
      %dma_wait3A_625 = arith.constant 0 : i32
      %dma_wait3A_626 = tpu.memref_slice %arg8[%dma_wait3A_622, %dma_wait3A_625] : memref<8x128xi32, #tpu.memory_space<vmem>> -> memref<1x128xi32, #tpu.memory_space<vmem>>
      %dma_wait3A_627 = tpu.memref_squeeze %dma_wait3A_626 : memref<1x128xi32, #tpu.memory_space<vmem>> -> memref<128xi32, #tpu.memory_space<vmem>>
      %dma_wait3A_628 = arith.constant 0 : i32
      %dma_wait3A_629 = tpu.memref_slice %arg9[%dma_wait3A_628] : memref<1000064xf32, #tpu.memory_space<vmem_shared>> -> memref<1000064xf32, #tpu.memory_space<vmem_shared>>
      tpu.wait_indirect_dma semaphore(%arg16 : memref<!tpu.dma_semaphore, #tpu.memory_space<semaphore_mem>>) src(%dma_wait3A_629 : memref<1000064xf32, #tpu.memory_space<vmem_shared>>) dst(%dma_wait3A_624 : memref<128xf32, #tpu.memory_space<vmem>>)
      %get3A_630 = arith.constant 512 : index
      %get3A_631 = tpu.vector_load %arg11[%get3A_630] {strides = array<i32>} : memref<1024xf32, #tpu.memory_space<vmem>>, vector<16xf32>,
      %get3A_632 = arith.constant 512 : index
      %get3A_633 = tpu.vector_load %arg12[%get3A_632] {strides = array<i32>} : memref<1024xf32, #tpu.memory_space<vmem>>, vector<16xf32>,
      %mul3A_634 = arith.mulf %get3A_631, %get3A_633 : vector<16xf32>
      %swap3A_635 = arith.constant 512 : index
      %swap3A_636 = tpu.vector_load %arg13[%swap3A_635] {strides = array<i32>} : memref<1024xf32, #tpu.memory_space<vmem>>, vector<16xf32>,
      tpu.vector_store %arg13[%swap3A_635], %mul3A_634 {add = true, strides = array<i32>} : memref<1024xf32, #tpu.memory_space<vmem>>, vector<16xf32>,
      %get3A_637 = arith.constant 528 : index
      %get3A_638 = tpu.vector_load %arg11[%get3A_637] {strides = array<i32>} : memref<1024xf32, #tpu.memory_space<vmem>>, vector<16xf32>,
      %get3A_639 = arith.constant 528 : index
      %get3A_640 = tpu.vector_load %arg12[%get3A_639] {strides = array<i32>} : memref<1024xf32, #tpu.memory_space<vmem>>, vector<16xf32>,
      %mul3A_641 = arith.mulf %get3A_638, %get3A_640 : vector<16xf32>
      %swap3A_642 = arith.constant 528 : index
      %swap3A_643 = tpu.vector_load %arg13[%swap3A_642] {strides = array<i32>} : memref<1024xf32, #tpu.memory_space<vmem>>, vector<16xf32>,
      tpu.vector_store %arg13[%swap3A_642], %mul3A_641 {add = true, strides = array<i32>} : memref<1024xf32, #tpu.memory_space<vmem>>, vector<16xf32>,
      %get3A_644 = arith.constant 544 : index
      %get3A_645 = tpu.vector_load %arg11[%get3A_644] {strides = array<i32>} : memref<1024xf32, #tpu.memory_space<vmem>>, vector<16xf32>,
      %get3A_646 = arith.constant 544 : index
      %get3A_647 = tpu.vector_load %arg12[%get3A_646] {strides = array<i32>} : memref<1024xf32, #tpu.memory_space<vmem>>, vector<16xf32>,
      %mul3A_648 = arith.mulf %get3A_645, %get3A_647 : vector<16xf32>
      %swap3A_649 = arith.constant 544 : index
      %swap3A_650 = tpu.vector_load %arg13[%swap3A_649] {strides = array<i32>} : memref<1024xf32, #tpu.memory_space<vmem>>, vector<16xf32>,
      tpu.vector_store %arg13[%swap3A_649], %mul3A_648 {add = true, strides = array<i32>} : memref<1024xf32, #tpu.memory_space<vmem>>, vector<16xf32>,
      %get3A_651 = arith.constant 560 : index
      %get3A_652 = tpu.vector_load %arg11[%get3A_651] {strides = array<i32>} : memref<1024xf32, #tpu.memory_space<vmem>>, vector<16xf32>,
      %get3A_653 = arith.constant 560 : index
      %get3A_654 = tpu.vector_load %arg12[%get3A_653] {strides = array<i32>} : memref<1024xf32, #tpu.memory_space<vmem>>, vector<16xf32>,
      %mul3A_655 = arith.mulf %get3A_652, %get3A_654 : vector<16xf32>
      %swap3A_656 = arith.constant 560 : index
      %swap3A_657 = tpu.vector_load %arg13[%swap3A_656] {strides = array<i32>} : memref<1024xf32, #tpu.memory_space<vmem>>, vector<16xf32>,
      tpu.vector_store %arg13[%swap3A_656], %mul3A_655 {add = true, strides = array<i32>} : memref<1024xf32, #tpu.memory_space<vmem>>, vector<16xf32>,
      %get3A_658 = arith.constant 576 : index
      %get3A_659 = tpu.vector_load %arg11[%get3A_658] {strides = array<i32>} : memref<1024xf32, #tpu.memory_space<vmem>>, vector<16xf32>,
      %get3A_660 = arith.constant 576 : index
      %get3A_661 = tpu.vector_load %arg12[%get3A_660] {strides = array<i32>} : memref<1024xf32, #tpu.memory_space<vmem>>, vector<16xf32>,
      %mul3A_662 = arith.mulf %get3A_659, %get3A_661 : vector<16xf32>
      %swap3A_663 = arith.constant 576 : index
      %swap3A_664 = tpu.vector_load %arg13[%swap3A_663] {strides = array<i32>} : memref<1024xf32, #tpu.memory_space<vmem>>, vector<16xf32>,
      tpu.vector_store %arg13[%swap3A_663], %mul3A_662 {add = true, strides = array<i32>} : memref<1024xf32, #tpu.memory_space<vmem>>, vector<16xf32>,
      %get3A_665 = arith.constant 592 : index
      %get3A_666 = tpu.vector_load %arg11[%get3A_665] {strides = array<i32>} : memref<1024xf32, #tpu.memory_space<vmem>>, vector<16xf32>,
      %get3A_667 = arith.constant 592 : index
      %get3A_668 = tpu.vector_load %arg12[%get3A_667] {strides = array<i32>} : memref<1024xf32, #tpu.memory_space<vmem>>, vector<16xf32>,
      %mul3A_669 = arith.mulf %get3A_666, %get3A_668 : vector<16xf32>
      %swap3A_670 = arith.constant 592 : index
      %swap3A_671 = tpu.vector_load %arg13[%swap3A_670] {strides = array<i32>} : memref<1024xf32, #tpu.memory_space<vmem>>, vector<16xf32>,
      tpu.vector_store %arg13[%swap3A_670], %mul3A_669 {add = true, strides = array<i32>} : memref<1024xf32, #tpu.memory_space<vmem>>, vector<16xf32>,
      %get3A_672 = arith.constant 608 : index
      %get3A_673 = tpu.vector_load %arg11[%get3A_672] {strides = array<i32>} : memref<1024xf32, #tpu.memory_space<vmem>>, vector<16xf32>,
      %get3A_674 = arith.constant 608 : index
      %get3A_675 = tpu.vector_load %arg12[%get3A_674] {strides = array<i32>} : memref<1024xf32, #tpu.memory_space<vmem>>, vector<16xf32>,
      %mul3A_676 = arith.mulf %get3A_673, %get3A_675 : vector<16xf32>
      %swap3A_677 = arith.constant 608 : index
      %swap3A_678 = tpu.vector_load %arg13[%swap3A_677] {strides = array<i32>} : memref<1024xf32, #tpu.memory_space<vmem>>, vector<16xf32>,
      tpu.vector_store %arg13[%swap3A_677], %mul3A_676 {add = true, strides = array<i32>} : memref<1024xf32, #tpu.memory_space<vmem>>, vector<16xf32>,
      %get3A_679 = arith.constant 624 : index
      %get3A_680 = tpu.vector_load %arg11[%get3A_679] {strides = array<i32>} : memref<1024xf32, #tpu.memory_space<vmem>>, vector<16xf32>,
      %get3A_681 = arith.constant 624 : index
      %get3A_682 = tpu.vector_load %arg12[%get3A_681] {strides = array<i32>} : memref<1024xf32, #tpu.memory_space<vmem>>, vector<16xf32>,
      %mul3A_683 = arith.mulf %get3A_680, %get3A_682 : vector<16xf32>
      %swap3A_684 = arith.constant 624 : index
      %swap3A_685 = tpu.vector_load %arg13[%swap3A_684] {strides = array<i32>} : memref<1024xf32, #tpu.memory_space<vmem>>, vector<16xf32>,
      tpu.vector_store %arg13[%swap3A_684], %mul3A_683 {add = true, strides = array<i32>} : memref<1024xf32, #tpu.memory_space<vmem>>, vector<16xf32>,
      %dma_wait3A_686 = arith.constant 5 : i32
      %dma_wait3A_687 = arith.constant 640 : i32
      %dma_wait3A_688 = tpu.memref_slice %arg11[%dma_wait3A_687] : memref<1024xf32, #tpu.memory_space<vmem>> -> memref<128xf32, #tpu.memory_space<vmem>>
      %dma_wait3A_689 = arith.constant 0 : i32
      %dma_wait3A_690 = tpu.memref_slice %arg7[%dma_wait3A_686, %dma_wait3A_689] : memref<8x128xi32, #tpu.memory_space<vmem>> -> memref<1x128xi32, #tpu.memory_space<vmem>>
      %dma_wait3A_691 = tpu.memref_squeeze %dma_wait3A_690 : memref<1x128xi32, #tpu.memory_space<vmem>> -> memref<128xi32, #tpu.memory_space<vmem>>
      %dma_wait3A_692 = arith.constant 0 : i32
      %dma_wait3A_693 = tpu.memref_slice %arg9[%dma_wait3A_692] : memref<1000064xf32, #tpu.memory_space<vmem_shared>> -> memref<1000064xf32, #tpu.memory_space<vmem_shared>>
      tpu.wait_indirect_dma semaphore(%arg16 : memref<!tpu.dma_semaphore, #tpu.memory_space<semaphore_mem>>) src(%dma_wait3A_693 : memref<1000064xf32, #tpu.memory_space<vmem_shared>>) dst(%dma_wait3A_688 : memref<128xf32, #tpu.memory_space<vmem>>)
      %dma_wait3A_694 = arith.constant 5 : i32
      %dma_wait3A_695 = arith.constant 640 : i32
      %dma_wait3A_696 = tpu.memref_slice %arg12[%dma_wait3A_695] : memref<1024xf32, #tpu.memory_space<vmem>> -> memref<128xf32, #tpu.memory_space<vmem>>
      %dma_wait3A_697 = arith.constant 0 : i32
      %dma_wait3A_698 = tpu.memref_slice %arg8[%dma_wait3A_694, %dma_wait3A_697] : memref<8x128xi32, #tpu.memory_space<vmem>> -> memref<1x128xi32, #tpu.memory_space<vmem>>
      %dma_wait3A_699 = tpu.memref_squeeze %dma_wait3A_698 : memref<1x128xi32, #tpu.memory_space<vmem>> -> memref<128xi32, #tpu.memory_space<vmem>>
      %dma_wait3A_700 = arith.constant 0 : i32
      %dma_wait3A_701 = tpu.memref_slice %arg9[%dma_wait3A_700] : memref<1000064xf32, #tpu.memory_space<vmem_shared>> -> memref<1000064xf32, #tpu.memory_space<vmem_shared>>
      tpu.wait_indirect_dma semaphore(%arg16 : memref<!tpu.dma_semaphore, #tpu.memory_space<semaphore_mem>>) src(%dma_wait3A_701 : memref<1000064xf32, #tpu.memory_space<vmem_shared>>) dst(%dma_wait3A_696 : memref<128xf32, #tpu.memory_space<vmem>>)
      %get3A_702 = arith.constant 640 : index
      %get3A_703 = tpu.vector_load %arg11[%get3A_702] {strides = array<i32>} : memref<1024xf32, #tpu.memory_space<vmem>>, vector<16xf32>,
      %get3A_704 = arith.constant 640 : index
      %get3A_705 = tpu.vector_load %arg12[%get3A_704] {strides = array<i32>} : memref<1024xf32, #tpu.memory_space<vmem>>, vector<16xf32>,
      %mul3A_706 = arith.mulf %get3A_703, %get3A_705 : vector<16xf32>
      %swap3A_707 = arith.constant 640 : index
      %swap3A_708 = tpu.vector_load %arg13[%swap3A_707] {strides = array<i32>} : memref<1024xf32, #tpu.memory_space<vmem>>, vector<16xf32>,
      tpu.vector_store %arg13[%swap3A_707], %mul3A_706 {add = true, strides = array<i32>} : memref<1024xf32, #tpu.memory_space<vmem>>, vector<16xf32>,
      %get3A_709 = arith.constant 656 : index
      %get3A_710 = tpu.vector_load %arg11[%get3A_709] {strides = array<i32>} : memref<1024xf32, #tpu.memory_space<vmem>>, vector<16xf32>,
      %get3A_711 = arith.constant 656 : index
      %get3A_712 = tpu.vector_load %arg12[%get3A_711] {strides = array<i32>} : memref<1024xf32, #tpu.memory_space<vmem>>, vector<16xf32>,
      %mul3A_713 = arith.mulf %get3A_710, %get3A_712 : vector<16xf32>
      %swap3A_714 = arith.constant 656 : index
      %swap3A_715 = tpu.vector_load %arg13[%swap3A_714] {strides = array<i32>} : memref<1024xf32, #tpu.memory_space<vmem>>, vector<16xf32>,
      tpu.vector_store %arg13[%swap3A_714], %mul3A_713 {add = true, strides = array<i32>} : memref<1024xf32, #tpu.memory_space<vmem>>, vector<16xf32>,
      %get3A_716 = arith.constant 672 : index
      %get3A_717 = tpu.vector_load %arg11[%get3A_716] {strides = array<i32>} : memref<1024xf32, #tpu.memory_space<vmem>>, vector<16xf32>,
      %get3A_718 = arith.constant 672 : index
      %get3A_719 = tpu.vector_load %arg12[%get3A_718] {strides = array<i32>} : memref<1024xf32, #tpu.memory_space<vmem>>, vector<16xf32>,
      %mul3A_720 = arith.mulf %get3A_717, %get3A_719 : vector<16xf32>
      %swap3A_721 = arith.constant 672 : index
      %swap3A_722 = tpu.vector_load %arg13[%swap3A_721] {strides = array<i32>} : memref<1024xf32, #tpu.memory_space<vmem>>, vector<16xf32>,
      tpu.vector_store %arg13[%swap3A_721], %mul3A_720 {add = true, strides = array<i32>} : memref<1024xf32, #tpu.memory_space<vmem>>, vector<16xf32>,
      %get3A_723 = arith.constant 688 : index
      %get3A_724 = tpu.vector_load %arg11[%get3A_723] {strides = array<i32>} : memref<1024xf32, #tpu.memory_space<vmem>>, vector<16xf32>,
      %get3A_725 = arith.constant 688 : index
      %get3A_726 = tpu.vector_load %arg12[%get3A_725] {strides = array<i32>} : memref<1024xf32, #tpu.memory_space<vmem>>, vector<16xf32>,
      %mul3A_727 = arith.mulf %get3A_724, %get3A_726 : vector<16xf32>
      %swap3A_728 = arith.constant 688 : index
      %swap3A_729 = tpu.vector_load %arg13[%swap3A_728] {strides = array<i32>} : memref<1024xf32, #tpu.memory_space<vmem>>, vector<16xf32>,
      tpu.vector_store %arg13[%swap3A_728], %mul3A_727 {add = true, strides = array<i32>} : memref<1024xf32, #tpu.memory_space<vmem>>, vector<16xf32>,
      %get3A_730 = arith.constant 704 : index
      %get3A_731 = tpu.vector_load %arg11[%get3A_730] {strides = array<i32>} : memref<1024xf32, #tpu.memory_space<vmem>>, vector<16xf32>,
      %get3A_732 = arith.constant 704 : index
      %get3A_733 = tpu.vector_load %arg12[%get3A_732] {strides = array<i32>} : memref<1024xf32, #tpu.memory_space<vmem>>, vector<16xf32>,
      %mul3A_734 = arith.mulf %get3A_731, %get3A_733 : vector<16xf32>
      %swap3A_735 = arith.constant 704 : index
      %swap3A_736 = tpu.vector_load %arg13[%swap3A_735] {strides = array<i32>} : memref<1024xf32, #tpu.memory_space<vmem>>, vector<16xf32>,
      tpu.vector_store %arg13[%swap3A_735], %mul3A_734 {add = true, strides = array<i32>} : memref<1024xf32, #tpu.memory_space<vmem>>, vector<16xf32>,
      %get3A_737 = arith.constant 720 : index
      %get3A_738 = tpu.vector_load %arg11[%get3A_737] {strides = array<i32>} : memref<1024xf32, #tpu.memory_space<vmem>>, vector<16xf32>,
      %get3A_739 = arith.constant 720 : index
      %get3A_740 = tpu.vector_load %arg12[%get3A_739] {strides = array<i32>} : memref<1024xf32, #tpu.memory_space<vmem>>, vector<16xf32>,
      %mul3A_741 = arith.mulf %get3A_738, %get3A_740 : vector<16xf32>
      %swap3A_742 = arith.constant 720 : index
      %swap3A_743 = tpu.vector_load %arg13[%swap3A_742] {strides = array<i32>} : memref<1024xf32, #tpu.memory_space<vmem>>, vector<16xf32>,
      tpu.vector_store %arg13[%swap3A_742], %mul3A_741 {add = true, strides = array<i32>} : memref<1024xf32, #tpu.memory_space<vmem>>, vector<16xf32>,
      %get3A_744 = arith.constant 736 : index
      %get3A_745 = tpu.vector_load %arg11[%get3A_744] {strides = array<i32>} : memref<1024xf32, #tpu.memory_space<vmem>>, vector<16xf32>,
      %get3A_746 = arith.constant 736 : index
      %get3A_747 = tpu.vector_load %arg12[%get3A_746] {strides = array<i32>} : memref<1024xf32, #tpu.memory_space<vmem>>, vector<16xf32>,
      %mul3A_748 = arith.mulf %get3A_745, %get3A_747 : vector<16xf32>
      %swap3A_749 = arith.constant 736 : index
      %swap3A_750 = tpu.vector_load %arg13[%swap3A_749] {strides = array<i32>} : memref<1024xf32, #tpu.memory_space<vmem>>, vector<16xf32>,
      tpu.vector_store %arg13[%swap3A_749], %mul3A_748 {add = true, strides = array<i32>} : memref<1024xf32, #tpu.memory_space<vmem>>, vector<16xf32>,
      %get3A_751 = arith.constant 752 : index
      %get3A_752 = tpu.vector_load %arg11[%get3A_751] {strides = array<i32>} : memref<1024xf32, #tpu.memory_space<vmem>>, vector<16xf32>,
      %get3A_753 = arith.constant 752 : index
      %get3A_754 = tpu.vector_load %arg12[%get3A_753] {strides = array<i32>} : memref<1024xf32, #tpu.memory_space<vmem>>, vector<16xf32>,
      %mul3A_755 = arith.mulf %get3A_752, %get3A_754 : vector<16xf32>
      %swap3A_756 = arith.constant 752 : index
      %swap3A_757 = tpu.vector_load %arg13[%swap3A_756] {strides = array<i32>} : memref<1024xf32, #tpu.memory_space<vmem>>, vector<16xf32>,
      tpu.vector_store %arg13[%swap3A_756], %mul3A_755 {add = true, strides = array<i32>} : memref<1024xf32, #tpu.memory_space<vmem>>, vector<16xf32>,
      %dma_wait3A_758 = arith.constant 6 : i32
      %dma_wait3A_759 = arith.constant 768 : i32
      %dma_wait3A_760 = tpu.memref_slice %arg11[%dma_wait3A_759] : memref<1024xf32, #tpu.memory_space<vmem>> -> memref<128xf32, #tpu.memory_space<vmem>>
      %dma_wait3A_761 = arith.constant 0 : i32
      %dma_wait3A_762 = tpu.memref_slice %arg7[%dma_wait3A_758, %dma_wait3A_761] : memref<8x128xi32, #tpu.memory_space<vmem>> -> memref<1x128xi32, #tpu.memory_space<vmem>>
      %dma_wait3A_763 = tpu.memref_squeeze %dma_wait3A_762 : memref<1x128xi32, #tpu.memory_space<vmem>> -> memref<128xi32, #tpu.memory_space<vmem>>
      %dma_wait3A_764 = arith.constant 0 : i32
      %dma_wait3A_765 = tpu.memref_slice %arg9[%dma_wait3A_764] : memref<1000064xf32, #tpu.memory_space<vmem_shared>> -> memref<1000064xf32, #tpu.memory_space<vmem_shared>>
      tpu.wait_indirect_dma semaphore(%arg16 : memref<!tpu.dma_semaphore, #tpu.memory_space<semaphore_mem>>) src(%dma_wait3A_765 : memref<1000064xf32, #tpu.memory_space<vmem_shared>>) dst(%dma_wait3A_760 : memref<128xf32, #tpu.memory_space<vmem>>)
      %dma_wait3A_766 = arith.constant 6 : i32
      %dma_wait3A_767 = arith.constant 768 : i32
      %dma_wait3A_768 = tpu.memref_slice %arg12[%dma_wait3A_767] : memref<1024xf32, #tpu.memory_space<vmem>> -> memref<128xf32, #tpu.memory_space<vmem>>
      %dma_wait3A_769 = arith.constant 0 : i32
      %dma_wait3A_770 = tpu.memref_slice %arg8[%dma_wait3A_766, %dma_wait3A_769] : memref<8x128xi32, #tpu.memory_space<vmem>> -> memref<1x128xi32, #tpu.memory_space<vmem>>
      %dma_wait3A_771 = tpu.memref_squeeze %dma_wait3A_770 : memref<1x128xi32, #tpu.memory_space<vmem>> -> memref<128xi32, #tpu.memory_space<vmem>>
      %dma_wait3A_772 = arith.constant 0 : i32
      %dma_wait3A_773 = tpu.memref_slice %arg9[%dma_wait3A_772] : memref<1000064xf32, #tpu.memory_space<vmem_shared>> -> memref<1000064xf32, #tpu.memory_space<vmem_shared>>
      tpu.wait_indirect_dma semaphore(%arg16 : memref<!tpu.dma_semaphore, #tpu.memory_space<semaphore_mem>>) src(%dma_wait3A_773 : memref<1000064xf32, #tpu.memory_space<vmem_shared>>) dst(%dma_wait3A_768 : memref<128xf32, #tpu.memory_space<vmem>>)
      %get3A_774 = arith.constant 768 : index
      %get3A_775 = tpu.vector_load %arg11[%get3A_774] {strides = array<i32>} : memref<1024xf32, #tpu.memory_space<vmem>>, vector<16xf32>,
      %get3A_776 = arith.constant 768 : index
      %get3A_777 = tpu.vector_load %arg12[%get3A_776] {strides = array<i32>} : memref<1024xf32, #tpu.memory_space<vmem>>, vector<16xf32>,
      %mul3A_778 = arith.mulf %get3A_775, %get3A_777 : vector<16xf32>
      %swap3A_779 = arith.constant 768 : index
      %swap3A_780 = tpu.vector_load %arg13[%swap3A_779] {strides = array<i32>} : memref<1024xf32, #tpu.memory_space<vmem>>, vector<16xf32>,
      tpu.vector_store %arg13[%swap3A_779], %mul3A_778 {add = true, strides = array<i32>} : memref<1024xf32, #tpu.memory_space<vmem>>, vector<16xf32>,
      %get3A_781 = arith.constant 784 : index
      %get3A_782 = tpu.vector_load %arg11[%get3A_781] {strides = array<i32>} : memref<1024xf32, #tpu.memory_space<vmem>>, vector<16xf32>,
      %get3A_783 = arith.constant 784 : index
      %get3A_784 = tpu.vector_load %arg12[%get3A_783] {strides = array<i32>} : memref<1024xf32, #tpu.memory_space<vmem>>, vector<16xf32>,
      %mul3A_785 = arith.mulf %get3A_782, %get3A_784 : vector<16xf32>
      %swap3A_786 = arith.constant 784 : index
      %swap3A_787 = tpu.vector_load %arg13[%swap3A_786] {strides = array<i32>} : memref<1024xf32, #tpu.memory_space<vmem>>, vector<16xf32>,
      tpu.vector_store %arg13[%swap3A_786], %mul3A_785 {add = true, strides = array<i32>} : memref<1024xf32, #tpu.memory_space<vmem>>, vector<16xf32>,
      %get3A_788 = arith.constant 800 : index
      %get3A_789 = tpu.vector_load %arg11[%get3A_788] {strides = array<i32>} : memref<1024xf32, #tpu.memory_space<vmem>>, vector<16xf32>,
      %get3A_790 = arith.constant 800 : index
      %get3A_791 = tpu.vector_load %arg12[%get3A_790] {strides = array<i32>} : memref<1024xf32, #tpu.memory_space<vmem>>, vector<16xf32>,
      %mul3A_792 = arith.mulf %get3A_789, %get3A_791 : vector<16xf32>
      %swap3A_793 = arith.constant 800 : index
      %swap3A_794 = tpu.vector_load %arg13[%swap3A_793] {strides = array<i32>} : memref<1024xf32, #tpu.memory_space<vmem>>, vector<16xf32>,
      tpu.vector_store %arg13[%swap3A_793], %mul3A_792 {add = true, strides = array<i32>} : memref<1024xf32, #tpu.memory_space<vmem>>, vector<16xf32>,
      %get3A_795 = arith.constant 816 : index
      %get3A_796 = tpu.vector_load %arg11[%get3A_795] {strides = array<i32>} : memref<1024xf32, #tpu.memory_space<vmem>>, vector<16xf32>,
      %get3A_797 = arith.constant 816 : index
      %get3A_798 = tpu.vector_load %arg12[%get3A_797] {strides = array<i32>} : memref<1024xf32, #tpu.memory_space<vmem>>, vector<16xf32>,
      %mul3A_799 = arith.mulf %get3A_796, %get3A_798 : vector<16xf32>
      %swap3A_800 = arith.constant 816 : index
      %swap3A_801 = tpu.vector_load %arg13[%swap3A_800] {strides = array<i32>} : memref<1024xf32, #tpu.memory_space<vmem>>, vector<16xf32>,
      tpu.vector_store %arg13[%swap3A_800], %mul3A_799 {add = true, strides = array<i32>} : memref<1024xf32, #tpu.memory_space<vmem>>, vector<16xf32>,
      %get3A_802 = arith.constant 832 : index
      %get3A_803 = tpu.vector_load %arg11[%get3A_802] {strides = array<i32>} : memref<1024xf32, #tpu.memory_space<vmem>>, vector<16xf32>,
      %get3A_804 = arith.constant 832 : index
      %get3A_805 = tpu.vector_load %arg12[%get3A_804] {strides = array<i32>} : memref<1024xf32, #tpu.memory_space<vmem>>, vector<16xf32>,
      %mul3A_806 = arith.mulf %get3A_803, %get3A_805 : vector<16xf32>
      %swap3A_807 = arith.constant 832 : index
      %swap3A_808 = tpu.vector_load %arg13[%swap3A_807] {strides = array<i32>} : memref<1024xf32, #tpu.memory_space<vmem>>, vector<16xf32>,
      tpu.vector_store %arg13[%swap3A_807], %mul3A_806 {add = true, strides = array<i32>} : memref<1024xf32, #tpu.memory_space<vmem>>, vector<16xf32>,
      %get3A_809 = arith.constant 848 : index
      %get3A_810 = tpu.vector_load %arg11[%get3A_809] {strides = array<i32>} : memref<1024xf32, #tpu.memory_space<vmem>>, vector<16xf32>,
      %get3A_811 = arith.constant 848 : index
      %get3A_812 = tpu.vector_load %arg12[%get3A_811] {strides = array<i32>} : memref<1024xf32, #tpu.memory_space<vmem>>, vector<16xf32>,
      %mul3A_813 = arith.mulf %get3A_810, %get3A_812 : vector<16xf32>
      %swap3A_814 = arith.constant 848 : index
      %swap3A_815 = tpu.vector_load %arg13[%swap3A_814] {strides = array<i32>} : memref<1024xf32, #tpu.memory_space<vmem>>, vector<16xf32>,
      tpu.vector_store %arg13[%swap3A_814], %mul3A_813 {add = true, strides = array<i32>} : memref<1024xf32, #tpu.memory_space<vmem>>, vector<16xf32>,
      %get3A_816 = arith.constant 864 : index
      %get3A_817 = tpu.vector_load %arg11[%get3A_816] {strides = array<i32>} : memref<1024xf32, #tpu.memory_space<vmem>>, vector<16xf32>,
      %get3A_818 = arith.constant 864 : index
      %get3A_819 = tpu.vector_load %arg12[%get3A_818] {strides = array<i32>} : memref<1024xf32, #tpu.memory_space<vmem>>, vector<16xf32>,
      %mul3A_820 = arith.mulf %get3A_817, %get3A_819 : vector<16xf32>
      %swap3A_821 = arith.constant 864 : index
      %swap3A_822 = tpu.vector_load %arg13[%swap3A_821] {strides = array<i32>} : memref<1024xf32, #tpu.memory_space<vmem>>, vector<16xf32>,
      tpu.vector_store %arg13[%swap3A_821], %mul3A_820 {add = true, strides = array<i32>} : memref<1024xf32, #tpu.memory_space<vmem>>, vector<16xf32>,
      %get3A_823 = arith.constant 880 : index
      %get3A_824 = tpu.vector_load %arg11[%get3A_823] {strides = array<i32>} : memref<1024xf32, #tpu.memory_space<vmem>>, vector<16xf32>,
      %get3A_825 = arith.constant 880 : index
      %get3A_826 = tpu.vector_load %arg12[%get3A_825] {strides = array<i32>} : memref<1024xf32, #tpu.memory_space<vmem>>, vector<16xf32>,
      %mul3A_827 = arith.mulf %get3A_824, %get3A_826 : vector<16xf32>
      %swap3A_828 = arith.constant 880 : index
      %swap3A_829 = tpu.vector_load %arg13[%swap3A_828] {strides = array<i32>} : memref<1024xf32, #tpu.memory_space<vmem>>, vector<16xf32>,
      tpu.vector_store %arg13[%swap3A_828], %mul3A_827 {add = true, strides = array<i32>} : memref<1024xf32, #tpu.memory_space<vmem>>, vector<16xf32>,
      %dma_wait3A_830 = arith.constant 7 : i32
      %dma_wait3A_831 = arith.constant 896 : i32
      %dma_wait3A_832 = tpu.memref_slice %arg11[%dma_wait3A_831] : memref<1024xf32, #tpu.memory_space<vmem>> -> memref<128xf32, #tpu.memory_space<vmem>>
      %dma_wait3A_833 = arith.constant 0 : i32
      %dma_wait3A_834 = tpu.memref_slice %arg7[%dma_wait3A_830, %dma_wait3A_833] : memref<8x128xi32, #tpu.memory_space<vmem>> -> memref<1x128xi32, #tpu.memory_space<vmem>>
      %dma_wait3A_835 = tpu.memref_squeeze %dma_wait3A_834 : memref<1x128xi32, #tpu.memory_space<vmem>> -> memref<128xi32, #tpu.memory_space<vmem>>
      %dma_wait3A_836 = arith.constant 0 : i32
      %dma_wait3A_837 = tpu.memref_slice %arg9[%dma_wait3A_836] : memref<1000064xf32, #tpu.memory_space<vmem_shared>> -> memref<1000064xf32, #tpu.memory_space<vmem_shared>>
      tpu.wait_indirect_dma semaphore(%arg16 : memref<!tpu.dma_semaphore, #tpu.memory_space<semaphore_mem>>) src(%dma_wait3A_837 : memref<1000064xf32, #tpu.memory_space<vmem_shared>>) dst(%dma_wait3A_832 : memref<128xf32, #tpu.memory_space<vmem>>)
      %dma_wait3A_838 = arith.constant 7 : i32
      %dma_wait3A_839 = arith.constant 896 : i32
      %dma_wait3A_840 = tpu.memref_slice %arg12[%dma_wait3A_839] : memref<1024xf32, #tpu.memory_space<vmem>> -> memref<128xf32, #tpu.memory_space<vmem>>
      %dma_wait3A_841 = arith.constant 0 : i32
      %dma_wait3A_842 = tpu.memref_slice %arg8[%dma_wait3A_838, %dma_wait3A_841] : memref<8x128xi32, #tpu.memory_space<vmem>> -> memref<1x128xi32, #tpu.memory_space<vmem>>
      %dma_wait3A_843 = tpu.memref_squeeze %dma_wait3A_842 : memref<1x128xi32, #tpu.memory_space<vmem>> -> memref<128xi32, #tpu.memory_space<vmem>>
      %dma_wait3A_844 = arith.constant 0 : i32
      %dma_wait3A_845 = tpu.memref_slice %arg9[%dma_wait3A_844] : memref<1000064xf32, #tpu.memory_space<vmem_shared>> -> memref<1000064xf32, #tpu.memory_space<vmem_shared>>
      tpu.wait_indirect_dma semaphore(%arg16 : memref<!tpu.dma_semaphore, #tpu.memory_space<semaphore_mem>>) src(%dma_wait3A_845 : memref<1000064xf32, #tpu.memory_space<vmem_shared>>) dst(%dma_wait3A_840 : memref<128xf32, #tpu.memory_space<vmem>>)
      %get3A_846 = arith.constant 896 : index
      %get3A_847 = tpu.vector_load %arg11[%get3A_846] {strides = array<i32>} : memref<1024xf32, #tpu.memory_space<vmem>>, vector<16xf32>,
      %get3A_848 = arith.constant 896 : index
      %get3A_849 = tpu.vector_load %arg12[%get3A_848] {strides = array<i32>} : memref<1024xf32, #tpu.memory_space<vmem>>, vector<16xf32>,
      %mul3A_850 = arith.mulf %get3A_847, %get3A_849 : vector<16xf32>
      %swap3A_851 = arith.constant 896 : index
      %swap3A_852 = tpu.vector_load %arg13[%swap3A_851] {strides = array<i32>} : memref<1024xf32, #tpu.memory_space<vmem>>, vector<16xf32>,
      tpu.vector_store %arg13[%swap3A_851], %mul3A_850 {add = true, strides = array<i32>} : memref<1024xf32, #tpu.memory_space<vmem>>, vector<16xf32>,
      %get3A_853 = arith.constant 912 : index
      %get3A_854 = tpu.vector_load %arg11[%get3A_853] {strides = array<i32>} : memref<1024xf32, #tpu.memory_space<vmem>>, vector<16xf32>,
      %get3A_855 = arith.constant 912 : index
      %get3A_856 = tpu.vector_load %arg12[%get3A_855] {strides = array<i32>} : memref<1024xf32, #tpu.memory_space<vmem>>, vector<16xf32>,
      %mul3A_857 = arith.mulf %get3A_854, %get3A_856 : vector<16xf32>
      %swap3A_858 = arith.constant 912 : index
      %swap3A_859 = tpu.vector_load %arg13[%swap3A_858] {strides = array<i32>} : memref<1024xf32, #tpu.memory_space<vmem>>, vector<16xf32>,
      tpu.vector_store %arg13[%swap3A_858], %mul3A_857 {add = true, strides = array<i32>} : memref<1024xf32, #tpu.memory_space<vmem>>, vector<16xf32>,
      %get3A_860 = arith.constant 928 : index
      %get3A_861 = tpu.vector_load %arg11[%get3A_860] {strides = array<i32>} : memref<1024xf32, #tpu.memory_space<vmem>>, vector<16xf32>,
      %get3A_862 = arith.constant 928 : index
      %get3A_863 = tpu.vector_load %arg12[%get3A_862] {strides = array<i32>} : memref<1024xf32, #tpu.memory_space<vmem>>, vector<16xf32>,
      %mul3A_864 = arith.mulf %get3A_861, %get3A_863 : vector<16xf32>
      %swap3A_865 = arith.constant 928 : index
      %swap3A_866 = tpu.vector_load %arg13[%swap3A_865] {strides = array<i32>} : memref<1024xf32, #tpu.memory_space<vmem>>, vector<16xf32>,
      tpu.vector_store %arg13[%swap3A_865], %mul3A_864 {add = true, strides = array<i32>} : memref<1024xf32, #tpu.memory_space<vmem>>, vector<16xf32>,
      %get3A_867 = arith.constant 944 : index
      %get3A_868 = tpu.vector_load %arg11[%get3A_867] {strides = array<i32>} : memref<1024xf32, #tpu.memory_space<vmem>>, vector<16xf32>,
      %get3A_869 = arith.constant 944 : index
      %get3A_870 = tpu.vector_load %arg12[%get3A_869] {strides = array<i32>} : memref<1024xf32, #tpu.memory_space<vmem>>, vector<16xf32>,
      %mul3A_871 = arith.mulf %get3A_868, %get3A_870 : vector<16xf32>
      %swap3A_872 = arith.constant 944 : index
      %swap3A_873 = tpu.vector_load %arg13[%swap3A_872] {strides = array<i32>} : memref<1024xf32, #tpu.memory_space<vmem>>, vector<16xf32>,
      tpu.vector_store %arg13[%swap3A_872], %mul3A_871 {add = true, strides = array<i32>} : memref<1024xf32, #tpu.memory_space<vmem>>, vector<16xf32>,
      %get3A_874 = arith.constant 960 : index
      %get3A_875 = tpu.vector_load %arg11[%get3A_874] {strides = array<i32>} : memref<1024xf32, #tpu.memory_space<vmem>>, vector<16xf32>,
      %get3A_876 = arith.constant 960 : index
      %get3A_877 = tpu.vector_load %arg12[%get3A_876] {strides = array<i32>} : memref<1024xf32, #tpu.memory_space<vmem>>, vector<16xf32>,
      %mul3A_878 = arith.mulf %get3A_875, %get3A_877 : vector<16xf32>
      %swap3A_879 = arith.constant 960 : index
      %swap3A_880 = tpu.vector_load %arg13[%swap3A_879] {strides = array<i32>} : memref<1024xf32, #tpu.memory_space<vmem>>, vector<16xf32>,
      tpu.vector_store %arg13[%swap3A_879], %mul3A_878 {add = true, strides = array<i32>} : memref<1024xf32, #tpu.memory_space<vmem>>, vector<16xf32>,
      %get3A_881 = arith.constant 976 : index
      %get3A_882 = tpu.vector_load %arg11[%get3A_881] {strides = array<i32>} : memref<1024xf32, #tpu.memory_space<vmem>>, vector<16xf32>,
      %get3A_883 = arith.constant 976 : index
      %get3A_884 = tpu.vector_load %arg12[%get3A_883] {strides = array<i32>} : memref<1024xf32, #tpu.memory_space<vmem>>, vector<16xf32>,
      %mul3A_885 = arith.mulf %get3A_882, %get3A_884 : vector<16xf32>
      %swap3A_886 = arith.constant 976 : index
      %swap3A_887 = tpu.vector_load %arg13[%swap3A_886] {strides = array<i32>} : memref<1024xf32, #tpu.memory_space<vmem>>, vector<16xf32>,
      tpu.vector_store %arg13[%swap3A_886], %mul3A_885 {add = true, strides = array<i32>} : memref<1024xf32, #tpu.memory_space<vmem>>, vector<16xf32>,
      %get3A_888 = arith.constant 992 : index
      %get3A_889 = tpu.vector_load %arg11[%get3A_888] {strides = array<i32>} : memref<1024xf32, #tpu.memory_space<vmem>>, vector<16xf32>,
      %get3A_890 = arith.constant 992 : index
      %get3A_891 = tpu.vector_load %arg12[%get3A_890] {strides = array<i32>} : memref<1024xf32, #tpu.memory_space<vmem>>, vector<16xf32>,
      %mul3A_892 = arith.mulf %get3A_889, %get3A_891 : vector<16xf32>
      %swap3A_893 = arith.constant 992 : index
      %swap3A_894 = tpu.vector_load %arg13[%swap3A_893] {strides = array<i32>} : memref<1024xf32, #tpu.memory_space<vmem>>, vector<16xf32>,
      tpu.vector_store %arg13[%swap3A_893], %mul3A_892 {add = true, strides = array<i32>} : memref<1024xf32, #tpu.memory_space<vmem>>, vector<16xf32>,
      %get3A_895 = arith.constant 1008 : index
      %get3A_896 = tpu.vector_load %arg11[%get3A_895] {strides = array<i32>} : memref<1024xf32, #tpu.memory_space<vmem>>, vector<16xf32>,
      %get3A_897 = arith.constant 1008 : index
      %get3A_898 = tpu.vector_load %arg12[%get3A_897] {strides = array<i32>} : memref<1024xf32, #tpu.memory_space<vmem>>, vector<16xf32>,
      %mul3A_899 = arith.mulf %get3A_896, %get3A_898 : vector<16xf32>
      %swap3A_900 = arith.constant 1008 : index
      %swap3A_901 = tpu.vector_load %arg13[%swap3A_900] {strides = array<i32>} : memref<1024xf32, #tpu.memory_space<vmem>>, vector<16xf32>,
      tpu.vector_store %arg13[%swap3A_900], %mul3A_899 {add = true, strides = array<i32>} : memref<1024xf32, #tpu.memory_space<vmem>>, vector<16xf32>,
      %barrier3A_902 = arith.constant 0 : index
      tpu.barrier barrier_id(%barrier3A_902)
      %add3A_903 = arith.constant 1 : i32
      %add3A_904 = arith.addi %add3A_155, %add3A_903 : i32
      %mul3A_905 = arith.constant 62464 : i32
      %mul3A_906 = arith.muli %arg1, %mul3A_905 : i32
      %mul3A_907 = arith.constant 62464 : i32
      %mul3A_908 = arith.muli %arg1, %mul3A_907 : i32
      %add3A_909 = arith.constant 31232 : i32
      %add3A_910 = arith.addi %mul3A_908, %add3A_909 : i32
      %dma_wait3A_911 = tpu.memref_slice %arg10[%mul3A_906] : memref<1000064xf32, #tpu.memory_space<vmem_shared>> -> memref<31232xf32, #tpu.memory_space<vmem_shared>>
      %dma_wait3A_912 = arith.constant 0 : i32
      %dma_wait3A_913 = tpu.memref_slice %arg4[%add3A_904, %dma_wait3A_912] : memref<64x1000000xf32, #tpu.memory_space<hbm>> -> memref<1x1000000xf32, #tpu.memory_space<hbm>>
      %dma_wait3A_914 = tpu.memref_squeeze %dma_wait3A_913 : memref<1x1000000xf32, #tpu.memory_space<hbm>> -> memref<1000000xf32, #tpu.memory_space<hbm>>
      %dma_wait3A_915 = tpu.memref_slice %dma_wait3A_914[%mul3A_906] : memref<1000000xf32, #tpu.memory_space<hbm>> -> memref<31232xf32, #tpu.memory_space<hbm>>
      tpu.wait_dma2 semaphore(%arg15 : memref<!tpu.dma_semaphore, #tpu.memory_space<semaphore_mem>>) src(%dma_wait3A_915 : memref<31232xf32, #tpu.memory_space<hbm>>) dst(%dma_wait3A_911 : memref<31232xf32, #tpu.memory_space<vmem_shared>>)
      %dma_wait3A_916 = tpu.memref_slice %arg10[%add3A_910] : memref<1000064xf32, #tpu.memory_space<vmem_shared>> -> memref<31232xf32, #tpu.memory_space<vmem_shared>>
      %dma_wait3A_917 = arith.constant 0 : i32
      %dma_wait3A_918 = tpu.memref_slice %arg4[%add3A_904, %dma_wait3A_917] : memref<64x1000000xf32, #tpu.memory_space<hbm>> -> memref<1x1000000xf32, #tpu.memory_space<hbm>>
      %dma_wait3A_919 = tpu.memref_squeeze %dma_wait3A_918 : memref<1x1000000xf32, #tpu.memory_space<hbm>> -> memref<1000000xf32, #tpu.memory_space<hbm>>
      %dma_wait3A_920 = tpu.memref_slice %dma_wait3A_919[%add3A_910] : memref<1000000xf32, #tpu.memory_space<hbm>> -> memref<31232xf32, #tpu.memory_space<hbm>>
      tpu.wait_dma2 semaphore(%arg15 : memref<!tpu.dma_semaphore, #tpu.memory_space<semaphore_mem>>) src(%dma_wait3A_920 : memref<31232xf32, #tpu.memory_space<hbm>>) dst(%dma_wait3A_916 : memref<31232xf32, #tpu.memory_space<vmem_shared>>)
      %eq3A_921 = arith.constant 0 : i32
      %eq3A_922 = arith.cmpi eq, %arg1, %eq3A_921 : i32
      %convert_element_type3A_923 = arith.extui %eq3A_922 : i1 to i32
      %cond3A_924 = arith.constant 0 : i32
      %cond3A_925 = arith.cmpi ne, %convert_element_type3A_923, %cond3A_924 : i32
      scf.if %cond3A_925 {
        %dma_wait3A_1638 = arith.constant 999424 : i32
        %dma_wait3A_1639 = tpu.memref_slice %arg10[%dma_wait3A_1638] : memref<1000064xf32, #tpu.memory_space<vmem_shared>> -> memref<640xf32, #tpu.memory_space<vmem_shared>>
        %dma_wait3A_1640 = arith.constant 0 : i32
        %dma_wait3A_1641 = tpu.memref_slice %arg5[%add3A_904, %dma_wait3A_1640] : memref<64x640xf32, #tpu.memory_space<hbm>> -> memref<1x640xf32, #tpu.memory_space<hbm>>
        %dma_wait3A_1642 = tpu.memref_squeeze %dma_wait3A_1641 : memref<1x640xf32, #tpu.memory_space<hbm>> -> memref<640xf32, #tpu.memory_space<hbm>>
        tpu.wait_dma2 semaphore(%arg15 : memref<!tpu.dma_semaphore, #tpu.memory_space<semaphore_mem>>) src(%dma_wait3A_1642 : memref<640xf32, #tpu.memory_space<hbm>>) dst(%dma_wait3A_1639 : memref<640xf32, #tpu.memory_space<vmem_shared>>)
      } else {
      }
      %add3A_926 = arith.constant 1 : i32
      %add3A_927 = arith.addi %scan3A_152, %add3A_926 : i32
      %lt3A = arith.constant 16 : i32
      %lt3A_928 = arith.cmpi slt, %add3A_927, %lt3A : i32
      %convert_element_type3A_929 = arith.extui %lt3A_928 : i1 to i32
      %cond3A_930 = arith.constant 0 : i32
      %cond3A_931 = arith.cmpi ne, %convert_element_type3A_929, %cond3A_930 : i32
      scf.if %cond3A_931 {
        %add3A_1638 = arith.constant 2 : i32
        %add3A_1639 = arith.addi %add3A_155, %add3A_1638 : i32
        %mul3A_1640 = arith.constant 62464 : i32
        %mul3A_1641 = arith.muli %arg1, %mul3A_1640 : i32
        %mul3A_1642 = arith.constant 62464 : i32
        %mul3A_1643 = arith.muli %arg1, %mul3A_1642 : i32
        %add3A_1644 = arith.constant 31232 : i32
        %add3A_1645 = arith.addi %mul3A_1643, %add3A_1644 : i32
        %dma_start3A_1646 = tpu.memref_slice %arg9[%mul3A_1641] : memref<1000064xf32, #tpu.memory_space<vmem_shared>> -> memref<31232xf32, #tpu.memory_space<vmem_shared>>
        %dma_start3A_1647 = arith.constant 0 : i32
        %dma_start3A_1648 = tpu.memref_slice %arg4[%add3A_1639, %dma_start3A_1647] : memref<64x1000000xf32, #tpu.memory_space<hbm>> -> memref<1x1000000xf32, #tpu.memory_space<hbm>>
        %dma_start3A_1649 = tpu.memref_squeeze %dma_start3A_1648 : memref<1x1000000xf32, #tpu.memory_space<hbm>> -> memref<1000000xf32, #tpu.memory_space<hbm>>
        %dma_start3A_1650 = tpu.memref_slice %dma_start3A_1649[%mul3A_1641] : memref<1000000xf32, #tpu.memory_space<hbm>> -> memref<31232xf32, #tpu.memory_space<hbm>>
        tpu.enqueue_dma source(%dma_start3A_1650 : memref<31232xf32, #tpu.memory_space<hbm>>) target(%dma_start3A_1646 : memref<31232xf32, #tpu.memory_space<vmem_shared>>) target_semaphore(%arg14 : memref<!tpu.dma_semaphore, #tpu.memory_space<semaphore_mem>>)
        %dma_start3A_1651 = tpu.memref_slice %arg9[%add3A_1645] : memref<1000064xf32, #tpu.memory_space<vmem_shared>> -> memref<31232xf32, #tpu.memory_space<vmem_shared>>
        %dma_start3A_1652 = arith.constant 0 : i32
        %dma_start3A_1653 = tpu.memref_slice %arg4[%add3A_1639, %dma_start3A_1652] : memref<64x1000000xf32, #tpu.memory_space<hbm>> -> memref<1x1000000xf32, #tpu.memory_space<hbm>>
        %dma_start3A_1654 = tpu.memref_squeeze %dma_start3A_1653 : memref<1x1000000xf32, #tpu.memory_space<hbm>> -> memref<1000000xf32, #tpu.memory_space<hbm>>
        %dma_start3A_1655 = tpu.memref_slice %dma_start3A_1654[%add3A_1645] : memref<1000000xf32, #tpu.memory_space<hbm>> -> memref<31232xf32, #tpu.memory_space<hbm>>
        tpu.enqueue_dma source(%dma_start3A_1655 : memref<31232xf32, #tpu.memory_space<hbm>>) target(%dma_start3A_1651 : memref<31232xf32, #tpu.memory_space<vmem_shared>>) target_semaphore(%arg14 : memref<!tpu.dma_semaphore, #tpu.memory_space<semaphore_mem>>)
        %eq3A_1656 = arith.constant 0 : i32
        %eq3A_1657 = arith.cmpi eq, %arg1, %eq3A_1656 : i32
        %convert_element_type3A_1658 = arith.extui %eq3A_1657 : i1 to i32
        %cond3A_1659 = arith.constant 0 : i32
        %cond3A_1660 = arith.cmpi ne, %convert_element_type3A_1658, %cond3A_1659 : i32
        scf.if %cond3A_1660 {
          %dma_start3A_1661 = arith.constant 999424 : i32
          %dma_start3A_1662 = tpu.memref_slice %arg9[%dma_start3A_1661] : memref<1000064xf32, #tpu.memory_space<vmem_shared>> -> memref<640xf32, #tpu.memory_space<vmem_shared>>
          %dma_start3A_1663 = arith.constant 0 : i32
          %dma_start3A_1664 = tpu.memref_slice %arg5[%add3A_1639, %dma_start3A_1663] : memref<64x640xf32, #tpu.memory_space<hbm>> -> memref<1x640xf32, #tpu.memory_space<hbm>>
          %dma_start3A_1665 = tpu.memref_squeeze %dma_start3A_1664 : memref<1x640xf32, #tpu.memory_space<hbm>> -> memref<640xf32, #tpu.memory_space<hbm>>
          tpu.enqueue_dma source(%dma_start3A_1665 : memref<640xf32, #tpu.memory_space<hbm>>) target(%dma_start3A_1662 : memref<640xf32, #tpu.memory_space<vmem_shared>>) target_semaphore(%arg14 : memref<!tpu.dma_semaphore, #tpu.memory_space<semaphore_mem>>)
        } else {
        }
      } else {
      }
      %barrier3A_932 = arith.constant 0 : index
      tpu.barrier barrier_id(%barrier3A_932)
      %dma_start3A_933 = arith.constant 0 : i32
      %dma_start3A_934 = arith.constant 0 : i32
      %dma_start3A_935 = tpu.memref_slice %arg11[%dma_start3A_934] : memref<1024xf32, #tpu.memory_space<vmem>> -> memref<128xf32, #tpu.memory_space<vmem>>
      %dma_start3A_936 = arith.constant 0 : i32
      %dma_start3A_937 = tpu.memref_slice %arg7[%dma_start3A_933, %dma_start3A_936] : memref<8x128xi32, #tpu.memory_space<vmem>> -> memref<1x128xi32, #tpu.memory_space<vmem>>
      %dma_start3A_938 = tpu.memref_squeeze %dma_start3A_937 : memref<1x128xi32, #tpu.memory_space<vmem>> -> memref<128xi32, #tpu.memory_space<vmem>>
      %dma_start3A_939 = arith.constant 0 : i32
      %dma_start3A_940 = tpu.memref_slice %arg10[%dma_start3A_939] : memref<1000064xf32, #tpu.memory_space<vmem_shared>> -> memref<1000064xf32, #tpu.memory_space<vmem_shared>>
      tpu.enqueue_indirect_dma source(%dma_start3A_940 : memref<1000064xf32, #tpu.memory_space<vmem_shared>>) target(%dma_start3A_935 : memref<128xf32, #tpu.memory_space<vmem>>) offsets(%dma_start3A_938 : memref<128xi32, #tpu.memory_space<vmem>>) semaphore(%arg16 : memref<!tpu.dma_semaphore, #tpu.memory_space<semaphore_mem>>)
      %dma_start3A_941 = arith.constant 0 : i32
      %dma_start3A_942 = arith.constant 0 : i32
      %dma_start3A_943 = tpu.memref_slice %arg12[%dma_start3A_942] : memref<1024xf32, #tpu.memory_space<vmem>> -> memref<128xf32, #tpu.memory_space<vmem>>
      %dma_start3A_944 = arith.constant 0 : i32
      %dma_start3A_945 = tpu.memref_slice %arg8[%dma_start3A_941, %dma_start3A_944] : memref<8x128xi32, #tpu.memory_space<vmem>> -> memref<1x128xi32, #tpu.memory_space<vmem>>
      %dma_start3A_946 = tpu.memref_squeeze %dma_start3A_945 : memref<1x128xi32, #tpu.memory_space<vmem>> -> memref<128xi32, #tpu.memory_space<vmem>>
      %dma_start3A_947 = arith.constant 0 : i32
      %dma_start3A_948 = tpu.memref_slice %arg10[%dma_start3A_947] : memref<1000064xf32, #tpu.memory_space<vmem_shared>> -> memref<1000064xf32, #tpu.memory_space<vmem_shared>>
      tpu.enqueue_indirect_dma source(%dma_start3A_948 : memref<1000064xf32, #tpu.memory_space<vmem_shared>>) target(%dma_start3A_943 : memref<128xf32, #tpu.memory_space<vmem>>) offsets(%dma_start3A_946 : memref<128xi32, #tpu.memory_space<vmem>>) semaphore(%arg16 : memref<!tpu.dma_semaphore, #tpu.memory_space<semaphore_mem>>)
      %dma_start3A_949 = arith.constant 1 : i32
      %dma_start3A_950 = arith.constant 128 : i32
      %dma_start3A_951 = tpu.memref_slice %arg11[%dma_start3A_950] : memref<1024xf32, #tpu.memory_space<vmem>> -> memref<128xf32, #tpu.memory_space<vmem>>
      %dma_start3A_952 = arith.constant 0 : i32
      %dma_start3A_953 = tpu.memref_slice %arg7[%dma_start3A_949, %dma_start3A_952] : memref<8x128xi32, #tpu.memory_space<vmem>> -> memref<1x128xi32, #tpu.memory_space<vmem>>
      %dma_start3A_954 = tpu.memref_squeeze %dma_start3A_953 : memref<1x128xi32, #tpu.memory_space<vmem>> -> memref<128xi32, #tpu.memory_space<vmem>>
      %dma_start3A_955 = arith.constant 0 : i32
      %dma_start3A_956 = tpu.memref_slice %arg10[%dma_start3A_955] : memref<1000064xf32, #tpu.memory_space<vmem_shared>> -> memref<1000064xf32, #tpu.memory_space<vmem_shared>>
      tpu.enqueue_indirect_dma source(%dma_start3A_956 : memref<1000064xf32, #tpu.memory_space<vmem_shared>>) target(%dma_start3A_951 : memref<128xf32, #tpu.memory_space<vmem>>) offsets(%dma_start3A_954 : memref<128xi32, #tpu.memory_space<vmem>>) semaphore(%arg16 : memref<!tpu.dma_semaphore, #tpu.memory_space<semaphore_mem>>)
      %dma_start3A_957 = arith.constant 1 : i32
      %dma_start3A_958 = arith.constant 128 : i32
      %dma_start3A_959 = tpu.memref_slice %arg12[%dma_start3A_958] : memref<1024xf32, #tpu.memory_space<vmem>> -> memref<128xf32, #tpu.memory_space<vmem>>
      %dma_start3A_960 = arith.constant 0 : i32
      %dma_start3A_961 = tpu.memref_slice %arg8[%dma_start3A_957, %dma_start3A_960] : memref<8x128xi32, #tpu.memory_space<vmem>> -> memref<1x128xi32, #tpu.memory_space<vmem>>
      %dma_start3A_962 = tpu.memref_squeeze %dma_start3A_961 : memref<1x128xi32, #tpu.memory_space<vmem>> -> memref<128xi32, #tpu.memory_space<vmem>>
      %dma_start3A_963 = arith.constant 0 : i32
      %dma_start3A_964 = tpu.memref_slice %arg10[%dma_start3A_963] : memref<1000064xf32, #tpu.memory_space<vmem_shared>> -> memref<1000064xf32, #tpu.memory_space<vmem_shared>>
      tpu.enqueue_indirect_dma source(%dma_start3A_964 : memref<1000064xf32, #tpu.memory_space<vmem_shared>>) target(%dma_start3A_959 : memref<128xf32, #tpu.memory_space<vmem>>) offsets(%dma_start3A_962 : memref<128xi32, #tpu.memory_space<vmem>>) semaphore(%arg16 : memref<!tpu.dma_semaphore, #tpu.memory_space<semaphore_mem>>)
      %dma_start3A_965 = arith.constant 2 : i32
      %dma_start3A_966 = arith.constant 256 : i32
      %dma_start3A_967 = tpu.memref_slice %arg11[%dma_start3A_966] : memref<1024xf32, #tpu.memory_space<vmem>> -> memref<128xf32, #tpu.memory_space<vmem>>
      %dma_start3A_968 = arith.constant 0 : i32
      %dma_start3A_969 = tpu.memref_slice %arg7[%dma_start3A_965, %dma_start3A_968] : memref<8x128xi32, #tpu.memory_space<vmem>> -> memref<1x128xi32, #tpu.memory_space<vmem>>
      %dma_start3A_970 = tpu.memref_squeeze %dma_start3A_969 : memref<1x128xi32, #tpu.memory_space<vmem>> -> memref<128xi32, #tpu.memory_space<vmem>>
      %dma_start3A_971 = arith.constant 0 : i32
      %dma_start3A_972 = tpu.memref_slice %arg10[%dma_start3A_971] : memref<1000064xf32, #tpu.memory_space<vmem_shared>> -> memref<1000064xf32, #tpu.memory_space<vmem_shared>>
      tpu.enqueue_indirect_dma source(%dma_start3A_972 : memref<1000064xf32, #tpu.memory_space<vmem_shared>>) target(%dma_start3A_967 : memref<128xf32, #tpu.memory_space<vmem>>) offsets(%dma_start3A_970 : memref<128xi32, #tpu.memory_space<vmem>>) semaphore(%arg16 : memref<!tpu.dma_semaphore, #tpu.memory_space<semaphore_mem>>)
      %dma_start3A_973 = arith.constant 2 : i32
      %dma_start3A_974 = arith.constant 256 : i32
      %dma_start3A_975 = tpu.memref_slice %arg12[%dma_start3A_974] : memref<1024xf32, #tpu.memory_space<vmem>> -> memref<128xf32, #tpu.memory_space<vmem>>
      %dma_start3A_976 = arith.constant 0 : i32
      %dma_start3A_977 = tpu.memref_slice %arg8[%dma_start3A_973, %dma_start3A_976] : memref<8x128xi32, #tpu.memory_space<vmem>> -> memref<1x128xi32, #tpu.memory_space<vmem>>
      %dma_start3A_978 = tpu.memref_squeeze %dma_start3A_977 : memref<1x128xi32, #tpu.memory_space<vmem>> -> memref<128xi32, #tpu.memory_space<vmem>>
      %dma_start3A_979 = arith.constant 0 : i32
      %dma_start3A_980 = tpu.memref_slice %arg10[%dma_start3A_979] : memref<1000064xf32, #tpu.memory_space<vmem_shared>> -> memref<1000064xf32, #tpu.memory_space<vmem_shared>>
      tpu.enqueue_indirect_dma source(%dma_start3A_980 : memref<1000064xf32, #tpu.memory_space<vmem_shared>>) target(%dma_start3A_975 : memref<128xf32, #tpu.memory_space<vmem>>) offsets(%dma_start3A_978 : memref<128xi32, #tpu.memory_space<vmem>>) semaphore(%arg16 : memref<!tpu.dma_semaphore, #tpu.memory_space<semaphore_mem>>)
      %dma_start3A_981 = arith.constant 3 : i32
      %dma_start3A_982 = arith.constant 384 : i32
      %dma_start3A_983 = tpu.memref_slice %arg11[%dma_start3A_982] : memref<1024xf32, #tpu.memory_space<vmem>> -> memref<128xf32, #tpu.memory_space<vmem>>
      %dma_start3A_984 = arith.constant 0 : i32
      %dma_start3A_985 = tpu.memref_slice %arg7[%dma_start3A_981, %dma_start3A_984] : memref<8x128xi32, #tpu.memory_space<vmem>> -> memref<1x128xi32, #tpu.memory_space<vmem>>
      %dma_start3A_986 = tpu.memref_squeeze %dma_start3A_985 : memref<1x128xi32, #tpu.memory_space<vmem>> -> memref<128xi32, #tpu.memory_space<vmem>>
      %dma_start3A_987 = arith.constant 0 : i32
      %dma_start3A_988 = tpu.memref_slice %arg10[%dma_start3A_987] : memref<1000064xf32, #tpu.memory_space<vmem_shared>> -> memref<1000064xf32, #tpu.memory_space<vmem_shared>>
      tpu.enqueue_indirect_dma source(%dma_start3A_988 : memref<1000064xf32, #tpu.memory_space<vmem_shared>>) target(%dma_start3A_983 : memref<128xf32, #tpu.memory_space<vmem>>) offsets(%dma_start3A_986 : memref<128xi32, #tpu.memory_space<vmem>>) semaphore(%arg16 : memref<!tpu.dma_semaphore, #tpu.memory_space<semaphore_mem>>)
      %dma_start3A_989 = arith.constant 3 : i32
      %dma_start3A_990 = arith.constant 384 : i32
      %dma_start3A_991 = tpu.memref_slice %arg12[%dma_start3A_990] : memref<1024xf32, #tpu.memory_space<vmem>> -> memref<128xf32, #tpu.memory_space<vmem>>
      %dma_start3A_992 = arith.constant 0 : i32
      %dma_start3A_993 = tpu.memref_slice %arg8[%dma_start3A_989, %dma_start3A_992] : memref<8x128xi32, #tpu.memory_space<vmem>> -> memref<1x128xi32, #tpu.memory_space<vmem>>
      %dma_start3A_994 = tpu.memref_squeeze %dma_start3A_993 : memref<1x128xi32, #tpu.memory_space<vmem>> -> memref<128xi32, #tpu.memory_space<vmem>>
      %dma_start3A_995 = arith.constant 0 : i32
      %dma_start3A_996 = tpu.memref_slice %arg10[%dma_start3A_995] : memref<1000064xf32, #tpu.memory_space<vmem_shared>> -> memref<1000064xf32, #tpu.memory_space<vmem_shared>>
      tpu.enqueue_indirect_dma source(%dma_start3A_996 : memref<1000064xf32, #tpu.memory_space<vmem_shared>>) target(%dma_start3A_991 : memref<128xf32, #tpu.memory_space<vmem>>) offsets(%dma_start3A_994 : memref<128xi32, #tpu.memory_space<vmem>>) semaphore(%arg16 : memref<!tpu.dma_semaphore, #tpu.memory_space<semaphore_mem>>)
      %dma_start3A_997 = arith.constant 4 : i32
      %dma_start3A_998 = arith.constant 512 : i32
      %dma_start3A_999 = tpu.memref_slice %arg11[%dma_start3A_998] : memref<1024xf32, #tpu.memory_space<vmem>> -> memref<128xf32, #tpu.memory_space<vmem>>
      %dma_start3A_1000 = arith.constant 0 : i32
      %dma_start3A_1001 = tpu.memref_slice %arg7[%dma_start3A_997, %dma_start3A_1000] : memref<8x128xi32, #tpu.memory_space<vmem>> -> memref<1x128xi32, #tpu.memory_space<vmem>>
      %dma_start3A_1002 = tpu.memref_squeeze %dma_start3A_1001 : memref<1x128xi32, #tpu.memory_space<vmem>> -> memref<128xi32, #tpu.memory_space<vmem>>
      %dma_start3A_1003 = arith.constant 0 : i32
      %dma_start3A_1004 = tpu.memref_slice %arg10[%dma_start3A_1003] : memref<1000064xf32, #tpu.memory_space<vmem_shared>> -> memref<1000064xf32, #tpu.memory_space<vmem_shared>>
      tpu.enqueue_indirect_dma source(%dma_start3A_1004 : memref<1000064xf32, #tpu.memory_space<vmem_shared>>) target(%dma_start3A_999 : memref<128xf32, #tpu.memory_space<vmem>>) offsets(%dma_start3A_1002 : memref<128xi32, #tpu.memory_space<vmem>>) semaphore(%arg16 : memref<!tpu.dma_semaphore, #tpu.memory_space<semaphore_mem>>)
      %dma_start3A_1005 = arith.constant 4 : i32
      %dma_start3A_1006 = arith.constant 512 : i32
      %dma_start3A_1007 = tpu.memref_slice %arg12[%dma_start3A_1006] : memref<1024xf32, #tpu.memory_space<vmem>> -> memref<128xf32, #tpu.memory_space<vmem>>
      %dma_start3A_1008 = arith.constant 0 : i32
      %dma_start3A_1009 = tpu.memref_slice %arg8[%dma_start3A_1005, %dma_start3A_1008] : memref<8x128xi32, #tpu.memory_space<vmem>> -> memref<1x128xi32, #tpu.memory_space<vmem>>
      %dma_start3A_1010 = tpu.memref_squeeze %dma_start3A_1009 : memref<1x128xi32, #tpu.memory_space<vmem>> -> memref<128xi32, #tpu.memory_space<vmem>>
      %dma_start3A_1011 = arith.constant 0 : i32
      %dma_start3A_1012 = tpu.memref_slice %arg10[%dma_start3A_1011] : memref<1000064xf32, #tpu.memory_space<vmem_shared>> -> memref<1000064xf32, #tpu.memory_space<vmem_shared>>
      tpu.enqueue_indirect_dma source(%dma_start3A_1012 : memref<1000064xf32, #tpu.memory_space<vmem_shared>>) target(%dma_start3A_1007 : memref<128xf32, #tpu.memory_space<vmem>>) offsets(%dma_start3A_1010 : memref<128xi32, #tpu.memory_space<vmem>>) semaphore(%arg16 : memref<!tpu.dma_semaphore, #tpu.memory_space<semaphore_mem>>)
      %dma_start3A_1013 = arith.constant 5 : i32
      %dma_start3A_1014 = arith.constant 640 : i32
      %dma_start3A_1015 = tpu.memref_slice %arg11[%dma_start3A_1014] : memref<1024xf32, #tpu.memory_space<vmem>> -> memref<128xf32, #tpu.memory_space<vmem>>
      %dma_start3A_1016 = arith.constant 0 : i32
      %dma_start3A_1017 = tpu.memref_slice %arg7[%dma_start3A_1013, %dma_start3A_1016] : memref<8x128xi32, #tpu.memory_space<vmem>> -> memref<1x128xi32, #tpu.memory_space<vmem>>
      %dma_start3A_1018 = tpu.memref_squeeze %dma_start3A_1017 : memref<1x128xi32, #tpu.memory_space<vmem>> -> memref<128xi32, #tpu.memory_space<vmem>>
      %dma_start3A_1019 = arith.constant 0 : i32
      %dma_start3A_1020 = tpu.memref_slice %arg10[%dma_start3A_1019] : memref<1000064xf32, #tpu.memory_space<vmem_shared>> -> memref<1000064xf32, #tpu.memory_space<vmem_shared>>
      tpu.enqueue_indirect_dma source(%dma_start3A_1020 : memref<1000064xf32, #tpu.memory_space<vmem_shared>>) target(%dma_start3A_1015 : memref<128xf32, #tpu.memory_space<vmem>>) offsets(%dma_start3A_1018 : memref<128xi32, #tpu.memory_space<vmem>>) semaphore(%arg16 : memref<!tpu.dma_semaphore, #tpu.memory_space<semaphore_mem>>)
      %dma_start3A_1021 = arith.constant 5 : i32
      %dma_start3A_1022 = arith.constant 640 : i32
      %dma_start3A_1023 = tpu.memref_slice %arg12[%dma_start3A_1022] : memref<1024xf32, #tpu.memory_space<vmem>> -> memref<128xf32, #tpu.memory_space<vmem>>
      %dma_start3A_1024 = arith.constant 0 : i32
      %dma_start3A_1025 = tpu.memref_slice %arg8[%dma_start3A_1021, %dma_start3A_1024] : memref<8x128xi32, #tpu.memory_space<vmem>> -> memref<1x128xi32, #tpu.memory_space<vmem>>
      %dma_start3A_1026 = tpu.memref_squeeze %dma_start3A_1025 : memref<1x128xi32, #tpu.memory_space<vmem>> -> memref<128xi32, #tpu.memory_space<vmem>>
      %dma_start3A_1027 = arith.constant 0 : i32
      %dma_start3A_1028 = tpu.memref_slice %arg10[%dma_start3A_1027] : memref<1000064xf32, #tpu.memory_space<vmem_shared>> -> memref<1000064xf32, #tpu.memory_space<vmem_shared>>
      tpu.enqueue_indirect_dma source(%dma_start3A_1028 : memref<1000064xf32, #tpu.memory_space<vmem_shared>>) target(%dma_start3A_1023 : memref<128xf32, #tpu.memory_space<vmem>>) offsets(%dma_start3A_1026 : memref<128xi32, #tpu.memory_space<vmem>>) semaphore(%arg16 : memref<!tpu.dma_semaphore, #tpu.memory_space<semaphore_mem>>)
      %dma_start3A_1029 = arith.constant 6 : i32
      %dma_start3A_1030 = arith.constant 768 : i32
      %dma_start3A_1031 = tpu.memref_slice %arg11[%dma_start3A_1030] : memref<1024xf32, #tpu.memory_space<vmem>> -> memref<128xf32, #tpu.memory_space<vmem>>
      %dma_start3A_1032 = arith.constant 0 : i32
      %dma_start3A_1033 = tpu.memref_slice %arg7[%dma_start3A_1029, %dma_start3A_1032] : memref<8x128xi32, #tpu.memory_space<vmem>> -> memref<1x128xi32, #tpu.memory_space<vmem>>
      %dma_start3A_1034 = tpu.memref_squeeze %dma_start3A_1033 : memref<1x128xi32, #tpu.memory_space<vmem>> -> memref<128xi32, #tpu.memory_space<vmem>>
      %dma_start3A_1035 = arith.constant 0 : i32
      %dma_start3A_1036 = tpu.memref_slice %arg10[%dma_start3A_1035] : memref<1000064xf32, #tpu.memory_space<vmem_shared>> -> memref<1000064xf32, #tpu.memory_space<vmem_shared>>
      tpu.enqueue_indirect_dma source(%dma_start3A_1036 : memref<1000064xf32, #tpu.memory_space<vmem_shared>>) target(%dma_start3A_1031 : memref<128xf32, #tpu.memory_space<vmem>>) offsets(%dma_start3A_1034 : memref<128xi32, #tpu.memory_space<vmem>>) semaphore(%arg16 : memref<!tpu.dma_semaphore, #tpu.memory_space<semaphore_mem>>)
      %dma_start3A_1037 = arith.constant 6 : i32
      %dma_start3A_1038 = arith.constant 768 : i32
      %dma_start3A_1039 = tpu.memref_slice %arg12[%dma_start3A_1038] : memref<1024xf32, #tpu.memory_space<vmem>> -> memref<128xf32, #tpu.memory_space<vmem>>
      %dma_start3A_1040 = arith.constant 0 : i32
      %dma_start3A_1041 = tpu.memref_slice %arg8[%dma_start3A_1037, %dma_start3A_1040] : memref<8x128xi32, #tpu.memory_space<vmem>> -> memref<1x128xi32, #tpu.memory_space<vmem>>
      %dma_start3A_1042 = tpu.memref_squeeze %dma_start3A_1041 : memref<1x128xi32, #tpu.memory_space<vmem>> -> memref<128xi32, #tpu.memory_space<vmem>>
      %dma_start3A_1043 = arith.constant 0 : i32
      %dma_start3A_1044 = tpu.memref_slice %arg10[%dma_start3A_1043] : memref<1000064xf32, #tpu.memory_space<vmem_shared>> -> memref<1000064xf32, #tpu.memory_space<vmem_shared>>
      tpu.enqueue_indirect_dma source(%dma_start3A_1044 : memref<1000064xf32, #tpu.memory_space<vmem_shared>>) target(%dma_start3A_1039 : memref<128xf32, #tpu.memory_space<vmem>>) offsets(%dma_start3A_1042 : memref<128xi32, #tpu.memory_space<vmem>>) semaphore(%arg16 : memref<!tpu.dma_semaphore, #tpu.memory_space<semaphore_mem>>)
      %dma_start3A_1045 = arith.constant 7 : i32
      %dma_start3A_1046 = arith.constant 896 : i32
      %dma_start3A_1047 = tpu.memref_slice %arg11[%dma_start3A_1046] : memref<1024xf32, #tpu.memory_space<vmem>> -> memref<128xf32, #tpu.memory_space<vmem>>
      %dma_start3A_1048 = arith.constant 0 : i32
      %dma_start3A_1049 = tpu.memref_slice %arg7[%dma_start3A_1045, %dma_start3A_1048] : memref<8x128xi32, #tpu.memory_space<vmem>> -> memref<1x128xi32, #tpu.memory_space<vmem>>
      %dma_start3A_1050 = tpu.memref_squeeze %dma_start3A_1049 : memref<1x128xi32, #tpu.memory_space<vmem>> -> memref<128xi32, #tpu.memory_space<vmem>>
      %dma_start3A_1051 = arith.constant 0 : i32
      %dma_start3A_1052 = tpu.memref_slice %arg10[%dma_start3A_1051] : memref<1000064xf32, #tpu.memory_space<vmem_shared>> -> memref<1000064xf32, #tpu.memory_space<vmem_shared>>
      tpu.enqueue_indirect_dma source(%dma_start3A_1052 : memref<1000064xf32, #tpu.memory_space<vmem_shared>>) target(%dma_start3A_1047 : memref<128xf32, #tpu.memory_space<vmem>>) offsets(%dma_start3A_1050 : memref<128xi32, #tpu.memory_space<vmem>>) semaphore(%arg16 : memref<!tpu.dma_semaphore, #tpu.memory_space<semaphore_mem>>)
      %dma_start3A_1053 = arith.constant 7 : i32
      %dma_start3A_1054 = arith.constant 896 : i32
      %dma_start3A_1055 = tpu.memref_slice %arg12[%dma_start3A_1054] : memref<1024xf32, #tpu.memory_space<vmem>> -> memref<128xf32, #tpu.memory_space<vmem>>
      %dma_start3A_1056 = arith.constant 0 : i32
      %dma_start3A_1057 = tpu.memref_slice %arg8[%dma_start3A_1053, %dma_start3A_1056] : memref<8x128xi32, #tpu.memory_space<vmem>> -> memref<1x128xi32, #tpu.memory_space<vmem>>
      %dma_start3A_1058 = tpu.memref_squeeze %dma_start3A_1057 : memref<1x128xi32, #tpu.memory_space<vmem>> -> memref<128xi32, #tpu.memory_space<vmem>>
      %dma_start3A_1059 = arith.constant 0 : i32
      %dma_start3A_1060 = tpu.memref_slice %arg10[%dma_start3A_1059] : memref<1000064xf32, #tpu.memory_space<vmem_shared>> -> memref<1000064xf32, #tpu.memory_space<vmem_shared>>
      tpu.enqueue_indirect_dma source(%dma_start3A_1060 : memref<1000064xf32, #tpu.memory_space<vmem_shared>>) target(%dma_start3A_1055 : memref<128xf32, #tpu.memory_space<vmem>>) offsets(%dma_start3A_1058 : memref<128xi32, #tpu.memory_space<vmem>>) semaphore(%arg16 : memref<!tpu.dma_semaphore, #tpu.memory_space<semaphore_mem>>)
      %dma_wait3A_1061 = arith.constant 0 : i32
      %dma_wait3A_1062 = arith.constant 0 : i32
      %dma_wait3A_1063 = tpu.memref_slice %arg11[%dma_wait3A_1062] : memref<1024xf32, #tpu.memory_space<vmem>> -> memref<128xf32, #tpu.memory_space<vmem>>
      %dma_wait3A_1064 = arith.constant 0 : i32
      %dma_wait3A_1065 = tpu.memref_slice %arg7[%dma_wait3A_1061, %dma_wait3A_1064] : memref<8x128xi32, #tpu.memory_space<vmem>> -> memref<1x128xi32, #tpu.memory_space<vmem>>
      %dma_wait3A_1066 = tpu.memref_squeeze %dma_wait3A_1065 : memref<1x128xi32, #tpu.memory_space<vmem>> -> memref<128xi32, #tpu.memory_space<vmem>>
      %dma_wait3A_1067 = arith.constant 0 : i32
      %dma_wait3A_1068 = tpu.memref_slice %arg10[%dma_wait3A_1067] : memref<1000064xf32, #tpu.memory_space<vmem_shared>> -> memref<1000064xf32, #tpu.memory_space<vmem_shared>>
      tpu.wait_indirect_dma semaphore(%arg16 : memref<!tpu.dma_semaphore, #tpu.memory_space<semaphore_mem>>) src(%dma_wait3A_1068 : memref<1000064xf32, #tpu.memory_space<vmem_shared>>) dst(%dma_wait3A_1063 : memref<128xf32, #tpu.memory_space<vmem>>)
      %dma_wait3A_1069 = arith.constant 0 : i32
      %dma_wait3A_1070 = arith.constant 0 : i32
      %dma_wait3A_1071 = tpu.memref_slice %arg12[%dma_wait3A_1070] : memref<1024xf32, #tpu.memory_space<vmem>> -> memref<128xf32, #tpu.memory_space<vmem>>
      %dma_wait3A_1072 = arith.constant 0 : i32
      %dma_wait3A_1073 = tpu.memref_slice %arg8[%dma_wait3A_1069, %dma_wait3A_1072] : memref<8x128xi32, #tpu.memory_space<vmem>> -> memref<1x128xi32, #tpu.memory_space<vmem>>
      %dma_wait3A_1074 = tpu.memref_squeeze %dma_wait3A_1073 : memref<1x128xi32, #tpu.memory_space<vmem>> -> memref<128xi32, #tpu.memory_space<vmem>>
      %dma_wait3A_1075 = arith.constant 0 : i32
      %dma_wait3A_1076 = tpu.memref_slice %arg10[%dma_wait3A_1075] : memref<1000064xf32, #tpu.memory_space<vmem_shared>> -> memref<1000064xf32, #tpu.memory_space<vmem_shared>>
      tpu.wait_indirect_dma semaphore(%arg16 : memref<!tpu.dma_semaphore, #tpu.memory_space<semaphore_mem>>) src(%dma_wait3A_1076 : memref<1000064xf32, #tpu.memory_space<vmem_shared>>) dst(%dma_wait3A_1071 : memref<128xf32, #tpu.memory_space<vmem>>)
      %get3A_1077 = arith.constant 0 : index
      %get3A_1078 = tpu.vector_load %arg11[%get3A_1077] {strides = array<i32>} : memref<1024xf32, #tpu.memory_space<vmem>>, vector<16xf32>,
      %get3A_1079 = arith.constant 0 : index
      %get3A_1080 = tpu.vector_load %arg12[%get3A_1079] {strides = array<i32>} : memref<1024xf32, #tpu.memory_space<vmem>>, vector<16xf32>,
      %mul3A_1081 = arith.mulf %get3A_1078, %get3A_1080 : vector<16xf32>
      %swap3A_1082 = arith.constant 0 : index
      %swap3A_1083 = tpu.vector_load %arg13[%swap3A_1082] {strides = array<i32>} : memref<1024xf32, #tpu.memory_space<vmem>>, vector<16xf32>,
      tpu.vector_store %arg13[%swap3A_1082], %mul3A_1081 {add = true, strides = array<i32>} : memref<1024xf32, #tpu.memory_space<vmem>>, vector<16xf32>,
      %get3A_1084 = arith.constant 16 : index
      %get3A_1085 = tpu.vector_load %arg11[%get3A_1084] {strides = array<i32>} : memref<1024xf32, #tpu.memory_space<vmem>>, vector<16xf32>,
      %get3A_1086 = arith.constant 16 : index
      %get3A_1087 = tpu.vector_load %arg12[%get3A_1086] {strides = array<i32>} : memref<1024xf32, #tpu.memory_space<vmem>>, vector<16xf32>,
      %mul3A_1088 = arith.mulf %get3A_1085, %get3A_1087 : vector<16xf32>
      %swap3A_1089 = arith.constant 16 : index
      %swap3A_1090 = tpu.vector_load %arg13[%swap3A_1089] {strides = array<i32>} : memref<1024xf32, #tpu.memory_space<vmem>>, vector<16xf32>,
      tpu.vector_store %arg13[%swap3A_1089], %mul3A_1088 {add = true, strides = array<i32>} : memref<1024xf32, #tpu.memory_space<vmem>>, vector<16xf32>,
      %get3A_1091 = arith.constant 32 : index
      %get3A_1092 = tpu.vector_load %arg11[%get3A_1091] {strides = array<i32>} : memref<1024xf32, #tpu.memory_space<vmem>>, vector<16xf32>,
      %get3A_1093 = arith.constant 32 : index
      %get3A_1094 = tpu.vector_load %arg12[%get3A_1093] {strides = array<i32>} : memref<1024xf32, #tpu.memory_space<vmem>>, vector<16xf32>,
      %mul3A_1095 = arith.mulf %get3A_1092, %get3A_1094 : vector<16xf32>
      %swap3A_1096 = arith.constant 32 : index
      %swap3A_1097 = tpu.vector_load %arg13[%swap3A_1096] {strides = array<i32>} : memref<1024xf32, #tpu.memory_space<vmem>>, vector<16xf32>,
      tpu.vector_store %arg13[%swap3A_1096], %mul3A_1095 {add = true, strides = array<i32>} : memref<1024xf32, #tpu.memory_space<vmem>>, vector<16xf32>,
      %get3A_1098 = arith.constant 48 : index
      %get3A_1099 = tpu.vector_load %arg11[%get3A_1098] {strides = array<i32>} : memref<1024xf32, #tpu.memory_space<vmem>>, vector<16xf32>,
      %get3A_1100 = arith.constant 48 : index
      %get3A_1101 = tpu.vector_load %arg12[%get3A_1100] {strides = array<i32>} : memref<1024xf32, #tpu.memory_space<vmem>>, vector<16xf32>,
      %mul3A_1102 = arith.mulf %get3A_1099, %get3A_1101 : vector<16xf32>
      %swap3A_1103 = arith.constant 48 : index
      %swap3A_1104 = tpu.vector_load %arg13[%swap3A_1103] {strides = array<i32>} : memref<1024xf32, #tpu.memory_space<vmem>>, vector<16xf32>,
      tpu.vector_store %arg13[%swap3A_1103], %mul3A_1102 {add = true, strides = array<i32>} : memref<1024xf32, #tpu.memory_space<vmem>>, vector<16xf32>,
      %get3A_1105 = arith.constant 64 : index
      %get3A_1106 = tpu.vector_load %arg11[%get3A_1105] {strides = array<i32>} : memref<1024xf32, #tpu.memory_space<vmem>>, vector<16xf32>,
      %get3A_1107 = arith.constant 64 : index
      %get3A_1108 = tpu.vector_load %arg12[%get3A_1107] {strides = array<i32>} : memref<1024xf32, #tpu.memory_space<vmem>>, vector<16xf32>,
      %mul3A_1109 = arith.mulf %get3A_1106, %get3A_1108 : vector<16xf32>
      %swap3A_1110 = arith.constant 64 : index
      %swap3A_1111 = tpu.vector_load %arg13[%swap3A_1110] {strides = array<i32>} : memref<1024xf32, #tpu.memory_space<vmem>>, vector<16xf32>,
      tpu.vector_store %arg13[%swap3A_1110], %mul3A_1109 {add = true, strides = array<i32>} : memref<1024xf32, #tpu.memory_space<vmem>>, vector<16xf32>,
      %get3A_1112 = arith.constant 80 : index
      %get3A_1113 = tpu.vector_load %arg11[%get3A_1112] {strides = array<i32>} : memref<1024xf32, #tpu.memory_space<vmem>>, vector<16xf32>,
      %get3A_1114 = arith.constant 80 : index
      %get3A_1115 = tpu.vector_load %arg12[%get3A_1114] {strides = array<i32>} : memref<1024xf32, #tpu.memory_space<vmem>>, vector<16xf32>,
      %mul3A_1116 = arith.mulf %get3A_1113, %get3A_1115 : vector<16xf32>
      %swap3A_1117 = arith.constant 80 : index
      %swap3A_1118 = tpu.vector_load %arg13[%swap3A_1117] {strides = array<i32>} : memref<1024xf32, #tpu.memory_space<vmem>>, vector<16xf32>,
      tpu.vector_store %arg13[%swap3A_1117], %mul3A_1116 {add = true, strides = array<i32>} : memref<1024xf32, #tpu.memory_space<vmem>>, vector<16xf32>,
      %get3A_1119 = arith.constant 96 : index
      %get3A_1120 = tpu.vector_load %arg11[%get3A_1119] {strides = array<i32>} : memref<1024xf32, #tpu.memory_space<vmem>>, vector<16xf32>,
      %get3A_1121 = arith.constant 96 : index
      %get3A_1122 = tpu.vector_load %arg12[%get3A_1121] {strides = array<i32>} : memref<1024xf32, #tpu.memory_space<vmem>>, vector<16xf32>,
      %mul3A_1123 = arith.mulf %get3A_1120, %get3A_1122 : vector<16xf32>
      %swap3A_1124 = arith.constant 96 : index
      %swap3A_1125 = tpu.vector_load %arg13[%swap3A_1124] {strides = array<i32>} : memref<1024xf32, #tpu.memory_space<vmem>>, vector<16xf32>,
      tpu.vector_store %arg13[%swap3A_1124], %mul3A_1123 {add = true, strides = array<i32>} : memref<1024xf32, #tpu.memory_space<vmem>>, vector<16xf32>,
      %get3A_1126 = arith.constant 112 : index
      %get3A_1127 = tpu.vector_load %arg11[%get3A_1126] {strides = array<i32>} : memref<1024xf32, #tpu.memory_space<vmem>>, vector<16xf32>,
      %get3A_1128 = arith.constant 112 : index
      %get3A_1129 = tpu.vector_load %arg12[%get3A_1128] {strides = array<i32>} : memref<1024xf32, #tpu.memory_space<vmem>>, vector<16xf32>,
      %mul3A_1130 = arith.mulf %get3A_1127, %get3A_1129 : vector<16xf32>
      %swap3A_1131 = arith.constant 112 : index
      %swap3A_1132 = tpu.vector_load %arg13[%swap3A_1131] {strides = array<i32>} : memref<1024xf32, #tpu.memory_space<vmem>>, vector<16xf32>,
      tpu.vector_store %arg13[%swap3A_1131], %mul3A_1130 {add = true, strides = array<i32>} : memref<1024xf32, #tpu.memory_space<vmem>>, vector<16xf32>,
      %dma_wait3A_1133 = arith.constant 1 : i32
      %dma_wait3A_1134 = arith.constant 128 : i32
      %dma_wait3A_1135 = tpu.memref_slice %arg11[%dma_wait3A_1134] : memref<1024xf32, #tpu.memory_space<vmem>> -> memref<128xf32, #tpu.memory_space<vmem>>
      %dma_wait3A_1136 = arith.constant 0 : i32
      %dma_wait3A_1137 = tpu.memref_slice %arg7[%dma_wait3A_1133, %dma_wait3A_1136] : memref<8x128xi32, #tpu.memory_space<vmem>> -> memref<1x128xi32, #tpu.memory_space<vmem>>
      %dma_wait3A_1138 = tpu.memref_squeeze %dma_wait3A_1137 : memref<1x128xi32, #tpu.memory_space<vmem>> -> memref<128xi32, #tpu.memory_space<vmem>>
      %dma_wait3A_1139 = arith.constant 0 : i32
      %dma_wait3A_1140 = tpu.memref_slice %arg10[%dma_wait3A_1139] : memref<1000064xf32, #tpu.memory_space<vmem_shared>> -> memref<1000064xf32, #tpu.memory_space<vmem_shared>>
      tpu.wait_indirect_dma semaphore(%arg16 : memref<!tpu.dma_semaphore, #tpu.memory_space<semaphore_mem>>) src(%dma_wait3A_1140 : memref<1000064xf32, #tpu.memory_space<vmem_shared>>) dst(%dma_wait3A_1135 : memref<128xf32, #tpu.memory_space<vmem>>)
      %dma_wait3A_1141 = arith.constant 1 : i32
      %dma_wait3A_1142 = arith.constant 128 : i32
      %dma_wait3A_1143 = tpu.memref_slice %arg12[%dma_wait3A_1142] : memref<1024xf32, #tpu.memory_space<vmem>> -> memref<128xf32, #tpu.memory_space<vmem>>
      %dma_wait3A_1144 = arith.constant 0 : i32
      %dma_wait3A_1145 = tpu.memref_slice %arg8[%dma_wait3A_1141, %dma_wait3A_1144] : memref<8x128xi32, #tpu.memory_space<vmem>> -> memref<1x128xi32, #tpu.memory_space<vmem>>
      %dma_wait3A_1146 = tpu.memref_squeeze %dma_wait3A_1145 : memref<1x128xi32, #tpu.memory_space<vmem>> -> memref<128xi32, #tpu.memory_space<vmem>>
      %dma_wait3A_1147 = arith.constant 0 : i32
      %dma_wait3A_1148 = tpu.memref_slice %arg10[%dma_wait3A_1147] : memref<1000064xf32, #tpu.memory_space<vmem_shared>> -> memref<1000064xf32, #tpu.memory_space<vmem_shared>>
      tpu.wait_indirect_dma semaphore(%arg16 : memref<!tpu.dma_semaphore, #tpu.memory_space<semaphore_mem>>) src(%dma_wait3A_1148 : memref<1000064xf32, #tpu.memory_space<vmem_shared>>) dst(%dma_wait3A_1143 : memref<128xf32, #tpu.memory_space<vmem>>)
      %get3A_1149 = arith.constant 128 : index
      %get3A_1150 = tpu.vector_load %arg11[%get3A_1149] {strides = array<i32>} : memref<1024xf32, #tpu.memory_space<vmem>>, vector<16xf32>,
      %get3A_1151 = arith.constant 128 : index
      %get3A_1152 = tpu.vector_load %arg12[%get3A_1151] {strides = array<i32>} : memref<1024xf32, #tpu.memory_space<vmem>>, vector<16xf32>,
      %mul3A_1153 = arith.mulf %get3A_1150, %get3A_1152 : vector<16xf32>
      %swap3A_1154 = arith.constant 128 : index
      %swap3A_1155 = tpu.vector_load %arg13[%swap3A_1154] {strides = array<i32>} : memref<1024xf32, #tpu.memory_space<vmem>>, vector<16xf32>,
      tpu.vector_store %arg13[%swap3A_1154], %mul3A_1153 {add = true, strides = array<i32>} : memref<1024xf32, #tpu.memory_space<vmem>>, vector<16xf32>,
      %get3A_1156 = arith.constant 144 : index
      %get3A_1157 = tpu.vector_load %arg11[%get3A_1156] {strides = array<i32>} : memref<1024xf32, #tpu.memory_space<vmem>>, vector<16xf32>,
      %get3A_1158 = arith.constant 144 : index
      %get3A_1159 = tpu.vector_load %arg12[%get3A_1158] {strides = array<i32>} : memref<1024xf32, #tpu.memory_space<vmem>>, vector<16xf32>,
      %mul3A_1160 = arith.mulf %get3A_1157, %get3A_1159 : vector<16xf32>
      %swap3A_1161 = arith.constant 144 : index
      %swap3A_1162 = tpu.vector_load %arg13[%swap3A_1161] {strides = array<i32>} : memref<1024xf32, #tpu.memory_space<vmem>>, vector<16xf32>,
      tpu.vector_store %arg13[%swap3A_1161], %mul3A_1160 {add = true, strides = array<i32>} : memref<1024xf32, #tpu.memory_space<vmem>>, vector<16xf32>,
      %get3A_1163 = arith.constant 160 : index
      %get3A_1164 = tpu.vector_load %arg11[%get3A_1163] {strides = array<i32>} : memref<1024xf32, #tpu.memory_space<vmem>>, vector<16xf32>,
      %get3A_1165 = arith.constant 160 : index
      %get3A_1166 = tpu.vector_load %arg12[%get3A_1165] {strides = array<i32>} : memref<1024xf32, #tpu.memory_space<vmem>>, vector<16xf32>,
      %mul3A_1167 = arith.mulf %get3A_1164, %get3A_1166 : vector<16xf32>
      %swap3A_1168 = arith.constant 160 : index
      %swap3A_1169 = tpu.vector_load %arg13[%swap3A_1168] {strides = array<i32>} : memref<1024xf32, #tpu.memory_space<vmem>>, vector<16xf32>,
      tpu.vector_store %arg13[%swap3A_1168], %mul3A_1167 {add = true, strides = array<i32>} : memref<1024xf32, #tpu.memory_space<vmem>>, vector<16xf32>,
      %get3A_1170 = arith.constant 176 : index
      %get3A_1171 = tpu.vector_load %arg11[%get3A_1170] {strides = array<i32>} : memref<1024xf32, #tpu.memory_space<vmem>>, vector<16xf32>,
      %get3A_1172 = arith.constant 176 : index
      %get3A_1173 = tpu.vector_load %arg12[%get3A_1172] {strides = array<i32>} : memref<1024xf32, #tpu.memory_space<vmem>>, vector<16xf32>,
      %mul3A_1174 = arith.mulf %get3A_1171, %get3A_1173 : vector<16xf32>
      %swap3A_1175 = arith.constant 176 : index
      %swap3A_1176 = tpu.vector_load %arg13[%swap3A_1175] {strides = array<i32>} : memref<1024xf32, #tpu.memory_space<vmem>>, vector<16xf32>,
      tpu.vector_store %arg13[%swap3A_1175], %mul3A_1174 {add = true, strides = array<i32>} : memref<1024xf32, #tpu.memory_space<vmem>>, vector<16xf32>,
      %get3A_1177 = arith.constant 192 : index
      %get3A_1178 = tpu.vector_load %arg11[%get3A_1177] {strides = array<i32>} : memref<1024xf32, #tpu.memory_space<vmem>>, vector<16xf32>,
      %get3A_1179 = arith.constant 192 : index
      %get3A_1180 = tpu.vector_load %arg12[%get3A_1179] {strides = array<i32>} : memref<1024xf32, #tpu.memory_space<vmem>>, vector<16xf32>,
      %mul3A_1181 = arith.mulf %get3A_1178, %get3A_1180 : vector<16xf32>
      %swap3A_1182 = arith.constant 192 : index
      %swap3A_1183 = tpu.vector_load %arg13[%swap3A_1182] {strides = array<i32>} : memref<1024xf32, #tpu.memory_space<vmem>>, vector<16xf32>,
      tpu.vector_store %arg13[%swap3A_1182], %mul3A_1181 {add = true, strides = array<i32>} : memref<1024xf32, #tpu.memory_space<vmem>>, vector<16xf32>,
      %get3A_1184 = arith.constant 208 : index
      %get3A_1185 = tpu.vector_load %arg11[%get3A_1184] {strides = array<i32>} : memref<1024xf32, #tpu.memory_space<vmem>>, vector<16xf32>,
      %get3A_1186 = arith.constant 208 : index
      %get3A_1187 = tpu.vector_load %arg12[%get3A_1186] {strides = array<i32>} : memref<1024xf32, #tpu.memory_space<vmem>>, vector<16xf32>,
      %mul3A_1188 = arith.mulf %get3A_1185, %get3A_1187 : vector<16xf32>
      %swap3A_1189 = arith.constant 208 : index
      %swap3A_1190 = tpu.vector_load %arg13[%swap3A_1189] {strides = array<i32>} : memref<1024xf32, #tpu.memory_space<vmem>>, vector<16xf32>,
      tpu.vector_store %arg13[%swap3A_1189], %mul3A_1188 {add = true, strides = array<i32>} : memref<1024xf32, #tpu.memory_space<vmem>>, vector<16xf32>,
      %get3A_1191 = arith.constant 224 : index
      %get3A_1192 = tpu.vector_load %arg11[%get3A_1191] {strides = array<i32>} : memref<1024xf32, #tpu.memory_space<vmem>>, vector<16xf32>,
      %get3A_1193 = arith.constant 224 : index
      %get3A_1194 = tpu.vector_load %arg12[%get3A_1193] {strides = array<i32>} : memref<1024xf32, #tpu.memory_space<vmem>>, vector<16xf32>,
      %mul3A_1195 = arith.mulf %get3A_1192, %get3A_1194 : vector<16xf32>
      %swap3A_1196 = arith.constant 224 : index
      %swap3A_1197 = tpu.vector_load %arg13[%swap3A_1196] {strides = array<i32>} : memref<1024xf32, #tpu.memory_space<vmem>>, vector<16xf32>,
      tpu.vector_store %arg13[%swap3A_1196], %mul3A_1195 {add = true, strides = array<i32>} : memref<1024xf32, #tpu.memory_space<vmem>>, vector<16xf32>,
      %get3A_1198 = arith.constant 240 : index
      %get3A_1199 = tpu.vector_load %arg11[%get3A_1198] {strides = array<i32>} : memref<1024xf32, #tpu.memory_space<vmem>>, vector<16xf32>,
      %get3A_1200 = arith.constant 240 : index
      %get3A_1201 = tpu.vector_load %arg12[%get3A_1200] {strides = array<i32>} : memref<1024xf32, #tpu.memory_space<vmem>>, vector<16xf32>,
      %mul3A_1202 = arith.mulf %get3A_1199, %get3A_1201 : vector<16xf32>
      %swap3A_1203 = arith.constant 240 : index
      %swap3A_1204 = tpu.vector_load %arg13[%swap3A_1203] {strides = array<i32>} : memref<1024xf32, #tpu.memory_space<vmem>>, vector<16xf32>,
      tpu.vector_store %arg13[%swap3A_1203], %mul3A_1202 {add = true, strides = array<i32>} : memref<1024xf32, #tpu.memory_space<vmem>>, vector<16xf32>,
      %dma_wait3A_1205 = arith.constant 2 : i32
      %dma_wait3A_1206 = arith.constant 256 : i32
      %dma_wait3A_1207 = tpu.memref_slice %arg11[%dma_wait3A_1206] : memref<1024xf32, #tpu.memory_space<vmem>> -> memref<128xf32, #tpu.memory_space<vmem>>
      %dma_wait3A_1208 = arith.constant 0 : i32
      %dma_wait3A_1209 = tpu.memref_slice %arg7[%dma_wait3A_1205, %dma_wait3A_1208] : memref<8x128xi32, #tpu.memory_space<vmem>> -> memref<1x128xi32, #tpu.memory_space<vmem>>
      %dma_wait3A_1210 = tpu.memref_squeeze %dma_wait3A_1209 : memref<1x128xi32, #tpu.memory_space<vmem>> -> memref<128xi32, #tpu.memory_space<vmem>>
      %dma_wait3A_1211 = arith.constant 0 : i32
      %dma_wait3A_1212 = tpu.memref_slice %arg10[%dma_wait3A_1211] : memref<1000064xf32, #tpu.memory_space<vmem_shared>> -> memref<1000064xf32, #tpu.memory_space<vmem_shared>>
      tpu.wait_indirect_dma semaphore(%arg16 : memref<!tpu.dma_semaphore, #tpu.memory_space<semaphore_mem>>) src(%dma_wait3A_1212 : memref<1000064xf32, #tpu.memory_space<vmem_shared>>) dst(%dma_wait3A_1207 : memref<128xf32, #tpu.memory_space<vmem>>)
      %dma_wait3A_1213 = arith.constant 2 : i32
      %dma_wait3A_1214 = arith.constant 256 : i32
      %dma_wait3A_1215 = tpu.memref_slice %arg12[%dma_wait3A_1214] : memref<1024xf32, #tpu.memory_space<vmem>> -> memref<128xf32, #tpu.memory_space<vmem>>
      %dma_wait3A_1216 = arith.constant 0 : i32
      %dma_wait3A_1217 = tpu.memref_slice %arg8[%dma_wait3A_1213, %dma_wait3A_1216] : memref<8x128xi32, #tpu.memory_space<vmem>> -> memref<1x128xi32, #tpu.memory_space<vmem>>
      %dma_wait3A_1218 = tpu.memref_squeeze %dma_wait3A_1217 : memref<1x128xi32, #tpu.memory_space<vmem>> -> memref<128xi32, #tpu.memory_space<vmem>>
      %dma_wait3A_1219 = arith.constant 0 : i32
      %dma_wait3A_1220 = tpu.memref_slice %arg10[%dma_wait3A_1219] : memref<1000064xf32, #tpu.memory_space<vmem_shared>> -> memref<1000064xf32, #tpu.memory_space<vmem_shared>>
      tpu.wait_indirect_dma semaphore(%arg16 : memref<!tpu.dma_semaphore, #tpu.memory_space<semaphore_mem>>) src(%dma_wait3A_1220 : memref<1000064xf32, #tpu.memory_space<vmem_shared>>) dst(%dma_wait3A_1215 : memref<128xf32, #tpu.memory_space<vmem>>)
      %get3A_1221 = arith.constant 256 : index
      %get3A_1222 = tpu.vector_load %arg11[%get3A_1221] {strides = array<i32>} : memref<1024xf32, #tpu.memory_space<vmem>>, vector<16xf32>,
      %get3A_1223 = arith.constant 256 : index
      %get3A_1224 = tpu.vector_load %arg12[%get3A_1223] {strides = array<i32>} : memref<1024xf32, #tpu.memory_space<vmem>>, vector<16xf32>,
      %mul3A_1225 = arith.mulf %get3A_1222, %get3A_1224 : vector<16xf32>
      %swap3A_1226 = arith.constant 256 : index
      %swap3A_1227 = tpu.vector_load %arg13[%swap3A_1226] {strides = array<i32>} : memref<1024xf32, #tpu.memory_space<vmem>>, vector<16xf32>,
      tpu.vector_store %arg13[%swap3A_1226], %mul3A_1225 {add = true, strides = array<i32>} : memref<1024xf32, #tpu.memory_space<vmem>>, vector<16xf32>,
      %get3A_1228 = arith.constant 272 : index
      %get3A_1229 = tpu.vector_load %arg11[%get3A_1228] {strides = array<i32>} : memref<1024xf32, #tpu.memory_space<vmem>>, vector<16xf32>,
      %get3A_1230 = arith.constant 272 : index
      %get3A_1231 = tpu.vector_load %arg12[%get3A_1230] {strides = array<i32>} : memref<1024xf32, #tpu.memory_space<vmem>>, vector<16xf32>,
      %mul3A_1232 = arith.mulf %get3A_1229, %get3A_1231 : vector<16xf32>
      %swap3A_1233 = arith.constant 272 : index
      %swap3A_1234 = tpu.vector_load %arg13[%swap3A_1233] {strides = array<i32>} : memref<1024xf32, #tpu.memory_space<vmem>>, vector<16xf32>,
      tpu.vector_store %arg13[%swap3A_1233], %mul3A_1232 {add = true, strides = array<i32>} : memref<1024xf32, #tpu.memory_space<vmem>>, vector<16xf32>,
      %get3A_1235 = arith.constant 288 : index
      %get3A_1236 = tpu.vector_load %arg11[%get3A_1235] {strides = array<i32>} : memref<1024xf32, #tpu.memory_space<vmem>>, vector<16xf32>,
      %get3A_1237 = arith.constant 288 : index
      %get3A_1238 = tpu.vector_load %arg12[%get3A_1237] {strides = array<i32>} : memref<1024xf32, #tpu.memory_space<vmem>>, vector<16xf32>,
      %mul3A_1239 = arith.mulf %get3A_1236, %get3A_1238 : vector<16xf32>
      %swap3A_1240 = arith.constant 288 : index
      %swap3A_1241 = tpu.vector_load %arg13[%swap3A_1240] {strides = array<i32>} : memref<1024xf32, #tpu.memory_space<vmem>>, vector<16xf32>,
      tpu.vector_store %arg13[%swap3A_1240], %mul3A_1239 {add = true, strides = array<i32>} : memref<1024xf32, #tpu.memory_space<vmem>>, vector<16xf32>,
      %get3A_1242 = arith.constant 304 : index
      %get3A_1243 = tpu.vector_load %arg11[%get3A_1242] {strides = array<i32>} : memref<1024xf32, #tpu.memory_space<vmem>>, vector<16xf32>,
      %get3A_1244 = arith.constant 304 : index
      %get3A_1245 = tpu.vector_load %arg12[%get3A_1244] {strides = array<i32>} : memref<1024xf32, #tpu.memory_space<vmem>>, vector<16xf32>,
      %mul3A_1246 = arith.mulf %get3A_1243, %get3A_1245 : vector<16xf32>
      %swap3A_1247 = arith.constant 304 : index
      %swap3A_1248 = tpu.vector_load %arg13[%swap3A_1247] {strides = array<i32>} : memref<1024xf32, #tpu.memory_space<vmem>>, vector<16xf32>,
      tpu.vector_store %arg13[%swap3A_1247], %mul3A_1246 {add = true, strides = array<i32>} : memref<1024xf32, #tpu.memory_space<vmem>>, vector<16xf32>,
      %get3A_1249 = arith.constant 320 : index
      %get3A_1250 = tpu.vector_load %arg11[%get3A_1249] {strides = array<i32>} : memref<1024xf32, #tpu.memory_space<vmem>>, vector<16xf32>,
      %get3A_1251 = arith.constant 320 : index
      %get3A_1252 = tpu.vector_load %arg12[%get3A_1251] {strides = array<i32>} : memref<1024xf32, #tpu.memory_space<vmem>>, vector<16xf32>,
      %mul3A_1253 = arith.mulf %get3A_1250, %get3A_1252 : vector<16xf32>
      %swap3A_1254 = arith.constant 320 : index
      %swap3A_1255 = tpu.vector_load %arg13[%swap3A_1254] {strides = array<i32>} : memref<1024xf32, #tpu.memory_space<vmem>>, vector<16xf32>,
      tpu.vector_store %arg13[%swap3A_1254], %mul3A_1253 {add = true, strides = array<i32>} : memref<1024xf32, #tpu.memory_space<vmem>>, vector<16xf32>,
      %get3A_1256 = arith.constant 336 : index
      %get3A_1257 = tpu.vector_load %arg11[%get3A_1256] {strides = array<i32>} : memref<1024xf32, #tpu.memory_space<vmem>>, vector<16xf32>,
      %get3A_1258 = arith.constant 336 : index
      %get3A_1259 = tpu.vector_load %arg12[%get3A_1258] {strides = array<i32>} : memref<1024xf32, #tpu.memory_space<vmem>>, vector<16xf32>,
      %mul3A_1260 = arith.mulf %get3A_1257, %get3A_1259 : vector<16xf32>
      %swap3A_1261 = arith.constant 336 : index
      %swap3A_1262 = tpu.vector_load %arg13[%swap3A_1261] {strides = array<i32>} : memref<1024xf32, #tpu.memory_space<vmem>>, vector<16xf32>,
      tpu.vector_store %arg13[%swap3A_1261], %mul3A_1260 {add = true, strides = array<i32>} : memref<1024xf32, #tpu.memory_space<vmem>>, vector<16xf32>,
      %get3A_1263 = arith.constant 352 : index
      %get3A_1264 = tpu.vector_load %arg11[%get3A_1263] {strides = array<i32>} : memref<1024xf32, #tpu.memory_space<vmem>>, vector<16xf32>,
      %get3A_1265 = arith.constant 352 : index
      %get3A_1266 = tpu.vector_load %arg12[%get3A_1265] {strides = array<i32>} : memref<1024xf32, #tpu.memory_space<vmem>>, vector<16xf32>,
      %mul3A_1267 = arith.mulf %get3A_1264, %get3A_1266 : vector<16xf32>
      %swap3A_1268 = arith.constant 352 : index
      %swap3A_1269 = tpu.vector_load %arg13[%swap3A_1268] {strides = array<i32>} : memref<1024xf32, #tpu.memory_space<vmem>>, vector<16xf32>,
      tpu.vector_store %arg13[%swap3A_1268], %mul3A_1267 {add = true, strides = array<i32>} : memref<1024xf32, #tpu.memory_space<vmem>>, vector<16xf32>,
      %get3A_1270 = arith.constant 368 : index
      %get3A_1271 = tpu.vector_load %arg11[%get3A_1270] {strides = array<i32>} : memref<1024xf32, #tpu.memory_space<vmem>>, vector<16xf32>,
      %get3A_1272 = arith.constant 368 : index
      %get3A_1273 = tpu.vector_load %arg12[%get3A_1272] {strides = array<i32>} : memref<1024xf32, #tpu.memory_space<vmem>>, vector<16xf32>,
      %mul3A_1274 = arith.mulf %get3A_1271, %get3A_1273 : vector<16xf32>
      %swap3A_1275 = arith.constant 368 : index
      %swap3A_1276 = tpu.vector_load %arg13[%swap3A_1275] {strides = array<i32>} : memref<1024xf32, #tpu.memory_space<vmem>>, vector<16xf32>,
      tpu.vector_store %arg13[%swap3A_1275], %mul3A_1274 {add = true, strides = array<i32>} : memref<1024xf32, #tpu.memory_space<vmem>>, vector<16xf32>,
      %dma_wait3A_1277 = arith.constant 3 : i32
      %dma_wait3A_1278 = arith.constant 384 : i32
      %dma_wait3A_1279 = tpu.memref_slice %arg11[%dma_wait3A_1278] : memref<1024xf32, #tpu.memory_space<vmem>> -> memref<128xf32, #tpu.memory_space<vmem>>
      %dma_wait3A_1280 = arith.constant 0 : i32
      %dma_wait3A_1281 = tpu.memref_slice %arg7[%dma_wait3A_1277, %dma_wait3A_1280] : memref<8x128xi32, #tpu.memory_space<vmem>> -> memref<1x128xi32, #tpu.memory_space<vmem>>
      %dma_wait3A_1282 = tpu.memref_squeeze %dma_wait3A_1281 : memref<1x128xi32, #tpu.memory_space<vmem>> -> memref<128xi32, #tpu.memory_space<vmem>>
      %dma_wait3A_1283 = arith.constant 0 : i32
      %dma_wait3A_1284 = tpu.memref_slice %arg10[%dma_wait3A_1283] : memref<1000064xf32, #tpu.memory_space<vmem_shared>> -> memref<1000064xf32, #tpu.memory_space<vmem_shared>>
      tpu.wait_indirect_dma semaphore(%arg16 : memref<!tpu.dma_semaphore, #tpu.memory_space<semaphore_mem>>) src(%dma_wait3A_1284 : memref<1000064xf32, #tpu.memory_space<vmem_shared>>) dst(%dma_wait3A_1279 : memref<128xf32, #tpu.memory_space<vmem>>)
      %dma_wait3A_1285 = arith.constant 3 : i32
      %dma_wait3A_1286 = arith.constant 384 : i32
      %dma_wait3A_1287 = tpu.memref_slice %arg12[%dma_wait3A_1286] : memref<1024xf32, #tpu.memory_space<vmem>> -> memref<128xf32, #tpu.memory_space<vmem>>
      %dma_wait3A_1288 = arith.constant 0 : i32
      %dma_wait3A_1289 = tpu.memref_slice %arg8[%dma_wait3A_1285, %dma_wait3A_1288] : memref<8x128xi32, #tpu.memory_space<vmem>> -> memref<1x128xi32, #tpu.memory_space<vmem>>
      %dma_wait3A_1290 = tpu.memref_squeeze %dma_wait3A_1289 : memref<1x128xi32, #tpu.memory_space<vmem>> -> memref<128xi32, #tpu.memory_space<vmem>>
      %dma_wait3A_1291 = arith.constant 0 : i32
      %dma_wait3A_1292 = tpu.memref_slice %arg10[%dma_wait3A_1291] : memref<1000064xf32, #tpu.memory_space<vmem_shared>> -> memref<1000064xf32, #tpu.memory_space<vmem_shared>>
      tpu.wait_indirect_dma semaphore(%arg16 : memref<!tpu.dma_semaphore, #tpu.memory_space<semaphore_mem>>) src(%dma_wait3A_1292 : memref<1000064xf32, #tpu.memory_space<vmem_shared>>) dst(%dma_wait3A_1287 : memref<128xf32, #tpu.memory_space<vmem>>)
      %get3A_1293 = arith.constant 384 : index
      %get3A_1294 = tpu.vector_load %arg11[%get3A_1293] {strides = array<i32>} : memref<1024xf32, #tpu.memory_space<vmem>>, vector<16xf32>,
      %get3A_1295 = arith.constant 384 : index
      %get3A_1296 = tpu.vector_load %arg12[%get3A_1295] {strides = array<i32>} : memref<1024xf32, #tpu.memory_space<vmem>>, vector<16xf32>,
      %mul3A_1297 = arith.mulf %get3A_1294, %get3A_1296 : vector<16xf32>
      %swap3A_1298 = arith.constant 384 : index
      %swap3A_1299 = tpu.vector_load %arg13[%swap3A_1298] {strides = array<i32>} : memref<1024xf32, #tpu.memory_space<vmem>>, vector<16xf32>,
      tpu.vector_store %arg13[%swap3A_1298], %mul3A_1297 {add = true, strides = array<i32>} : memref<1024xf32, #tpu.memory_space<vmem>>, vector<16xf32>,
      %get3A_1300 = arith.constant 400 : index
      %get3A_1301 = tpu.vector_load %arg11[%get3A_1300] {strides = array<i32>} : memref<1024xf32, #tpu.memory_space<vmem>>, vector<16xf32>,
      %get3A_1302 = arith.constant 400 : index
      %get3A_1303 = tpu.vector_load %arg12[%get3A_1302] {strides = array<i32>} : memref<1024xf32, #tpu.memory_space<vmem>>, vector<16xf32>,
      %mul3A_1304 = arith.mulf %get3A_1301, %get3A_1303 : vector<16xf32>
      %swap3A_1305 = arith.constant 400 : index
      %swap3A_1306 = tpu.vector_load %arg13[%swap3A_1305] {strides = array<i32>} : memref<1024xf32, #tpu.memory_space<vmem>>, vector<16xf32>,
      tpu.vector_store %arg13[%swap3A_1305], %mul3A_1304 {add = true, strides = array<i32>} : memref<1024xf32, #tpu.memory_space<vmem>>, vector<16xf32>,
      %get3A_1307 = arith.constant 416 : index
      %get3A_1308 = tpu.vector_load %arg11[%get3A_1307] {strides = array<i32>} : memref<1024xf32, #tpu.memory_space<vmem>>, vector<16xf32>,
      %get3A_1309 = arith.constant 416 : index
      %get3A_1310 = tpu.vector_load %arg12[%get3A_1309] {strides = array<i32>} : memref<1024xf32, #tpu.memory_space<vmem>>, vector<16xf32>,
      %mul3A_1311 = arith.mulf %get3A_1308, %get3A_1310 : vector<16xf32>
      %swap3A_1312 = arith.constant 416 : index
      %swap3A_1313 = tpu.vector_load %arg13[%swap3A_1312] {strides = array<i32>} : memref<1024xf32, #tpu.memory_space<vmem>>, vector<16xf32>,
      tpu.vector_store %arg13[%swap3A_1312], %mul3A_1311 {add = true, strides = array<i32>} : memref<1024xf32, #tpu.memory_space<vmem>>, vector<16xf32>,
      %get3A_1314 = arith.constant 432 : index
      %get3A_1315 = tpu.vector_load %arg11[%get3A_1314] {strides = array<i32>} : memref<1024xf32, #tpu.memory_space<vmem>>, vector<16xf32>,
      %get3A_1316 = arith.constant 432 : index
      %get3A_1317 = tpu.vector_load %arg12[%get3A_1316] {strides = array<i32>} : memref<1024xf32, #tpu.memory_space<vmem>>, vector<16xf32>,
      %mul3A_1318 = arith.mulf %get3A_1315, %get3A_1317 : vector<16xf32>
      %swap3A_1319 = arith.constant 432 : index
      %swap3A_1320 = tpu.vector_load %arg13[%swap3A_1319] {strides = array<i32>} : memref<1024xf32, #tpu.memory_space<vmem>>, vector<16xf32>,
      tpu.vector_store %arg13[%swap3A_1319], %mul3A_1318 {add = true, strides = array<i32>} : memref<1024xf32, #tpu.memory_space<vmem>>, vector<16xf32>,
      %get3A_1321 = arith.constant 448 : index
      %get3A_1322 = tpu.vector_load %arg11[%get3A_1321] {strides = array<i32>} : memref<1024xf32, #tpu.memory_space<vmem>>, vector<16xf32>,
      %get3A_1323 = arith.constant 448 : index
      %get3A_1324 = tpu.vector_load %arg12[%get3A_1323] {strides = array<i32>} : memref<1024xf32, #tpu.memory_space<vmem>>, vector<16xf32>,
      %mul3A_1325 = arith.mulf %get3A_1322, %get3A_1324 : vector<16xf32>
      %swap3A_1326 = arith.constant 448 : index
      %swap3A_1327 = tpu.vector_load %arg13[%swap3A_1326] {strides = array<i32>} : memref<1024xf32, #tpu.memory_space<vmem>>, vector<16xf32>,
      tpu.vector_store %arg13[%swap3A_1326], %mul3A_1325 {add = true, strides = array<i32>} : memref<1024xf32, #tpu.memory_space<vmem>>, vector<16xf32>,
      %get3A_1328 = arith.constant 464 : index
      %get3A_1329 = tpu.vector_load %arg11[%get3A_1328] {strides = array<i32>} : memref<1024xf32, #tpu.memory_space<vmem>>, vector<16xf32>,
      %get3A_1330 = arith.constant 464 : index
      %get3A_1331 = tpu.vector_load %arg12[%get3A_1330] {strides = array<i32>} : memref<1024xf32, #tpu.memory_space<vmem>>, vector<16xf32>,
      %mul3A_1332 = arith.mulf %get3A_1329, %get3A_1331 : vector<16xf32>
      %swap3A_1333 = arith.constant 464 : index
      %swap3A_1334 = tpu.vector_load %arg13[%swap3A_1333] {strides = array<i32>} : memref<1024xf32, #tpu.memory_space<vmem>>, vector<16xf32>,
      tpu.vector_store %arg13[%swap3A_1333], %mul3A_1332 {add = true, strides = array<i32>} : memref<1024xf32, #tpu.memory_space<vmem>>, vector<16xf32>,
      %get3A_1335 = arith.constant 480 : index
      %get3A_1336 = tpu.vector_load %arg11[%get3A_1335] {strides = array<i32>} : memref<1024xf32, #tpu.memory_space<vmem>>, vector<16xf32>,
      %get3A_1337 = arith.constant 480 : index
      %get3A_1338 = tpu.vector_load %arg12[%get3A_1337] {strides = array<i32>} : memref<1024xf32, #tpu.memory_space<vmem>>, vector<16xf32>,
      %mul3A_1339 = arith.mulf %get3A_1336, %get3A_1338 : vector<16xf32>
      %swap3A_1340 = arith.constant 480 : index
      %swap3A_1341 = tpu.vector_load %arg13[%swap3A_1340] {strides = array<i32>} : memref<1024xf32, #tpu.memory_space<vmem>>, vector<16xf32>,
      tpu.vector_store %arg13[%swap3A_1340], %mul3A_1339 {add = true, strides = array<i32>} : memref<1024xf32, #tpu.memory_space<vmem>>, vector<16xf32>,
      %get3A_1342 = arith.constant 496 : index
      %get3A_1343 = tpu.vector_load %arg11[%get3A_1342] {strides = array<i32>} : memref<1024xf32, #tpu.memory_space<vmem>>, vector<16xf32>,
      %get3A_1344 = arith.constant 496 : index
      %get3A_1345 = tpu.vector_load %arg12[%get3A_1344] {strides = array<i32>} : memref<1024xf32, #tpu.memory_space<vmem>>, vector<16xf32>,
      %mul3A_1346 = arith.mulf %get3A_1343, %get3A_1345 : vector<16xf32>
      %swap3A_1347 = arith.constant 496 : index
      %swap3A_1348 = tpu.vector_load %arg13[%swap3A_1347] {strides = array<i32>} : memref<1024xf32, #tpu.memory_space<vmem>>, vector<16xf32>,
      tpu.vector_store %arg13[%swap3A_1347], %mul3A_1346 {add = true, strides = array<i32>} : memref<1024xf32, #tpu.memory_space<vmem>>, vector<16xf32>,
      %dma_wait3A_1349 = arith.constant 4 : i32
      %dma_wait3A_1350 = arith.constant 512 : i32
      %dma_wait3A_1351 = tpu.memref_slice %arg11[%dma_wait3A_1350] : memref<1024xf32, #tpu.memory_space<vmem>> -> memref<128xf32, #tpu.memory_space<vmem>>
      %dma_wait3A_1352 = arith.constant 0 : i32
      %dma_wait3A_1353 = tpu.memref_slice %arg7[%dma_wait3A_1349, %dma_wait3A_1352] : memref<8x128xi32, #tpu.memory_space<vmem>> -> memref<1x128xi32, #tpu.memory_space<vmem>>
      %dma_wait3A_1354 = tpu.memref_squeeze %dma_wait3A_1353 : memref<1x128xi32, #tpu.memory_space<vmem>> -> memref<128xi32, #tpu.memory_space<vmem>>
      %dma_wait3A_1355 = arith.constant 0 : i32
      %dma_wait3A_1356 = tpu.memref_slice %arg10[%dma_wait3A_1355] : memref<1000064xf32, #tpu.memory_space<vmem_shared>> -> memref<1000064xf32, #tpu.memory_space<vmem_shared>>
      tpu.wait_indirect_dma semaphore(%arg16 : memref<!tpu.dma_semaphore, #tpu.memory_space<semaphore_mem>>) src(%dma_wait3A_1356 : memref<1000064xf32, #tpu.memory_space<vmem_shared>>) dst(%dma_wait3A_1351 : memref<128xf32, #tpu.memory_space<vmem>>)
      %dma_wait3A_1357 = arith.constant 4 : i32
      %dma_wait3A_1358 = arith.constant 512 : i32
      %dma_wait3A_1359 = tpu.memref_slice %arg12[%dma_wait3A_1358] : memref<1024xf32, #tpu.memory_space<vmem>> -> memref<128xf32, #tpu.memory_space<vmem>>
      %dma_wait3A_1360 = arith.constant 0 : i32
      %dma_wait3A_1361 = tpu.memref_slice %arg8[%dma_wait3A_1357, %dma_wait3A_1360] : memref<8x128xi32, #tpu.memory_space<vmem>> -> memref<1x128xi32, #tpu.memory_space<vmem>>
      %dma_wait3A_1362 = tpu.memref_squeeze %dma_wait3A_1361 : memref<1x128xi32, #tpu.memory_space<vmem>> -> memref<128xi32, #tpu.memory_space<vmem>>
      %dma_wait3A_1363 = arith.constant 0 : i32
      %dma_wait3A_1364 = tpu.memref_slice %arg10[%dma_wait3A_1363] : memref<1000064xf32, #tpu.memory_space<vmem_shared>> -> memref<1000064xf32, #tpu.memory_space<vmem_shared>>
      tpu.wait_indirect_dma semaphore(%arg16 : memref<!tpu.dma_semaphore, #tpu.memory_space<semaphore_mem>>) src(%dma_wait3A_1364 : memref<1000064xf32, #tpu.memory_space<vmem_shared>>) dst(%dma_wait3A_1359 : memref<128xf32, #tpu.memory_space<vmem>>)
      %get3A_1365 = arith.constant 512 : index
      %get3A_1366 = tpu.vector_load %arg11[%get3A_1365] {strides = array<i32>} : memref<1024xf32, #tpu.memory_space<vmem>>, vector<16xf32>,
      %get3A_1367 = arith.constant 512 : index
      %get3A_1368 = tpu.vector_load %arg12[%get3A_1367] {strides = array<i32>} : memref<1024xf32, #tpu.memory_space<vmem>>, vector<16xf32>,
      %mul3A_1369 = arith.mulf %get3A_1366, %get3A_1368 : vector<16xf32>
      %swap3A_1370 = arith.constant 512 : index
      %swap3A_1371 = tpu.vector_load %arg13[%swap3A_1370] {strides = array<i32>} : memref<1024xf32, #tpu.memory_space<vmem>>, vector<16xf32>,
      tpu.vector_store %arg13[%swap3A_1370], %mul3A_1369 {add = true, strides = array<i32>} : memref<1024xf32, #tpu.memory_space<vmem>>, vector<16xf32>,
      %get3A_1372 = arith.constant 528 : index
      %get3A_1373 = tpu.vector_load %arg11[%get3A_1372] {strides = array<i32>} : memref<1024xf32, #tpu.memory_space<vmem>>, vector<16xf32>,
      %get3A_1374 = arith.constant 528 : index
      %get3A_1375 = tpu.vector_load %arg12[%get3A_1374] {strides = array<i32>} : memref<1024xf32, #tpu.memory_space<vmem>>, vector<16xf32>,
      %mul3A_1376 = arith.mulf %get3A_1373, %get3A_1375 : vector<16xf32>
      %swap3A_1377 = arith.constant 528 : index
      %swap3A_1378 = tpu.vector_load %arg13[%swap3A_1377] {strides = array<i32>} : memref<1024xf32, #tpu.memory_space<vmem>>, vector<16xf32>,
      tpu.vector_store %arg13[%swap3A_1377], %mul3A_1376 {add = true, strides = array<i32>} : memref<1024xf32, #tpu.memory_space<vmem>>, vector<16xf32>,
      %get3A_1379 = arith.constant 544 : index
      %get3A_1380 = tpu.vector_load %arg11[%get3A_1379] {strides = array<i32>} : memref<1024xf32, #tpu.memory_space<vmem>>, vector<16xf32>,
      %get3A_1381 = arith.constant 544 : index
      %get3A_1382 = tpu.vector_load %arg12[%get3A_1381] {strides = array<i32>} : memref<1024xf32, #tpu.memory_space<vmem>>, vector<16xf32>,
      %mul3A_1383 = arith.mulf %get3A_1380, %get3A_1382 : vector<16xf32>
      %swap3A_1384 = arith.constant 544 : index
      %swap3A_1385 = tpu.vector_load %arg13[%swap3A_1384] {strides = array<i32>} : memref<1024xf32, #tpu.memory_space<vmem>>, vector<16xf32>,
      tpu.vector_store %arg13[%swap3A_1384], %mul3A_1383 {add = true, strides = array<i32>} : memref<1024xf32, #tpu.memory_space<vmem>>, vector<16xf32>,
      %get3A_1386 = arith.constant 560 : index
      %get3A_1387 = tpu.vector_load %arg11[%get3A_1386] {strides = array<i32>} : memref<1024xf32, #tpu.memory_space<vmem>>, vector<16xf32>,
      %get3A_1388 = arith.constant 560 : index
      %get3A_1389 = tpu.vector_load %arg12[%get3A_1388] {strides = array<i32>} : memref<1024xf32, #tpu.memory_space<vmem>>, vector<16xf32>,
      %mul3A_1390 = arith.mulf %get3A_1387, %get3A_1389 : vector<16xf32>
      %swap3A_1391 = arith.constant 560 : index
      %swap3A_1392 = tpu.vector_load %arg13[%swap3A_1391] {strides = array<i32>} : memref<1024xf32, #tpu.memory_space<vmem>>, vector<16xf32>,
      tpu.vector_store %arg13[%swap3A_1391], %mul3A_1390 {add = true, strides = array<i32>} : memref<1024xf32, #tpu.memory_space<vmem>>, vector<16xf32>,
      %get3A_1393 = arith.constant 576 : index
      %get3A_1394 = tpu.vector_load %arg11[%get3A_1393] {strides = array<i32>} : memref<1024xf32, #tpu.memory_space<vmem>>, vector<16xf32>,
      %get3A_1395 = arith.constant 576 : index
      %get3A_1396 = tpu.vector_load %arg12[%get3A_1395] {strides = array<i32>} : memref<1024xf32, #tpu.memory_space<vmem>>, vector<16xf32>,
      %mul3A_1397 = arith.mulf %get3A_1394, %get3A_1396 : vector<16xf32>
      %swap3A_1398 = arith.constant 576 : index
      %swap3A_1399 = tpu.vector_load %arg13[%swap3A_1398] {strides = array<i32>} : memref<1024xf32, #tpu.memory_space<vmem>>, vector<16xf32>,
      tpu.vector_store %arg13[%swap3A_1398], %mul3A_1397 {add = true, strides = array<i32>} : memref<1024xf32, #tpu.memory_space<vmem>>, vector<16xf32>,
      %get3A_1400 = arith.constant 592 : index
      %get3A_1401 = tpu.vector_load %arg11[%get3A_1400] {strides = array<i32>} : memref<1024xf32, #tpu.memory_space<vmem>>, vector<16xf32>,
      %get3A_1402 = arith.constant 592 : index
      %get3A_1403 = tpu.vector_load %arg12[%get3A_1402] {strides = array<i32>} : memref<1024xf32, #tpu.memory_space<vmem>>, vector<16xf32>,
      %mul3A_1404 = arith.mulf %get3A_1401, %get3A_1403 : vector<16xf32>
      %swap3A_1405 = arith.constant 592 : index
      %swap3A_1406 = tpu.vector_load %arg13[%swap3A_1405] {strides = array<i32>} : memref<1024xf32, #tpu.memory_space<vmem>>, vector<16xf32>,
      tpu.vector_store %arg13[%swap3A_1405], %mul3A_1404 {add = true, strides = array<i32>} : memref<1024xf32, #tpu.memory_space<vmem>>, vector<16xf32>,
      %get3A_1407 = arith.constant 608 : index
      %get3A_1408 = tpu.vector_load %arg11[%get3A_1407] {strides = array<i32>} : memref<1024xf32, #tpu.memory_space<vmem>>, vector<16xf32>,
      %get3A_1409 = arith.constant 608 : index
      %get3A_1410 = tpu.vector_load %arg12[%get3A_1409] {strides = array<i32>} : memref<1024xf32, #tpu.memory_space<vmem>>, vector<16xf32>,
      %mul3A_1411 = arith.mulf %get3A_1408, %get3A_1410 : vector<16xf32>
      %swap3A_1412 = arith.constant 608 : index
      %swap3A_1413 = tpu.vector_load %arg13[%swap3A_1412] {strides = array<i32>} : memref<1024xf32, #tpu.memory_space<vmem>>, vector<16xf32>,
      tpu.vector_store %arg13[%swap3A_1412], %mul3A_1411 {add = true, strides = array<i32>} : memref<1024xf32, #tpu.memory_space<vmem>>, vector<16xf32>,
      %get3A_1414 = arith.constant 624 : index
      %get3A_1415 = tpu.vector_load %arg11[%get3A_1414] {strides = array<i32>} : memref<1024xf32, #tpu.memory_space<vmem>>, vector<16xf32>,
      %get3A_1416 = arith.constant 624 : index
      %get3A_1417 = tpu.vector_load %arg12[%get3A_1416] {strides = array<i32>} : memref<1024xf32, #tpu.memory_space<vmem>>, vector<16xf32>,
      %mul3A_1418 = arith.mulf %get3A_1415, %get3A_1417 : vector<16xf32>
      %swap3A_1419 = arith.constant 624 : index
      %swap3A_1420 = tpu.vector_load %arg13[%swap3A_1419] {strides = array<i32>} : memref<1024xf32, #tpu.memory_space<vmem>>, vector<16xf32>,
      tpu.vector_store %arg13[%swap3A_1419], %mul3A_1418 {add = true, strides = array<i32>} : memref<1024xf32, #tpu.memory_space<vmem>>, vector<16xf32>,
      %dma_wait3A_1421 = arith.constant 5 : i32
      %dma_wait3A_1422 = arith.constant 640 : i32
      %dma_wait3A_1423 = tpu.memref_slice %arg11[%dma_wait3A_1422] : memref<1024xf32, #tpu.memory_space<vmem>> -> memref<128xf32, #tpu.memory_space<vmem>>
      %dma_wait3A_1424 = arith.constant 0 : i32
      %dma_wait3A_1425 = tpu.memref_slice %arg7[%dma_wait3A_1421, %dma_wait3A_1424] : memref<8x128xi32, #tpu.memory_space<vmem>> -> memref<1x128xi32, #tpu.memory_space<vmem>>
      %dma_wait3A_1426 = tpu.memref_squeeze %dma_wait3A_1425 : memref<1x128xi32, #tpu.memory_space<vmem>> -> memref<128xi32, #tpu.memory_space<vmem>>
      %dma_wait3A_1427 = arith.constant 0 : i32
      %dma_wait3A_1428 = tpu.memref_slice %arg10[%dma_wait3A_1427] : memref<1000064xf32, #tpu.memory_space<vmem_shared>> -> memref<1000064xf32, #tpu.memory_space<vmem_shared>>
      tpu.wait_indirect_dma semaphore(%arg16 : memref<!tpu.dma_semaphore, #tpu.memory_space<semaphore_mem>>) src(%dma_wait3A_1428 : memref<1000064xf32, #tpu.memory_space<vmem_shared>>) dst(%dma_wait3A_1423 : memref<128xf32, #tpu.memory_space<vmem>>)
      %dma_wait3A_1429 = arith.constant 5 : i32
      %dma_wait3A_1430 = arith.constant 640 : i32
      %dma_wait3A_1431 = tpu.memref_slice %arg12[%dma_wait3A_1430] : memref<1024xf32, #tpu.memory_space<vmem>> -> memref<128xf32, #tpu.memory_space<vmem>>
      %dma_wait3A_1432 = arith.constant 0 : i32
      %dma_wait3A_1433 = tpu.memref_slice %arg8[%dma_wait3A_1429, %dma_wait3A_1432] : memref<8x128xi32, #tpu.memory_space<vmem>> -> memref<1x128xi32, #tpu.memory_space<vmem>>
      %dma_wait3A_1434 = tpu.memref_squeeze %dma_wait3A_1433 : memref<1x128xi32, #tpu.memory_space<vmem>> -> memref<128xi32, #tpu.memory_space<vmem>>
      %dma_wait3A_1435 = arith.constant 0 : i32
      %dma_wait3A_1436 = tpu.memref_slice %arg10[%dma_wait3A_1435] : memref<1000064xf32, #tpu.memory_space<vmem_shared>> -> memref<1000064xf32, #tpu.memory_space<vmem_shared>>
      tpu.wait_indirect_dma semaphore(%arg16 : memref<!tpu.dma_semaphore, #tpu.memory_space<semaphore_mem>>) src(%dma_wait3A_1436 : memref<1000064xf32, #tpu.memory_space<vmem_shared>>) dst(%dma_wait3A_1431 : memref<128xf32, #tpu.memory_space<vmem>>)
      %get3A_1437 = arith.constant 640 : index
      %get3A_1438 = tpu.vector_load %arg11[%get3A_1437] {strides = array<i32>} : memref<1024xf32, #tpu.memory_space<vmem>>, vector<16xf32>,
      %get3A_1439 = arith.constant 640 : index
      %get3A_1440 = tpu.vector_load %arg12[%get3A_1439] {strides = array<i32>} : memref<1024xf32, #tpu.memory_space<vmem>>, vector<16xf32>,
      %mul3A_1441 = arith.mulf %get3A_1438, %get3A_1440 : vector<16xf32>
      %swap3A_1442 = arith.constant 640 : index
      %swap3A_1443 = tpu.vector_load %arg13[%swap3A_1442] {strides = array<i32>} : memref<1024xf32, #tpu.memory_space<vmem>>, vector<16xf32>,
      tpu.vector_store %arg13[%swap3A_1442], %mul3A_1441 {add = true, strides = array<i32>} : memref<1024xf32, #tpu.memory_space<vmem>>, vector<16xf32>,
      %get3A_1444 = arith.constant 656 : index
      %get3A_1445 = tpu.vector_load %arg11[%get3A_1444] {strides = array<i32>} : memref<1024xf32, #tpu.memory_space<vmem>>, vector<16xf32>,
      %get3A_1446 = arith.constant 656 : index
      %get3A_1447 = tpu.vector_load %arg12[%get3A_1446] {strides = array<i32>} : memref<1024xf32, #tpu.memory_space<vmem>>, vector<16xf32>,
      %mul3A_1448 = arith.mulf %get3A_1445, %get3A_1447 : vector<16xf32>
      %swap3A_1449 = arith.constant 656 : index
      %swap3A_1450 = tpu.vector_load %arg13[%swap3A_1449] {strides = array<i32>} : memref<1024xf32, #tpu.memory_space<vmem>>, vector<16xf32>,
      tpu.vector_store %arg13[%swap3A_1449], %mul3A_1448 {add = true, strides = array<i32>} : memref<1024xf32, #tpu.memory_space<vmem>>, vector<16xf32>,
      %get3A_1451 = arith.constant 672 : index
      %get3A_1452 = tpu.vector_load %arg11[%get3A_1451] {strides = array<i32>} : memref<1024xf32, #tpu.memory_space<vmem>>, vector<16xf32>,
      %get3A_1453 = arith.constant 672 : index
      %get3A_1454 = tpu.vector_load %arg12[%get3A_1453] {strides = array<i32>} : memref<1024xf32, #tpu.memory_space<vmem>>, vector<16xf32>,
      %mul3A_1455 = arith.mulf %get3A_1452, %get3A_1454 : vector<16xf32>
      %swap3A_1456 = arith.constant 672 : index
      %swap3A_1457 = tpu.vector_load %arg13[%swap3A_1456] {strides = array<i32>} : memref<1024xf32, #tpu.memory_space<vmem>>, vector<16xf32>,
      tpu.vector_store %arg13[%swap3A_1456], %mul3A_1455 {add = true, strides = array<i32>} : memref<1024xf32, #tpu.memory_space<vmem>>, vector<16xf32>,
      %get3A_1458 = arith.constant 688 : index
      %get3A_1459 = tpu.vector_load %arg11[%get3A_1458] {strides = array<i32>} : memref<1024xf32, #tpu.memory_space<vmem>>, vector<16xf32>,
      %get3A_1460 = arith.constant 688 : index
      %get3A_1461 = tpu.vector_load %arg12[%get3A_1460] {strides = array<i32>} : memref<1024xf32, #tpu.memory_space<vmem>>, vector<16xf32>,
      %mul3A_1462 = arith.mulf %get3A_1459, %get3A_1461 : vector<16xf32>
      %swap3A_1463 = arith.constant 688 : index
      %swap3A_1464 = tpu.vector_load %arg13[%swap3A_1463] {strides = array<i32>} : memref<1024xf32, #tpu.memory_space<vmem>>, vector<16xf32>,
      tpu.vector_store %arg13[%swap3A_1463], %mul3A_1462 {add = true, strides = array<i32>} : memref<1024xf32, #tpu.memory_space<vmem>>, vector<16xf32>,
      %get3A_1465 = arith.constant 704 : index
      %get3A_1466 = tpu.vector_load %arg11[%get3A_1465] {strides = array<i32>} : memref<1024xf32, #tpu.memory_space<vmem>>, vector<16xf32>,
      %get3A_1467 = arith.constant 704 : index
      %get3A_1468 = tpu.vector_load %arg12[%get3A_1467] {strides = array<i32>} : memref<1024xf32, #tpu.memory_space<vmem>>, vector<16xf32>,
      %mul3A_1469 = arith.mulf %get3A_1466, %get3A_1468 : vector<16xf32>
      %swap3A_1470 = arith.constant 704 : index
      %swap3A_1471 = tpu.vector_load %arg13[%swap3A_1470] {strides = array<i32>} : memref<1024xf32, #tpu.memory_space<vmem>>, vector<16xf32>,
      tpu.vector_store %arg13[%swap3A_1470], %mul3A_1469 {add = true, strides = array<i32>} : memref<1024xf32, #tpu.memory_space<vmem>>, vector<16xf32>,
      %get3A_1472 = arith.constant 720 : index
      %get3A_1473 = tpu.vector_load %arg11[%get3A_1472] {strides = array<i32>} : memref<1024xf32, #tpu.memory_space<vmem>>, vector<16xf32>,
      %get3A_1474 = arith.constant 720 : index
      %get3A_1475 = tpu.vector_load %arg12[%get3A_1474] {strides = array<i32>} : memref<1024xf32, #tpu.memory_space<vmem>>, vector<16xf32>,
      %mul3A_1476 = arith.mulf %get3A_1473, %get3A_1475 : vector<16xf32>
      %swap3A_1477 = arith.constant 720 : index
      %swap3A_1478 = tpu.vector_load %arg13[%swap3A_1477] {strides = array<i32>} : memref<1024xf32, #tpu.memory_space<vmem>>, vector<16xf32>,
      tpu.vector_store %arg13[%swap3A_1477], %mul3A_1476 {add = true, strides = array<i32>} : memref<1024xf32, #tpu.memory_space<vmem>>, vector<16xf32>,
      %get3A_1479 = arith.constant 736 : index
      %get3A_1480 = tpu.vector_load %arg11[%get3A_1479] {strides = array<i32>} : memref<1024xf32, #tpu.memory_space<vmem>>, vector<16xf32>,
      %get3A_1481 = arith.constant 736 : index
      %get3A_1482 = tpu.vector_load %arg12[%get3A_1481] {strides = array<i32>} : memref<1024xf32, #tpu.memory_space<vmem>>, vector<16xf32>,
      %mul3A_1483 = arith.mulf %get3A_1480, %get3A_1482 : vector<16xf32>
      %swap3A_1484 = arith.constant 736 : index
      %swap3A_1485 = tpu.vector_load %arg13[%swap3A_1484] {strides = array<i32>} : memref<1024xf32, #tpu.memory_space<vmem>>, vector<16xf32>,
      tpu.vector_store %arg13[%swap3A_1484], %mul3A_1483 {add = true, strides = array<i32>} : memref<1024xf32, #tpu.memory_space<vmem>>, vector<16xf32>,
      %get3A_1486 = arith.constant 752 : index
      %get3A_1487 = tpu.vector_load %arg11[%get3A_1486] {strides = array<i32>} : memref<1024xf32, #tpu.memory_space<vmem>>, vector<16xf32>,
      %get3A_1488 = arith.constant 752 : index
      %get3A_1489 = tpu.vector_load %arg12[%get3A_1488] {strides = array<i32>} : memref<1024xf32, #tpu.memory_space<vmem>>, vector<16xf32>,
      %mul3A_1490 = arith.mulf %get3A_1487, %get3A_1489 : vector<16xf32>
      %swap3A_1491 = arith.constant 752 : index
      %swap3A_1492 = tpu.vector_load %arg13[%swap3A_1491] {strides = array<i32>} : memref<1024xf32, #tpu.memory_space<vmem>>, vector<16xf32>,
      tpu.vector_store %arg13[%swap3A_1491], %mul3A_1490 {add = true, strides = array<i32>} : memref<1024xf32, #tpu.memory_space<vmem>>, vector<16xf32>,
      %dma_wait3A_1493 = arith.constant 6 : i32
      %dma_wait3A_1494 = arith.constant 768 : i32
      %dma_wait3A_1495 = tpu.memref_slice %arg11[%dma_wait3A_1494] : memref<1024xf32, #tpu.memory_space<vmem>> -> memref<128xf32, #tpu.memory_space<vmem>>
      %dma_wait3A_1496 = arith.constant 0 : i32
      %dma_wait3A_1497 = tpu.memref_slice %arg7[%dma_wait3A_1493, %dma_wait3A_1496] : memref<8x128xi32, #tpu.memory_space<vmem>> -> memref<1x128xi32, #tpu.memory_space<vmem>>
      %dma_wait3A_1498 = tpu.memref_squeeze %dma_wait3A_1497 : memref<1x128xi32, #tpu.memory_space<vmem>> -> memref<128xi32, #tpu.memory_space<vmem>>
      %dma_wait3A_1499 = arith.constant 0 : i32
      %dma_wait3A_1500 = tpu.memref_slice %arg10[%dma_wait3A_1499] : memref<1000064xf32, #tpu.memory_space<vmem_shared>> -> memref<1000064xf32, #tpu.memory_space<vmem_shared>>
      tpu.wait_indirect_dma semaphore(%arg16 : memref<!tpu.dma_semaphore, #tpu.memory_space<semaphore_mem>>) src(%dma_wait3A_1500 : memref<1000064xf32, #tpu.memory_space<vmem_shared>>) dst(%dma_wait3A_1495 : memref<128xf32, #tpu.memory_space<vmem>>)
      %dma_wait3A_1501 = arith.constant 6 : i32
      %dma_wait3A_1502 = arith.constant 768 : i32
      %dma_wait3A_1503 = tpu.memref_slice %arg12[%dma_wait3A_1502] : memref<1024xf32, #tpu.memory_space<vmem>> -> memref<128xf32, #tpu.memory_space<vmem>>
      %dma_wait3A_1504 = arith.constant 0 : i32
      %dma_wait3A_1505 = tpu.memref_slice %arg8[%dma_wait3A_1501, %dma_wait3A_1504] : memref<8x128xi32, #tpu.memory_space<vmem>> -> memref<1x128xi32, #tpu.memory_space<vmem>>
      %dma_wait3A_1506 = tpu.memref_squeeze %dma_wait3A_1505 : memref<1x128xi32, #tpu.memory_space<vmem>> -> memref<128xi32, #tpu.memory_space<vmem>>
      %dma_wait3A_1507 = arith.constant 0 : i32
      %dma_wait3A_1508 = tpu.memref_slice %arg10[%dma_wait3A_1507] : memref<1000064xf32, #tpu.memory_space<vmem_shared>> -> memref<1000064xf32, #tpu.memory_space<vmem_shared>>
      tpu.wait_indirect_dma semaphore(%arg16 : memref<!tpu.dma_semaphore, #tpu.memory_space<semaphore_mem>>) src(%dma_wait3A_1508 : memref<1000064xf32, #tpu.memory_space<vmem_shared>>) dst(%dma_wait3A_1503 : memref<128xf32, #tpu.memory_space<vmem>>)
      %get3A_1509 = arith.constant 768 : index
      %get3A_1510 = tpu.vector_load %arg11[%get3A_1509] {strides = array<i32>} : memref<1024xf32, #tpu.memory_space<vmem>>, vector<16xf32>,
      %get3A_1511 = arith.constant 768 : index
      %get3A_1512 = tpu.vector_load %arg12[%get3A_1511] {strides = array<i32>} : memref<1024xf32, #tpu.memory_space<vmem>>, vector<16xf32>,
      %mul3A_1513 = arith.mulf %get3A_1510, %get3A_1512 : vector<16xf32>
      %swap3A_1514 = arith.constant 768 : index
      %swap3A_1515 = tpu.vector_load %arg13[%swap3A_1514] {strides = array<i32>} : memref<1024xf32, #tpu.memory_space<vmem>>, vector<16xf32>,
      tpu.vector_store %arg13[%swap3A_1514], %mul3A_1513 {add = true, strides = array<i32>} : memref<1024xf32, #tpu.memory_space<vmem>>, vector<16xf32>,
      %get3A_1516 = arith.constant 784 : index
      %get3A_1517 = tpu.vector_load %arg11[%get3A_1516] {strides = array<i32>} : memref<1024xf32, #tpu.memory_space<vmem>>, vector<16xf32>,
      %get3A_1518 = arith.constant 784 : index
      %get3A_1519 = tpu.vector_load %arg12[%get3A_1518] {strides = array<i32>} : memref<1024xf32, #tpu.memory_space<vmem>>, vector<16xf32>,
      %mul3A_1520 = arith.mulf %get3A_1517, %get3A_1519 : vector<16xf32>
      %swap3A_1521 = arith.constant 784 : index
      %swap3A_1522 = tpu.vector_load %arg13[%swap3A_1521] {strides = array<i32>} : memref<1024xf32, #tpu.memory_space<vmem>>, vector<16xf32>,
      tpu.vector_store %arg13[%swap3A_1521], %mul3A_1520 {add = true, strides = array<i32>} : memref<1024xf32, #tpu.memory_space<vmem>>, vector<16xf32>,
      %get3A_1523 = arith.constant 800 : index
      %get3A_1524 = tpu.vector_load %arg11[%get3A_1523] {strides = array<i32>} : memref<1024xf32, #tpu.memory_space<vmem>>, vector<16xf32>,
      %get3A_1525 = arith.constant 800 : index
      %get3A_1526 = tpu.vector_load %arg12[%get3A_1525] {strides = array<i32>} : memref<1024xf32, #tpu.memory_space<vmem>>, vector<16xf32>,
      %mul3A_1527 = arith.mulf %get3A_1524, %get3A_1526 : vector<16xf32>
      %swap3A_1528 = arith.constant 800 : index
      %swap3A_1529 = tpu.vector_load %arg13[%swap3A_1528] {strides = array<i32>} : memref<1024xf32, #tpu.memory_space<vmem>>, vector<16xf32>,
      tpu.vector_store %arg13[%swap3A_1528], %mul3A_1527 {add = true, strides = array<i32>} : memref<1024xf32, #tpu.memory_space<vmem>>, vector<16xf32>,
      %get3A_1530 = arith.constant 816 : index
      %get3A_1531 = tpu.vector_load %arg11[%get3A_1530] {strides = array<i32>} : memref<1024xf32, #tpu.memory_space<vmem>>, vector<16xf32>,
      %get3A_1532 = arith.constant 816 : index
      %get3A_1533 = tpu.vector_load %arg12[%get3A_1532] {strides = array<i32>} : memref<1024xf32, #tpu.memory_space<vmem>>, vector<16xf32>,
      %mul3A_1534 = arith.mulf %get3A_1531, %get3A_1533 : vector<16xf32>
      %swap3A_1535 = arith.constant 816 : index
      %swap3A_1536 = tpu.vector_load %arg13[%swap3A_1535] {strides = array<i32>} : memref<1024xf32, #tpu.memory_space<vmem>>, vector<16xf32>,
      tpu.vector_store %arg13[%swap3A_1535], %mul3A_1534 {add = true, strides = array<i32>} : memref<1024xf32, #tpu.memory_space<vmem>>, vector<16xf32>,
      %get3A_1537 = arith.constant 832 : index
      %get3A_1538 = tpu.vector_load %arg11[%get3A_1537] {strides = array<i32>} : memref<1024xf32, #tpu.memory_space<vmem>>, vector<16xf32>,
      %get3A_1539 = arith.constant 832 : index
      %get3A_1540 = tpu.vector_load %arg12[%get3A_1539] {strides = array<i32>} : memref<1024xf32, #tpu.memory_space<vmem>>, vector<16xf32>,
      %mul3A_1541 = arith.mulf %get3A_1538, %get3A_1540 : vector<16xf32>
      %swap3A_1542 = arith.constant 832 : index
      %swap3A_1543 = tpu.vector_load %arg13[%swap3A_1542] {strides = array<i32>} : memref<1024xf32, #tpu.memory_space<vmem>>, vector<16xf32>,
      tpu.vector_store %arg13[%swap3A_1542], %mul3A_1541 {add = true, strides = array<i32>} : memref<1024xf32, #tpu.memory_space<vmem>>, vector<16xf32>,
      %get3A_1544 = arith.constant 848 : index
      %get3A_1545 = tpu.vector_load %arg11[%get3A_1544] {strides = array<i32>} : memref<1024xf32, #tpu.memory_space<vmem>>, vector<16xf32>,
      %get3A_1546 = arith.constant 848 : index
      %get3A_1547 = tpu.vector_load %arg12[%get3A_1546] {strides = array<i32>} : memref<1024xf32, #tpu.memory_space<vmem>>, vector<16xf32>,
      %mul3A_1548 = arith.mulf %get3A_1545, %get3A_1547 : vector<16xf32>
      %swap3A_1549 = arith.constant 848 : index
      %swap3A_1550 = tpu.vector_load %arg13[%swap3A_1549] {strides = array<i32>} : memref<1024xf32, #tpu.memory_space<vmem>>, vector<16xf32>,
      tpu.vector_store %arg13[%swap3A_1549], %mul3A_1548 {add = true, strides = array<i32>} : memref<1024xf32, #tpu.memory_space<vmem>>, vector<16xf32>,
      %get3A_1551 = arith.constant 864 : index
      %get3A_1552 = tpu.vector_load %arg11[%get3A_1551] {strides = array<i32>} : memref<1024xf32, #tpu.memory_space<vmem>>, vector<16xf32>,
      %get3A_1553 = arith.constant 864 : index
      %get3A_1554 = tpu.vector_load %arg12[%get3A_1553] {strides = array<i32>} : memref<1024xf32, #tpu.memory_space<vmem>>, vector<16xf32>,
      %mul3A_1555 = arith.mulf %get3A_1552, %get3A_1554 : vector<16xf32>
      %swap3A_1556 = arith.constant 864 : index
      %swap3A_1557 = tpu.vector_load %arg13[%swap3A_1556] {strides = array<i32>} : memref<1024xf32, #tpu.memory_space<vmem>>, vector<16xf32>,
      tpu.vector_store %arg13[%swap3A_1556], %mul3A_1555 {add = true, strides = array<i32>} : memref<1024xf32, #tpu.memory_space<vmem>>, vector<16xf32>,
      %get3A_1558 = arith.constant 880 : index
      %get3A_1559 = tpu.vector_load %arg11[%get3A_1558] {strides = array<i32>} : memref<1024xf32, #tpu.memory_space<vmem>>, vector<16xf32>,
      %get3A_1560 = arith.constant 880 : index
      %get3A_1561 = tpu.vector_load %arg12[%get3A_1560] {strides = array<i32>} : memref<1024xf32, #tpu.memory_space<vmem>>, vector<16xf32>,
      %mul3A_1562 = arith.mulf %get3A_1559, %get3A_1561 : vector<16xf32>
      %swap3A_1563 = arith.constant 880 : index
      %swap3A_1564 = tpu.vector_load %arg13[%swap3A_1563] {strides = array<i32>} : memref<1024xf32, #tpu.memory_space<vmem>>, vector<16xf32>,
      tpu.vector_store %arg13[%swap3A_1563], %mul3A_1562 {add = true, strides = array<i32>} : memref<1024xf32, #tpu.memory_space<vmem>>, vector<16xf32>,
      %dma_wait3A_1565 = arith.constant 7 : i32
      %dma_wait3A_1566 = arith.constant 896 : i32
      %dma_wait3A_1567 = tpu.memref_slice %arg11[%dma_wait3A_1566] : memref<1024xf32, #tpu.memory_space<vmem>> -> memref<128xf32, #tpu.memory_space<vmem>>
      %dma_wait3A_1568 = arith.constant 0 : i32
      %dma_wait3A_1569 = tpu.memref_slice %arg7[%dma_wait3A_1565, %dma_wait3A_1568] : memref<8x128xi32, #tpu.memory_space<vmem>> -> memref<1x128xi32, #tpu.memory_space<vmem>>
      %dma_wait3A_1570 = tpu.memref_squeeze %dma_wait3A_1569 : memref<1x128xi32, #tpu.memory_space<vmem>> -> memref<128xi32, #tpu.memory_space<vmem>>
      %dma_wait3A_1571 = arith.constant 0 : i32
      %dma_wait3A_1572 = tpu.memref_slice %arg10[%dma_wait3A_1571] : memref<1000064xf32, #tpu.memory_space<vmem_shared>> -> memref<1000064xf32, #tpu.memory_space<vmem_shared>>
      tpu.wait_indirect_dma semaphore(%arg16 : memref<!tpu.dma_semaphore, #tpu.memory_space<semaphore_mem>>) src(%dma_wait3A_1572 : memref<1000064xf32, #tpu.memory_space<vmem_shared>>) dst(%dma_wait3A_1567 : memref<128xf32, #tpu.memory_space<vmem>>)
      %dma_wait3A_1573 = arith.constant 7 : i32
      %dma_wait3A_1574 = arith.constant 896 : i32
      %dma_wait3A_1575 = tpu.memref_slice %arg12[%dma_wait3A_1574] : memref<1024xf32, #tpu.memory_space<vmem>> -> memref<128xf32, #tpu.memory_space<vmem>>
      %dma_wait3A_1576 = arith.constant 0 : i32
      %dma_wait3A_1577 = tpu.memref_slice %arg8[%dma_wait3A_1573, %dma_wait3A_1576] : memref<8x128xi32, #tpu.memory_space<vmem>> -> memref<1x128xi32, #tpu.memory_space<vmem>>
      %dma_wait3A_1578 = tpu.memref_squeeze %dma_wait3A_1577 : memref<1x128xi32, #tpu.memory_space<vmem>> -> memref<128xi32, #tpu.memory_space<vmem>>
      %dma_wait3A_1579 = arith.constant 0 : i32
      %dma_wait3A_1580 = tpu.memref_slice %arg10[%dma_wait3A_1579] : memref<1000064xf32, #tpu.memory_space<vmem_shared>> -> memref<1000064xf32, #tpu.memory_space<vmem_shared>>
      tpu.wait_indirect_dma semaphore(%arg16 : memref<!tpu.dma_semaphore, #tpu.memory_space<semaphore_mem>>) src(%dma_wait3A_1580 : memref<1000064xf32, #tpu.memory_space<vmem_shared>>) dst(%dma_wait3A_1575 : memref<128xf32, #tpu.memory_space<vmem>>)
      %get3A_1581 = arith.constant 896 : index
      %get3A_1582 = tpu.vector_load %arg11[%get3A_1581] {strides = array<i32>} : memref<1024xf32, #tpu.memory_space<vmem>>, vector<16xf32>,
      %get3A_1583 = arith.constant 896 : index
      %get3A_1584 = tpu.vector_load %arg12[%get3A_1583] {strides = array<i32>} : memref<1024xf32, #tpu.memory_space<vmem>>, vector<16xf32>,
      %mul3A_1585 = arith.mulf %get3A_1582, %get3A_1584 : vector<16xf32>
      %swap3A_1586 = arith.constant 896 : index
      %swap3A_1587 = tpu.vector_load %arg13[%swap3A_1586] {strides = array<i32>} : memref<1024xf32, #tpu.memory_space<vmem>>, vector<16xf32>,
      tpu.vector_store %arg13[%swap3A_1586], %mul3A_1585 {add = true, strides = array<i32>} : memref<1024xf32, #tpu.memory_space<vmem>>, vector<16xf32>,
      %get3A_1588 = arith.constant 912 : index
      %get3A_1589 = tpu.vector_load %arg11[%get3A_1588] {strides = array<i32>} : memref<1024xf32, #tpu.memory_space<vmem>>, vector<16xf32>,
      %get3A_1590 = arith.constant 912 : index
      %get3A_1591 = tpu.vector_load %arg12[%get3A_1590] {strides = array<i32>} : memref<1024xf32, #tpu.memory_space<vmem>>, vector<16xf32>,
      %mul3A_1592 = arith.mulf %get3A_1589, %get3A_1591 : vector<16xf32>
      %swap3A_1593 = arith.constant 912 : index
      %swap3A_1594 = tpu.vector_load %arg13[%swap3A_1593] {strides = array<i32>} : memref<1024xf32, #tpu.memory_space<vmem>>, vector<16xf32>,
      tpu.vector_store %arg13[%swap3A_1593], %mul3A_1592 {add = true, strides = array<i32>} : memref<1024xf32, #tpu.memory_space<vmem>>, vector<16xf32>,
      %get3A_1595 = arith.constant 928 : index
      %get3A_1596 = tpu.vector_load %arg11[%get3A_1595] {strides = array<i32>} : memref<1024xf32, #tpu.memory_space<vmem>>, vector<16xf32>,
      %get3A_1597 = arith.constant 928 : index
      %get3A_1598 = tpu.vector_load %arg12[%get3A_1597] {strides = array<i32>} : memref<1024xf32, #tpu.memory_space<vmem>>, vector<16xf32>,
      %mul3A_1599 = arith.mulf %get3A_1596, %get3A_1598 : vector<16xf32>
      %swap3A_1600 = arith.constant 928 : index
      %swap3A_1601 = tpu.vector_load %arg13[%swap3A_1600] {strides = array<i32>} : memref<1024xf32, #tpu.memory_space<vmem>>, vector<16xf32>,
      tpu.vector_store %arg13[%swap3A_1600], %mul3A_1599 {add = true, strides = array<i32>} : memref<1024xf32, #tpu.memory_space<vmem>>, vector<16xf32>,
      %get3A_1602 = arith.constant 944 : index
      %get3A_1603 = tpu.vector_load %arg11[%get3A_1602] {strides = array<i32>} : memref<1024xf32, #tpu.memory_space<vmem>>, vector<16xf32>,
      %get3A_1604 = arith.constant 944 : index
      %get3A_1605 = tpu.vector_load %arg12[%get3A_1604] {strides = array<i32>} : memref<1024xf32, #tpu.memory_space<vmem>>, vector<16xf32>,
      %mul3A_1606 = arith.mulf %get3A_1603, %get3A_1605 : vector<16xf32>
      %swap3A_1607 = arith.constant 944 : index
      %swap3A_1608 = tpu.vector_load %arg13[%swap3A_1607] {strides = array<i32>} : memref<1024xf32, #tpu.memory_space<vmem>>, vector<16xf32>,
      tpu.vector_store %arg13[%swap3A_1607], %mul3A_1606 {add = true, strides = array<i32>} : memref<1024xf32, #tpu.memory_space<vmem>>, vector<16xf32>,
      %get3A_1609 = arith.constant 960 : index
      %get3A_1610 = tpu.vector_load %arg11[%get3A_1609] {strides = array<i32>} : memref<1024xf32, #tpu.memory_space<vmem>>, vector<16xf32>,
      %get3A_1611 = arith.constant 960 : index
      %get3A_1612 = tpu.vector_load %arg12[%get3A_1611] {strides = array<i32>} : memref<1024xf32, #tpu.memory_space<vmem>>, vector<16xf32>,
      %mul3A_1613 = arith.mulf %get3A_1610, %get3A_1612 : vector<16xf32>
      %swap3A_1614 = arith.constant 960 : index
      %swap3A_1615 = tpu.vector_load %arg13[%swap3A_1614] {strides = array<i32>} : memref<1024xf32, #tpu.memory_space<vmem>>, vector<16xf32>,
      tpu.vector_store %arg13[%swap3A_1614], %mul3A_1613 {add = true, strides = array<i32>} : memref<1024xf32, #tpu.memory_space<vmem>>, vector<16xf32>,
      %get3A_1616 = arith.constant 976 : index
      %get3A_1617 = tpu.vector_load %arg11[%get3A_1616] {strides = array<i32>} : memref<1024xf32, #tpu.memory_space<vmem>>, vector<16xf32>,
      %get3A_1618 = arith.constant 976 : index
      %get3A_1619 = tpu.vector_load %arg12[%get3A_1618] {strides = array<i32>} : memref<1024xf32, #tpu.memory_space<vmem>>, vector<16xf32>,
      %mul3A_1620 = arith.mulf %get3A_1617, %get3A_1619 : vector<16xf32>
      %swap3A_1621 = arith.constant 976 : index
      %swap3A_1622 = tpu.vector_load %arg13[%swap3A_1621] {strides = array<i32>} : memref<1024xf32, #tpu.memory_space<vmem>>, vector<16xf32>,
      tpu.vector_store %arg13[%swap3A_1621], %mul3A_1620 {add = true, strides = array<i32>} : memref<1024xf32, #tpu.memory_space<vmem>>, vector<16xf32>,
      %get3A_1623 = arith.constant 992 : index
      %get3A_1624 = tpu.vector_load %arg11[%get3A_1623] {strides = array<i32>} : memref<1024xf32, #tpu.memory_space<vmem>>, vector<16xf32>,
      %get3A_1625 = arith.constant 992 : index
      %get3A_1626 = tpu.vector_load %arg12[%get3A_1625] {strides = array<i32>} : memref<1024xf32, #tpu.memory_space<vmem>>, vector<16xf32>,
      %mul3A_1627 = arith.mulf %get3A_1624, %get3A_1626 : vector<16xf32>
      %swap3A_1628 = arith.constant 992 : index
      %swap3A_1629 = tpu.vector_load %arg13[%swap3A_1628] {strides = array<i32>} : memref<1024xf32, #tpu.memory_space<vmem>>, vector<16xf32>,
      tpu.vector_store %arg13[%swap3A_1628], %mul3A_1627 {add = true, strides = array<i32>} : memref<1024xf32, #tpu.memory_space<vmem>>, vector<16xf32>,
      %get3A_1630 = arith.constant 1008 : index
      %get3A_1631 = tpu.vector_load %arg11[%get3A_1630] {strides = array<i32>} : memref<1024xf32, #tpu.memory_space<vmem>>, vector<16xf32>,
      %get3A_1632 = arith.constant 1008 : index
      %get3A_1633 = tpu.vector_load %arg12[%get3A_1632] {strides = array<i32>} : memref<1024xf32, #tpu.memory_space<vmem>>, vector<16xf32>,
      %mul3A_1634 = arith.mulf %get3A_1631, %get3A_1633 : vector<16xf32>
      %swap3A_1635 = arith.constant 1008 : index
      %swap3A_1636 = tpu.vector_load %arg13[%swap3A_1635] {strides = array<i32>} : memref<1024xf32, #tpu.memory_space<vmem>>, vector<16xf32>,
      tpu.vector_store %arg13[%swap3A_1635], %mul3A_1634 {add = true, strides = array<i32>} : memref<1024xf32, #tpu.memory_space<vmem>>, vector<16xf32>,
      %barrier3A_1637 = arith.constant 0 : index
      tpu.barrier barrier_id(%barrier3A_1637)
    }
    %scan3A_149 = arith.constant 16 : i32
    %mul3A_150 = arith.constant 1024 : i32
    %mul3A_151 = arith.muli %arg1, %mul3A_150 : i32
    "tpu.region"() ({
      %run_scoped3A = tpu.sem_alloc : memref<!tpu.dma_semaphore, #tpu.memory_space<semaphore_mem>>
      %dma_start3A_152 = tpu.memref_slice %arg6[%arg0, %mul3A_151] : memref<2x16384xf32, #tpu.memory_space<hbm>> -> memref<1x1024xf32, #tpu.memory_space<hbm>>
      %dma_start3A_153 = tpu.memref_squeeze %dma_start3A_152 : memref<1x1024xf32, #tpu.memory_space<hbm>> -> memref<1024xf32, #tpu.memory_space<hbm>>
      %dma_start3A_154 = tpu.memref_slice %arg6[%arg0, %mul3A_151] : memref<2x16384xf32, #tpu.memory_space<hbm>> -> memref<1x1024xf32, #tpu.memory_space<hbm>>
      %dma_start3A_155 = tpu.memref_squeeze %dma_start3A_154 : memref<1x1024xf32, #tpu.memory_space<hbm>> -> memref<1024xf32, #tpu.memory_space<hbm>>
      tpu.enqueue_dma source(%arg13 : memref<1024xf32, #tpu.memory_space<vmem>>) target(%dma_start3A_155 : memref<1024xf32, #tpu.memory_space<hbm>>) target_semaphore(%run_scoped3A : memref<!tpu.dma_semaphore, #tpu.memory_space<semaphore_mem>>)
      %dma_wait3A = tpu.memref_slice %arg6[%arg0, %mul3A_151] : memref<2x16384xf32, #tpu.memory_space<hbm>> -> memref<1x1024xf32, #tpu.memory_space<hbm>>
      %dma_wait3A_156 = tpu.memref_squeeze %dma_wait3A : memref<1x1024xf32, #tpu.memory_space<hbm>> -> memref<1024xf32, #tpu.memory_space<hbm>>
      %dma_wait3A_157 = tpu.memref_slice %arg6[%arg0, %mul3A_151] : memref<2x16384xf32, #tpu.memory_space<hbm>> -> memref<1x1024xf32, #tpu.memory_space<hbm>>
      %dma_wait3A_158 = tpu.memref_squeeze %dma_wait3A_157 : memref<1x1024xf32, #tpu.memory_space<hbm>> -> memref<1024xf32, #tpu.memory_space<hbm>>
      tpu.wait_dma2 semaphore(%run_scoped3A : memref<!tpu.dma_semaphore, #tpu.memory_space<semaphore_mem>>) src(%arg13 : memref<1024xf32, #tpu.memory_space<vmem>>) dst(%dma_wait3A_158 : memref<1024xf32, #tpu.memory_space<hbm>>)
      tpu.yield
    }) : () -> ()
    return
  }
}

</mosaic_0001>

<sc_bundles>
// kernel: _run.3.cloned.1.call-start
scs
__scs_entry_jumppad:
0x0: {  	(pc) =	sbr.rel $0x88, $3  }
0x1: {  	(tag) =	ssettag $0x0;
	lr =	simm.s32 $0x1  }
0x2: {  	[smem:$0x3F9D] =	sst lr;
	_ =	strace $0xD0000000  }
0x3: {  	_ = 	snop  }
0x4: {  	_ = 	snop  }
0x5: {  	_ = 	snop  }
0x6: {  	_ = 	snop  }
0x7: {  	_ = 	snop  }
__scs_overlays_trampoline_lowered:
0x8: {  	[smem:$0x3FAC] =	sst s0  }
0x9: {  	[smem:$0x3FAD] =	sst s1  }
0xa: {  	[smem:$0x3FAE] =	sst s2  }
0xb: {  	[smem:$0x3FAF] =	sst s3  }
0xc: {  	[smem:$0x3FB0] =	sst s4  }
0xd: {  	[smem:$0x3FB1] =	sst s5  }
0xe: {  	[smem:$0x3FB2] =	sst s6  }
0xf: {  	[smem:$0x3FB3] =	sst s7  }
0x10: {  	[smem:$0x3FB4] =	sst s8  }
0x11: {  	[smem:$0x3FB5] =	sst s9;
	s0 =	simm.s32 @!p0 $0x0  }
0x12: {  	s1 =	sld [smem:$0x3F9B];
	s0 =	simm.s32 @p0 $0x1  }
0x13: {  	[smem:$0x3FB6] =	sst s0;
	s0 =	simm.s32 @!p1 $0x0  }
0x14: {  	s2 =	sld [smem:$0x3F9A];
	s0 =	simm.s32 @p1 $0x1  }
0x15: {  	[smem:$0x3FB7] =	sst s0;
	s0 =	simm.s32 @!p2 $0x0  }
0x16: {  	s3 =	sld [smem:$0x3FDB];
	s0 =	simm.s32 @p2 $0x1  }
0x17: {  	s4 =	simm.s32 $0x1BF5;
	[smem:$0x3FB9] =	sst s0  }
0x18: {  	s0 =	sld [smem:$0x3F9C];
	_ =	swait.ge [sflag:s4], $0x0  }
0x19: {  	s7 =	sld [smem:$0x3F9D]  }
0x1a: {  	s8 =	sadd.s32 $0xFFFFE003, lr  }
0x1b: {  	s9 =	sadd.s32 $0xFFFFFEF7, lr;
	s5 =	simm.s32 $0xFFFFFFFF;
	p2 =	slt.u32 s8, $0xFFFFF086  }
0x1c: {  	p1 =	slt.u32 s9, $0xF7A;
	s5 =	simm.s32 @!p2 $0x0  }
0x1d: {  	s5 =	simm.s32 @p1 $0x1;
	p0 =	seq.s32 s7, s2  }
0x1e: {  	s7 =	smul.u32 @!p0 $0xF7A, s2;
	p2 =	seq.s32 @!p0 s5, $0x0  }
0x1f: {  	s9 =	smul.u32 $0xF7A, s1;
	s8 =	simm.s32 @!p0 $0x1BF5;
	p2 =	por !p2, p0  }
0x20: {  	[sflag:s8] =	ssyncset.s32 @!p0 $0xFFFFF086;
	s6 =	sadd.s32 @!p0 s3, s7;
	s7 =	simm.s32 @!p0 $0x108  }
0x21: {  	s3 =	sadd.s32 s3, s9;
	s6 =	sadd.s32 @!p0 $0x88, s6;
	s7 =	simm.s32 @p2 $0x1082  }
0x22: {  	[simem:s7], [sflag:s8] =	dma.local @!p0 [hbm:s6], $0xF7A  }
0x23: {  	s9 =	sor.u32 $0xD0000000, s2;
	s6 =	simm.s32 $0x108;
	_ =	swait.ge @!p0 [sflag:s8], $0x0  }
0x24: {  	s3 =	sadd.s32 $0x88, s3;
	s6 =	simm.s32 @!p1 $0x1082;
	[sflag:s4] =	ssyncset.s32 $0xFFFFF086  }
0x25: {  	[simem:s6], [sflag:s4] =	dma.local [hbm:s3], $0xF7A  }
0x26: {  	[smem:$0x3F9D] =	sst s1;
	(tag) =	ssettag s2;
	_ =	strace s9  }
0x27: {  	s1 =	sld [smem:$0x3FAD]  }
0x28: {  	s2 =	sld [smem:$0x3FAE]  }
0x29: {  	s4 =	sld [smem:$0x3FB0]  }
0x2a: {  	p0 =	seq.s32 s5, $0x0;
	s5 =	sld [smem:$0x3FB1]  }
0x2b: {  	s6 =	sld [smem:$0x3FB2]  }
0x2c: {  	s7 =	sld [smem:$0x3FB3]  }
0x2d: {  	s3 =	simm.s32 $0x108;
	s8 =	sld [smem:$0x3FB4]  }
0x2e: {  	s3 =	simm.s32 @!p0 $0x1082;
	s9 =	sld [smem:$0x3FB5]  }
0x2f: {  	lr =	sadd.s32 s0, s3;
	s0 =	sld [smem:$0x3FAC]  }
0x30: {  	s3 =	sld [smem:$0x3FAF]  }
0x31: {  	[smem:$0x3FB8] =	sst s10  }
0x32: {  	s10 =	sld [smem:$0x3FB6];
	_ =	sdelay $0x3  }
0x33: {  	p0 =	seq.s32 s10, $0x1;
	s10 =	sld [smem:$0x3FB8];
	_ =	sdelay $0x3  }
0x34: {  	[smem:$0x3FB8] =	sst s10  }
0x35: {  	s10 =	sld [smem:$0x3FB7];
	_ =	sdelay $0x3  }
0x36: {  	p1 =	seq.s32 s10, $0x1;
	s10 =	sld [smem:$0x3FB8];
	_ =	sdelay $0x3  }
0x37: {  	[smem:$0x3FB8] =	sst s10  }
0x38: {  	s10 =	sld [smem:$0x3FB9]  }
0x39: {  	_ = 	snop;
	(pc) =	sbr.ind lr, $3  }
0x3a: {  	_ = 	snop  }
0x3b: {  	_ = 	snop  }
0x3c: {  	p2 =	seq.s32 s10, $0x1;
	s10 =	sld [smem:$0x3FB8]  }
0x3d: {  	_ =	shalt  }
0x3e: {  	_ =	shalt  }
0x3f: {  	_ =	shalt  }
0x40: {  	_ =	shalt  }
0x41: {  	_ =	shalt  }
0x42: {  	_ =	shalt  }
0x43: {  	_ =	shalt  }
0x44: {  	_ =	shalt  }
0x45: {  	_ =	shalt  }
0x46: {  	_ =	shalt  }
0x47: {  	_ =	shalt  }
0x48: {  	_ =	shalt  }
0x49: {  	_ =	shalt  }
0x4a: {  	_ =	shalt  }
0x4b: {  	_ =	shalt  }
0x4c: {  	_ =	shalt  }
0x4d: {  	_ =	shalt  }
0x4e: {  	_ =	shalt  }
0x4f: {  	_ =	shalt  }
0x50: {  	_ =	shalt  }
0x51: {  	_ =	shalt  }
0x52: {  	_ =	shalt  }
0x53: {  	_ =	shalt  }
0x54: {  	_ =	shalt  }
0x55: {  	_ =	shalt  }
0x56: {  	_ =	shalt  }
0x57: {  	_ =	shalt  }
0x58: {  	_ =	shalt  }
0x59: {  	_ =	shalt  }
0x5a: {  	_ =	shalt  }
0x5b: {  	_ =	shalt  }
0x5c: {  	_ =	shalt  }
0x5d: {  	_ =	shalt  }
0x5e: {  	_ =	shalt  }
0x5f: {  	_ =	shalt  }
0x60: {  	_ =	shalt  }
0x61: {  	_ =	shalt  }
0x62: {  	_ =	shalt  }
0x63: {  	_ =	shalt  }
0x64: {  	_ =	shalt  }
0x65: {  	_ =	shalt  }
0x66: {  	_ =	shalt  }
0x67: {  	_ =	shalt  }
0x68: {  	_ =	shalt  }
0x69: {  	_ =	shalt  }
0x6a: {  	_ =	shalt  }
0x6b: {  	_ =	shalt  }
0x6c: {  	_ =	shalt  }
0x6d: {  	_ =	shalt  }
0x6e: {  	_ =	shalt  }
0x6f: {  	_ =	shalt  }
0x70: {  	_ =	shalt  }
0x71: {  	_ =	shalt  }
0x72: {  	_ =	shalt  }
0x73: {  	_ =	shalt  }
0x74: {  	_ =	shalt  }
0x75: {  	_ =	shalt  }
0x76: {  	_ =	shalt  }
0x77: {  	_ =	shalt  }
0x78: {  	_ =	shalt  }
0x79: {  	_ =	shalt  }
0x7a: {  	_ =	shalt  }
0x7b: {  	_ =	shalt  }
0x7c: {  	_ =	shalt  }
0x7d: {  	_ =	shalt  }
0x7e: {  	_ =	shalt  }
0x7f: {  	_ =	shalt  }
0x80: {  	_ =	shalt  }
0x81: {  	_ =	shalt  }
0x82: {  	_ =	shalt  }
0x83: {  	_ =	shalt  }
0x84: {  	_ =	shalt  }
0x85: {  	_ =	shalt  }
0x86: {  	_ =	shalt  }
0x87: {  	_ =	shalt  }
.Lfunc_end0:
.L_simem_size_0:
called_computation_lowered:
.L_overlay_start_0:
0x88: {  	s2 =	sld [smem:$0x3FD9]  }
0x89: {  	s3 =	sld [smem:$0x3FFE];
	_ =	sdelay $0x1  }
0x8a: {  	s1 =	srdreg.scid  }
0x8b: {  	s0 =	sand.u32 $0x1, s1  }
0x8c: {  	s18 =	sshll.u32 s0, $0xA;
	s2 =	sadd.s32 s3, s2  }
0x8d: {  	s2 =	sadd.s32 s2, s18  }
0x8e: {  	[smem:$0x3FC4] =	sst s2  }
0x8f: {  	_ = 	snop  }
0x90: {  	s2 =	sld [smem:$0x3FC9]  }
0x91: {  	s19 =	sld [smem:$0x3FC8]  }
0x92: {  	s4 =	sld [smem:$0x3FC7]  }
0x93: {  	s5 =	sld [smem:$0x3FC6]  }
0x94: {  	s6 =	sld [smem:$0x3FD0];
	(tm) =	ssettm $0x1  }
0x95: {  	s7 =	sld [smem:$0x3FFB];
	_ =	sdelay $0x3  }
0x96: {  	_ =	strace s7  }
0x97: {  	s7 =	sld [smem:$0x3FFC];
	_ =	sdelay $0x3  }
0x98: {  	_ =	strace s7  }
0x99: {  	s7 =	sld [smem:$0x3FFD];
	_ =	sdelay $0x3  }
0x9a: {  	_ =	strace s7  }
0x9b: {  	_ =	strace $0x8FFFFFFF  }
0x9c: {  	s20 =	sld [smem:$0x3FDB];
	_ =	sdelay $0x1  }
0x9d: {  	s8 =	simm.s32 $_scs_section_size  }
0x9e: {  	s9 =	simm.s32 $_size__tile_overlayer_lowered;
	s10 =	simm.s32 $_tile_overlayer_lowered  }
0x9f: {  	s23 =	simm.s32 $0x1BFF;
	s22 =	sshll.u32 s10, $0x1;
	s7 =	sadd.s32 s8, s20  }
0xa0: {  	s11 =	simm.s32 $0x0;
	s21 =	sshll.u32 s9, $0x1;
	s9 =	sadd.s32 s22, s7  }
0xa1: {  	[timem:s11], [sflag:s23] =	dma.local [hbm:s9], s21  }
0xa2: {  	_ =	swait.ge [sflag:s23], s21  }
0xa3: {  	s8 =	ssub.s32 $0x0, s21;
	[sflag:s23] =	ssyncset.done $0x0  }
0xa4: {  	[sflag:s23] =	ssyncadd.s32 s8;
	_ =	sdelay $0x1  }
0xa5: {  	s24 =	simm.s32 $0x1B8B  }
0xa6: {  	_ =	swait.ge [sflag:s24], $0x1  }
0xa7: {  	[sflag:s24] =	ssyncset.done $0x0  }
0xa8: {  	s25 =	simm.s32 $0x1B8E;
	[sflag:s24] =	ssyncadd.s32 $0xFFFFFFFF  }
0xa9: {  	s26 =	simm.s32 $execute0_lowered;
	[smem:$0x3FD2] =	sst s25  }
0xaa: {  	s8 =	sshll.u32 s26, $0x1;
	_ =	strace $0x80000046;
	[dreg:$0x1] =	wrdreg $0xFFFFFFFF  }
0xab: {  	s28 =	simm.s32 $_size_execute0_lowered;
	s7 =	sadd.s32 s7, s8;
	[dreg:$0x0] =	wrdreg $0x0  }
0xac: {  	s8 =	sshll.u32 s28, $0x1;
	[dreg:$0x2] =	wrdreg s7  }
0xad: {  	[dreg:$0x3] =	wrdreg s8  }
0xae: {  	[dreg:$0x4] =	wrdreg $0xC0  }
0xaf: {  	_ =	task [dreg:s11], $0x5FFFF  }
0xb0: {  	[dreg:$0x1] =	wrdreg $0xFFFFFFFF  }
0xb1: {  	[dreg:$0x0] =	wrdreg $0x60  }
0xb2: {  	[dreg:$0x2] =	wrdreg s2  }
0xb3: {  	[dreg:$0x3] =	wrdreg s19  }
0xb4: {  	[dreg:$0x4] =	wrdreg s4  }
0xb5: {  	[dreg:$0x5] =	wrdreg s5  }
0xb6: {  	[dreg:$0x6] =	wrdreg s6  }
0xb7: {  	[dreg:$0x7] =	wrdreg $0x8000  }
0xb8: {  	[dreg:$0x8] =	wrdreg $0xFC280  }
0xb9: {  	[dreg:$0x9] =	wrdreg $0x9  }
0xba: {  	_ =	task.clear_ibuf [dreg:s11], $0xAFFFF;
	_ =	strace $0x90000046  }
0xbb: {  	s29 =	simm.s32 $0x9;
	_ =	strace $0x80000048  }
0xbc: {  	_ =	swait.ge [sflag:s29], $0x1  }
0xbd: {  	[sflag:s29] =	ssyncadd.s32 $0xFFFFFFFF  }
0xbe: {  	_ =	strace $0x90000048  }
0xbf: {  	_ =	sfence  }
0xc0: {  	s30 =	sld [smem:$0x0];
	_ =	sdelay $0x2  }
0xc1: {  	s31 =	sshll.u32 s1, $0xD;
	s1 =	sshrl.u32 s1, $0x2  }
0xc2: {  	s3 =	sand.u32 $0x4000, s31;
	s1 =	sadd.s32 s1, s30  }
0xc3: {  	s0 =	sor.u32 s3, s0;
	s1 =	sshll.u32 s1, $0x11  }
0xc4: {  	s0 =	sor.u32 s1, s0  }
0xc5: {  	s0 =	sadd.s32 $0x8F2B, s0  }
0xc6: {  	[sflag:s0] =	ssyncadd.remote.s32 $0x1  }
0xc7: {  	_ =	sfence.sel $0xFFFF  }
0xc8: {  	[dreg:$0x0] =	wrdreg $0xFFFFFFFF;
	(pc) =	sbr.abs _section_cstart, $3  }
0xc9: {  	[dreg:$0x1] =	wrdreg $0xFFFFFFFF  }
0xca: {  	_ =	task.clear_ibuf [dreg:s11], $0x2FFFF;
	_ =	strace $0x9FFFFFFF  }
0xcb: {  	(tm) =	ssettm $0x7FFFFFFF  }
tec
execute0_lowered:
.L_overlay_start_1:
0x0: {  	(tag) =	ssettag $0x1  }
0x1: {  	s0 =	rddreg [dreg:$0x0]  }
0x2: {  	s1 =	rddreg [dreg:$0x1]  }
0x3: {  	s13 =	rddreg [dreg:$0x2]  }
0x4: {  	s15 =	rddreg [dreg:$0x3]  }
0x5: {  	s2 =	rddreg [dreg:$0x4]  }
0x6: {  	s11 =	rddreg [dreg:$0x5];
	s5 =	srdreg.scid  }
0x7: {  	s4 =	rddreg [dreg:$0x6];
	s7 =	simm.s32 $0x0;
	s10 =	stileid.u32  }
0x8: {  	s5 =	sand.u32 $0x1, s5;
	[smem:$0x7FF] =	sst s7;
	s19 =	smul.u32 $0xF400, s10  }
0x9: {  	s12 =	sshll.u32 s10, $0x7;
	s26 =	sadd.s32 $0xF4000, s11;
	s30 =	sshll.u32 s10, $0x6  }
0xa: {  	s22 =	sshll.u32 s10, $0x8;
	_ =	strace $0x80000047;
	[dreg:$0x14] =	wrdreg s30  }
0xb: {  	p0 =	sne.s32 s10, $0x0;
	s8 =	sshll.u32 s5, $0x5;
	[dreg:$0x17] =	wrdreg s26  }
0xc: {  	s7 =	simm.s32 $0x4;
	s0 =	sadd.s32 s0, s12;
	[dreg:$0xc] =	wrdreg s8  }
0xd: {  	s10 =	simm.s32 $0x1;
	s14 =	sadd.s32 s1, s12;
	[dreg:$0xd] =	wrdreg s0  }
0xe: {  	s6 =	ssub.s32 $0x2, s5;
	s16 =	smul.u32 $0xA00, s5;
	[dreg:$0xe] =	wrdreg s14  }
0xf: {  	s20 =	sshll.u32 s5, $0x4;
	s3 =	sadd.s32 $0x7A00, s19;
	[dreg:$0x18] =	wrdreg s19  }
0x10: {  	s2 =	sadd.s32 s2, s20;
	s0 =	sadd.s32 s15, s16;
	[dreg:$0x1b] =	wrdreg s3  }
0x11: {  	s12 =	sadd.s32 s19, s11;
	s2 =	sadd.s32 s22, s2;
	[dreg:$0x10] =	wrdreg s0  }
0x12: {  	s9 =	sshrl.u32 s6, $0x1;
	s25 =	smov.u32 s12;
	[dreg:$0x11] =	wrdreg s2  }
0x13: {  	s6 =	ssub.s32 s6, s9;
	s31 =	sshrl.u32 s12, $0x3;
	[dreg:$0x16] =	wrdreg s25  }
0x14: {  	s9 =	smul.u32 $0x3D0A00, s5;
	s21 =	sadd.s32 s3, s11;
	[dreg:$0x15] =	wrdreg s31  }
0x15: {  	s5 =	sshll.u32 s5, $0xC;
	s24 =	smax.u32 s6, $0x1;
	[dreg:$0x19] =	wrdreg s21  }
0x16: {  	s17 =	sadd.s32 s19, s4;
	s23 =	sor.u32 $0x100, s5;
	[dreg:$0x12] =	wrdreg s24  }
0x17: {  	s18 =	sadd.s32 s3, s4;
	s0 =	sshrl.u32 s17, $0x3;
	[dreg:$0x8] =	wrdreg s23  }
0x18: {  	s8 =	sadd.s32 $0xF4000, s4;
	s29 =	sshrl.u32 s18, $0x3;
	[dreg:$0x9] =	wrdreg s0  }
0x19: {  	s12 =	simm.s32 $0x80;
	s14 =	sadd.s32 s13, s9;
	[dreg:$0xa] =	wrdreg s29  }
0x1a: {  	s16 =	simm.s32 $0x3;
	s0 =	sshrl.u32 @!p0 s8, $0x3;
	[dreg:$0xf] =	wrdreg s14  }
0x1b: {  	s2 =	simm.s32 $0x0;
	s28 =	sadd.s32 s19, s14;
	[dreg:$0xb] =	wrdreg s0  }
0x1c: {  	v0 =	vimm.f32 $0.0e+00;
	s23 =	sor.u32 $0x1C01, s30;
	s8 =	simm.s32 $0x10;
	[dreg:$0x13] =	wrdreg s28  }
.LBB2_1:
0x1d: {  	[dreg:$0x1a] =	wrdreg s2  }
0x1e: {  	s1 =	rddreg [dreg:$0xd];
	s0 =	simm.s32 $0x0  }
0x1f: {  	[tilespmem:s0], [sflag:$0x4] =	stream.linear.gather [hbm4b:s1+s0], $0x400, $0x38;
	[tilespmem:$0x1FC50] =	vst v63  }
0x20: {  	_ =	swait.ge [sflag:s7], $0x400  }
0x21: {  	[sflag:s7] =	ssyncset.done $0x0  }
0x22: {  	s28 =	simm.s32 $0x400;
	s25 =	rddreg [dreg:$0xe];
	[sflag:s7] =	ssyncadd.s32 $0xFFFFFC00  }
0x23: {  	[tilespmem:s28], [sflag:$0x4] =	stream.linear.gather [hbm4b:s25+s0], $0x400, $0x38;
	[tilespmem:$0x1FC50] =	vst v63  }
0x24: {  	_ =	swait.ge [sflag:s7], $0x400  }
0x25: {  	[sflag:s7] =	ssyncset.done $0x0  }
0x26: {  	[sflag:s7] =	ssyncadd.s32 $0xFFFFFC00  }
0x27: {  	[tilespmem:$0x1F850] =	vst v0  }
0x28: {  	[tilespmem:$0x1F860] =	vst v0  }
0x29: {  	[tilespmem:$0x1F870] =	vst v0  }
0x2a: {  	[tilespmem:$0x1F880] =	vst v0  }
0x2b: {  	[tilespmem:$0x1F890] =	vst v0  }
0x2c: {  	[tilespmem:$0x1F8A0] =	vst v0  }
0x2d: {  	[tilespmem:$0x1F8B0] =	vst v0  }
0x2e: {  	[tilespmem:$0x1F8C0] =	vst v0  }
0x2f: {  	[tilespmem:$0x1F8D0] =	vst v0  }
0x30: {  	[tilespmem:$0x1F8E0] =	vst v0  }
0x31: {  	[tilespmem:$0x1F8F0] =	vst v0  }
0x32: {  	[tilespmem:$0x1F900] =	vst v0  }
0x33: {  	[tilespmem:$0x1F910] =	vst v0  }
0x34: {  	[tilespmem:$0x1F920] =	vst v0  }
0x35: {  	[tilespmem:$0x1F930] =	vst v0  }
0x36: {  	[tilespmem:$0x1F940] =	vst v0  }
0x37: {  	[tilespmem:$0x1F950] =	vst v0  }
0x38: {  	[tilespmem:$0x1F960] =	vst v0  }
0x39: {  	[tilespmem:$0x1F970] =	vst v0  }
0x3a: {  	[tilespmem:$0x1F980] =	vst v0  }
0x3b: {  	[tilespmem:$0x1F990] =	vst v0  }
0x3c: {  	[tilespmem:$0x1F9A0] =	vst v0  }
0x3d: {  	[tilespmem:$0x1F9B0] =	vst v0  }
0x3e: {  	[tilespmem:$0x1F9C0] =	vst v0  }
0x3f: {  	[tilespmem:$0x1F9D0] =	vst v0  }
0x40: {  	[tilespmem:$0x1F9E0] =	vst v0  }
0x41: {  	[tilespmem:$0x1F9F0] =	vst v0  }
0x42: {  	[tilespmem:$0x1FA00] =	vst v0  }
0x43: {  	[tilespmem:$0x1FA10] =	vst v0  }
0x44: {  	[tilespmem:$0x1FA20] =	vst v0  }
0x45: {  	[tilespmem:$0x1FA30] =	vst v0  }
0x46: {  	[tilespmem:$0x1FA40] =	vst v0  }
0x47: {  	[tilespmem:$0x1FA50] =	vst v0  }
0x48: {  	[tilespmem:$0x1FA60] =	vst v0  }
0x49: {  	[tilespmem:$0x1FA70] =	vst v0  }
0x4a: {  	[tilespmem:$0x1FA80] =	vst v0  }
0x4b: {  	[tilespmem:$0x1FA90] =	vst v0  }
0x4c: {  	[tilespmem:$0x1FAA0] =	vst v0  }
0x4d: {  	[tilespmem:$0x1FAB0] =	vst v0  }
0x4e: {  	[tilespmem:$0x1FAC0] =	vst v0  }
0x4f: {  	[tilespmem:$0x1FAD0] =	vst v0  }
0x50: {  	[tilespmem:$0x1FAE0] =	vst v0  }
0x51: {  	[tilespmem:$0x1FAF0] =	vst v0  }
0x52: {  	[tilespmem:$0x1FB00] =	vst v0  }
0x53: {  	[tilespmem:$0x1FB10] =	vst v0  }
0x54: {  	[tilespmem:$0x1FB20] =	vst v0  }
0x55: {  	[tilespmem:$0x1FB30] =	vst v0  }
0x56: {  	[tilespmem:$0x1FB40] =	vst v0  }
0x57: {  	[tilespmem:$0x1FB50] =	vst v0  }
0x58: {  	[tilespmem:$0x1FB60] =	vst v0  }
0x59: {  	[tilespmem:$0x1FB70] =	vst v0  }
0x5a: {  	[tilespmem:$0x1FB80] =	vst v0  }
0x5b: {  	[tilespmem:$0x1FB90] =	vst v0  }
0x5c: {  	[tilespmem:$0x1FBA0] =	vst v0  }
0x5d: {  	[tilespmem:$0x1FBB0] =	vst v0  }
0x5e: {  	[tilespmem:$0x1FBC0] =	vst v0  }
0x5f: {  	[tilespmem:$0x1FBD0] =	vst v0  }
0x60: {  	[tilespmem:$0x1FBE0] =	vst v0  }
0x61: {  	[tilespmem:$0x1FBF0] =	vst v0  }
0x62: {  	[tilespmem:$0x1FC00] =	vst v0  }
0x63: {  	[tilespmem:$0x1FC10] =	vst v0  }
0x64: {  	[tilespmem:$0x1FC20] =	vst v0  }
0x65: {  	s29 =	rddreg [dreg:$0x13];
	[tilespmem:$0x1FC30] =	vst v0  }
0x66: {  	s30 =	rddreg [dreg:$0x15];
	[tilespmem:$0x1FC40] =	vst v0  }
0x67: {  	[spmem:s30@s8], [sflag:s23] =	dma.strided [hbm:s29@s12], $0xF40, s10, $0x10   }
0x68: {  	s9 =	sshrl.u32 s21, $0x3;
	s1 =	rddreg [dreg:$0xf]  }
0x69: {  	s2 =	simm.s32 @!p0 $0x1;
	s0 =	simm.s32 @!p0 $0x10;
	s31 =	sadd.s32 s3, s1  }
0x6a: {  	[spmem:s9@s8], [sflag:s23] =	dma.strided [hbm:s31@s12], $0xF40, s10, $0x10   }
0x6b: {  	s3 =	simm.s32 @!p0 $0x80;
	s9 =	sshrl.u32 @!p0 s26, $0x3;
	s1 =	rddreg [dreg:$0x10]  }
0x6c: {  	[spmem:s9@s0], [sflag:s23] =	dma.strided @!p0 [hbm:s1@s3], $0x50, s2, $0x10   }
0x6d: {  	s2 =	simm.s32 $0x0;
	s0 =	rddreg [dreg:$0xc]  }
.LBB2_2:
0x6e: {  	[dreg:$0x1d] =	wrdreg s2  }
0x6f: {  	[dreg:$0x1c] =	wrdreg s0;
	s1 =	simm.s32 $0x1  }
0x70: {  	_ =	swait.ge [sflag:s1], $0xF40  }
0x71: {  	[sflag:s1] =	ssyncset.done $0x0  }
0x72: {  	s8 =	sshrl.u32 s0, $0x3;
	[sflag:s1] =	ssyncadd.s32 $0xFFFFF0C0  }
0x73: {  	s18 =	sand.u32 $0x300, s2;
	s21 =	smul.u32 $0x7A1400, s8;
	_ =	swait.ge [sflag:s1], $0xF40  }
0x74: {  	s18 =	sor.u32 $0x80, s18;
	[sflag:s1] =	ssyncset.done $0x0  }
0x75: {  	s0 =	simm.s32 @!p0 $0x1;
	s21 =	sor.u32 s18, s21;
	[sflag:s1] =	ssyncadd.s32 $0xFFFFF0C0  }
0x76: {  	s21 =	sshrl.u32 s21, $0x3;
	_ =	swait.ge @!p0 [sflag:s0], $0x50  }
0x77: {  	s8 =	smul.u32 @!p0 $0x1400, s8;
	s21 =	sadd.s32 s13, s21;
	s24 =	rddreg [dreg:$0x9]  }
0x78: {  	s13 =	sadd.s32 s19, s21;
	[sflag:s0] =	ssyncset.done @!p0 $0x0;
	s28 =	rddreg [dreg:$0x14]  }
0x79: {  	[sflag:s0] =	ssyncadd.s32 @!p0 $0xFFFFFFB0;
	s19 =	sor.u32 $0x1C02, s28;
	s28 =	simm.s32 $0x10  }
0x7a: {  	[spmem:s24@s28], [sflag:s19] =	dma.strided [hbm:s13@s12], $0xF40, s1, $0x10   }
0x7b: {  	s24 =	rddreg [dreg:$0x1b]  }
0x7c: {  	s8 =	sor.u32 @!p0 s18, s8;
	s13 =	rddreg [dreg:$0xa];
	s21 =	sadd.s32 s24, s21  }
0x7d: {  	[spmem:s13@s28], [sflag:s19] =	dma.strided [hbm:s21@s12], $0xF40, s1, $0x10   }
0x7e: {  	s8 =	sshrl.u32 @!p0 s8, $0x3;
	s21 =	simm.s32 @!p0 $0x80;
	s18 =	rddreg [dreg:$0x3]  }
0x7f: {  	s13 =	rddreg [dreg:$0xb];
	s8 =	sadd.s32 @!p0 s18, s8;
	s18 =	simm.s32 @!p0 $0x10  }
0x80: {  	[spmem:s13@s18], [sflag:s19] =	dma.strided @!p0 [hbm:s8@s21], $0x50, s0, $0x10   }
0x81: {  	s29 =	simm.s32 $0x1F050;
	s18 =	simm.s32 $0x0;
	[bflag:$0x0] =	sbarrier.arrive $0xFFFF  }
0x82: {  	[tilespmem:s29], [sflag:$0x3] =	stream.indirect.gather [spmem:s11], $0x1, s18, s12, $0xb8;
	[tilespmem:$0x1FC50] =	vst v63  }
0x83: {  	s19 =	simm.s32 $0x400;
	s29 =	simm.s32 $0x1F450  }
0x84: {  	[tilespmem:s29], [sflag:$0x3] =	stream.indirect.gather [spmem:s11], $0x1, s19, s12, $0xb8;
	[tilespmem:$0x1FC50] =	vst v63  }
0x85: {  	s20 =	simm.s32 $0x1F0D0  }
0x86: {  	[tilespmem:s20], [sflag:$0x3] =	stream.indirect.gather [spmem:s11], $0x1, s12, s12, $0xb8;
	[tilespmem:$0x1FC50] =	vst v63  }
0x87: {  	s15 =	simm.s32 $0x1F4D0;
	s20 =	simm.s32 $0x480  }
0x88: {  	[tilespmem:s15], [sflag:$0x3] =	stream.indirect.gather [spmem:s11], $0x1, s20, s12, $0xb8;
	[tilespmem:$0x1FC50] =	vst v63  }
0x89: {  	s30 =	simm.s32 $0x1F150;
	s15 =	simm.s32 $0x100  }
0x8a: {  	[tilespmem:s30], [sflag:$0x3] =	stream.indirect.gather [spmem:s11], $0x1, s15, s12, $0xb8;
	[tilespmem:$0x1FC50] =	vst v63  }
0x8b: {  	s17 =	simm.s32 $0x1F550;
	s30 =	simm.s32 $0x500  }
0x8c: {  	[tilespmem:s17], [sflag:$0x3] =	stream.indirect.gather [spmem:s11], $0x1, s30, s12, $0xb8;
	[tilespmem:$0x1FC50] =	vst v63  }
0x8d: {  	s14 =	simm.s32 $0x1F1D0;
	s17 =	simm.s32 $0x180  }
0x8e: {  	[tilespmem:s14], [sflag:$0x3] =	stream.indirect.gather [spmem:s11], $0x1, s17, s12, $0xb8;
	[tilespmem:$0x1FC50] =	vst v63  }
0x8f: {  	s7 =	simm.s32 $0x1F5D0;
	s14 =	simm.s32 $0x580  }
0x90: {  	[tilespmem:s7], [sflag:$0x3] =	stream.indirect.gather [spmem:s11], $0x1, s14, s12, $0xb8;
	[tilespmem:$0x1FC50] =	vst v63  }
0x91: {  	s2 =	simm.s32 $0x200;
	s31 =	simm.s32 $0x1F250  }
0x92: {  	[tilespmem:s31], [sflag:$0x3] =	stream.indirect.gather [spmem:s11], $0x1, s2, s12, $0xb8;
	[tilespmem:$0x1FC50] =	vst v63  }
0x93: {  	s25 =	simm.s32 $0x1F650;
	s31 =	simm.s32 $0x600  }
0x94: {  	[tilespmem:s25], [sflag:$0x3] =	stream.indirect.gather [spmem:s11], $0x1, s31, s12, $0xb8;
	[tilespmem:$0x1FC50] =	vst v63  }
0x95: {  	s6 =	simm.s32 $0x1F2D0;
	s25 =	simm.s32 $0x280  }
0x96: {  	[tilespmem:s6], [sflag:$0x3] =	stream.indirect.gather [spmem:s11], $0x1, s25, s12, $0xb8;
	[tilespmem:$0x1FC50] =	vst v63  }
0x97: {  	s3 =	simm.s32 $0x680;
	s5 =	simm.s32 $0x1F6D0  }
0x98: {  	[tilespmem:s5], [sflag:$0x3] =	stream.indirect.gather [spmem:s11], $0x1, s3, s12, $0xb8;
	[tilespmem:$0x1FC50] =	vst v63  }
0x99: {  	s5 =	simm.s32 $0x1F350;
	s3 =	simm.s32 $0x300  }
0x9a: {  	[tilespmem:s5], [sflag:$0x3] =	stream.indirect.gather [spmem:s11], $0x1, s3, s12, $0xb8;
	[tilespmem:$0x1FC50] =	vst v63  }
0x9b: {  	s9 =	simm.s32 $0x700;
	s26 =	simm.s32 $0x1F750  }
0x9c: {  	[tilespmem:s26], [sflag:$0x3] =	stream.indirect.gather [spmem:s11], $0x1, s9, s12, $0xb8;
	[tilespmem:$0x1FC50] =	vst v63  }
0x9d: {  	s10 =	simm.s32 $0x1F3D0;
	s22 =	simm.s32 $0x380  }
0x9e: {  	[tilespmem:s10], [sflag:$0x3] =	stream.indirect.gather [spmem:s11], $0x1, s22, s12, $0xb8;
	[tilespmem:$0x1FC50] =	vst v63  }
0x9f: {  	s28 =	simm.s32 $0x780;
	s21 =	simm.s32 $0x1F7D0  }
0xa0: {  	[tilespmem:s21], [sflag:$0x3] =	stream.indirect.gather [spmem:s11], $0x1, s28, s12, $0xb8;
	[tilespmem:$0x1FC50] =	vst v63  }
0xa1: {  	_ =	swait.ge [sflag:s16], $0x80  }
0xa2: {  	[sflag:s16] =	ssyncset.done $0x0  }
0xa3: {  	[sflag:s16] =	ssyncadd.s32 $0xFFFFFF80  }
0xa4: {  	_ =	swait.ge [sflag:s16], $0x80  }
0xa5: {  	[sflag:s16] =	ssyncset.done $0x0  }
0xa6: {  	[sflag:s16] =	ssyncadd.s32 $0xFFFFFF80  }
0xa7: {  	v1 =	vld [tilespmem:$0x1F050]  }
0xa8: {  	v2 =	vld [tilespmem:$0x1F450];
	_ =	sdelay $0x4  }
0xa9: {  	v1 =	vmul.f32 v2, v1  }
0xaa: {  	s9 =	simm.s32 $0x1F850  }
0xab: {  	[tilespmem:s9+$0x0] =	vst.add.f32.msk $0xffff, v1  }
0xac: {  	v1 =	vld [tilespmem:$0x1F060]  }
0xad: {  	v2 =	vld [tilespmem:$0x1F460];
	_ =	sdelay $0x4  }
0xae: {  	v1 =	vmul.f32 v2, v1  }
0xaf: {  	s24 =	simm.s32 $0x1F860  }
0xb0: {  	[tilespmem:s24+$0x0] =	vst.add.f32.msk $0xffff, v1  }
0xb1: {  	v1 =	vld [tilespmem:$0x1F070]  }
0xb2: {  	v2 =	vld [tilespmem:$0x1F470];
	_ =	sdelay $0x4  }
0xb3: {  	v1 =	vmul.f32 v2, v1  }
0xb4: {  	s26 =	simm.s32 $0x1F870  }
0xb5: {  	[tilespmem:s26+$0x0] =	vst.add.f32.msk $0xffff, v1  }
0xb6: {  	v1 =	vld [tilespmem:$0x1F080]  }
0xb7: {  	v2 =	vld [tilespmem:$0x1F480];
	_ =	sdelay $0x4  }
0xb8: {  	v1 =	vmul.f32 v2, v1  }
0xb9: {  	s1 =	simm.s32 $0x1F880  }
0xba: {  	[tilespmem:s1+$0x0] =	vst.add.f32.msk $0xffff, v1  }
0xbb: {  	v1 =	vld [tilespmem:$0x1F090]  }
0xbc: {  	v2 =	vld [tilespmem:$0x1F490];
	_ =	sdelay $0x4  }
0xbd: {  	v1 =	vmul.f32 v2, v1  }
0xbe: {  	s2 =	simm.s32 $0x1F890  }
0xbf: {  	[tilespmem:s2+$0x0] =	vst.add.f32.msk $0xffff, v1  }
0xc0: {  	v1 =	vld [tilespmem:$0x1F0A0]  }
0xc1: {  	v2 =	vld [tilespmem:$0x1F4A0];
	_ =	sdelay $0x4  }
0xc2: {  	v1 =	vmul.f32 v2, v1  }
0xc3: {  	s6 =	simm.s32 $0x1F8A0  }
0xc4: {  	[tilespmem:s6+$0x0] =	vst.add.f32.msk $0xffff, v1  }
0xc5: {  	v1 =	vld [tilespmem:$0x1F0B0]  }
0xc6: {  	v2 =	vld [tilespmem:$0x1F4B0];
	_ =	sdelay $0x4  }
0xc7: {  	v1 =	vmul.f32 v2, v1  }
0xc8: {  	s7 =	simm.s32 $0x1F8B0  }
0xc9: {  	[tilespmem:s7+$0x0] =	vst.add.f32.msk $0xffff, v1  }
0xca: {  	v1 =	vld [tilespmem:$0x1F0C0]  }
0xcb: {  	v2 =	vld [tilespmem:$0x1F4C0];
	_ =	sdelay $0x4  }
0xcc: {  	v1 =	vmul.f32 v2, v1  }
0xcd: {  	s8 =	simm.s32 $0x1F8C0  }
0xce: {  	[tilespmem:s8+$0x0] =	vst.add.f32.msk $0xffff, v1  }
0xcf: {  	_ =	swait.ge [sflag:s16], $0x80  }
0xd0: {  	[sflag:s16] =	ssyncset.done $0x0  }
0xd1: {  	[sflag:s16] =	ssyncadd.s32 $0xFFFFFF80  }
0xd2: {  	_ =	swait.ge [sflag:s16], $0x80  }
0xd3: {  	[sflag:s16] =	ssyncset.done $0x0  }
0xd4: {  	[sflag:s16] =	ssyncadd.s32 $0xFFFFFF80  }
0xd5: {  	v1 =	vld [tilespmem:$0x1F0D0]  }
0xd6: {  	v2 =	vld [tilespmem:$0x1F4D0];
	_ =	sdelay $0x4  }
0xd7: {  	v1 =	vmul.f32 v2, v1  }
0xd8: {  	s10 =	simm.s32 $0x1F8D0  }
0xd9: {  	[tilespmem:s10+$0x0] =	vst.add.f32.msk $0xffff, v1  }
0xda: {  	v1 =	vld [tilespmem:$0x1F0E0]  }
0xdb: {  	v2 =	vld [tilespmem:$0x1F4E0];
	_ =	sdelay $0x4  }
0xdc: {  	v1 =	vmul.f32 v2, v1  }
0xdd: {  	s13 =	simm.s32 $0x1F8E0  }
0xde: {  	[tilespmem:s13+$0x0] =	vst.add.f32.msk $0xffff, v1  }
0xdf: {  	v1 =	vld [tilespmem:$0x1F0F0]  }
0xe0: {  	v2 =	vld [tilespmem:$0x1F4F0];
	_ =	sdelay $0x4  }
0xe1: {  	v1 =	vmul.f32 v2, v1  }
0xe2: {  	s18 =	simm.s32 $0x1F8F0  }
0xe3: {  	[tilespmem:s18+$0x0] =	vst.add.f32.msk $0xffff, v1  }
0xe4: {  	v1 =	vld [tilespmem:$0x1F100]  }
0xe5: {  	v2 =	vld [tilespmem:$0x1F500];
	_ =	sdelay $0x4  }
0xe6: {  	v1 =	vmul.f32 v2, v1  }
0xe7: {  	s19 =	simm.s32 $0x1F900  }
0xe8: {  	[tilespmem:s19+$0x0] =	vst.add.f32.msk $0xffff, v1  }
0xe9: {  	v1 =	vld [tilespmem:$0x1F110]  }
0xea: {  	v2 =	vld [tilespmem:$0x1F510];
	_ =	sdelay $0x4  }
0xeb: {  	v1 =	vmul.f32 v2, v1  }
0xec: {  	s21 =	simm.s32 $0x1F910  }
0xed: {  	[tilespmem:s21+$0x0] =	vst.add.f32.msk $0xffff, v1  }
0xee: {  	v1 =	vld [tilespmem:$0x1F120]  }
0xef: {  	v2 =	vld [tilespmem:$0x1F520];
	_ =	sdelay $0x4  }
0xf0: {  	v1 =	vmul.f32 v2, v1  }
0xf1: {  	s24 =	simm.s32 $0x1F920  }
0xf2: {  	[tilespmem:s24+$0x0] =	vst.add.f32.msk $0xffff, v1  }
0xf3: {  	v1 =	vld [tilespmem:$0x1F130]  }
0xf4: {  	v2 =	vld [tilespmem:$0x1F530];
	_ =	sdelay $0x4  }
0xf5: {  	v1 =	vmul.f32 v2, v1  }
0xf6: {  	s26 =	simm.s32 $0x1F930  }
0xf7: {  	[tilespmem:s26+$0x0] =	vst.add.f32.msk $0xffff, v1  }
0xf8: {  	v1 =	vld [tilespmem:$0x1F140]  }
0xf9: {  	v2 =	vld [tilespmem:$0x1F540];
	_ =	sdelay $0x4  }
0xfa: {  	v1 =	vmul.f32 v2, v1  }
0xfb: {  	s1 =	simm.s32 $0x1F940  }
0xfc: {  	[tilespmem:s1+$0x0] =	vst.add.f32.msk $0xffff, v1  }
0xfd: {  	_ =	swait.ge [sflag:s16], $0x80  }
0xfe: {  	[sflag:s16] =	ssyncset.done $0x0  }
0xff: {  	[sflag:s16] =	ssyncadd.s32 $0xFFFFFF80  }
0x100: {  	_ =	swait.ge [sflag:s16], $0x80  }
0x101: {  	[sflag:s16] =	ssyncset.done $0x0  }
0x102: {  	[sflag:s16] =	ssyncadd.s32 $0xFFFFFF80  }
0x103: {  	v1 =	vld [tilespmem:$0x1F150]  }
0x104: {  	v2 =	vld [tilespmem:$0x1F550];
	_ =	sdelay $0x4  }
0x105: {  	v1 =	vmul.f32 v2, v1  }
0x106: {  	s2 =	simm.s32 $0x1F950  }
0x107: {  	[tilespmem:s2+$0x0] =	vst.add.f32.msk $0xffff, v1  }
0x108: {  	v1 =	vld [tilespmem:$0x1F160]  }
0x109: {  	v2 =	vld [tilespmem:$0x1F560];
	_ =	sdelay $0x4  }
0x10a: {  	v1 =	vmul.f32 v2, v1  }
0x10b: {  	s6 =	simm.s32 $0x1F960  }
0x10c: {  	[tilespmem:s6+$0x0] =	vst.add.f32.msk $0xffff, v1  }
0x10d: {  	v1 =	vld [tilespmem:$0x1F170]  }
0x10e: {  	v2 =	vld [tilespmem:$0x1F570];
	_ =	sdelay $0x4  }
0x10f: {  	v1 =	vmul.f32 v2, v1  }
0x110: {  	s7 =	simm.s32 $0x1F970  }
0x111: {  	[tilespmem:s7+$0x0] =	vst.add.f32.msk $0xffff, v1  }
0x112: {  	v1 =	vld [tilespmem:$0x1F180]  }
0x113: {  	v2 =	vld [tilespmem:$0x1F580];
	_ =	sdelay $0x4  }
0x114: {  	v1 =	vmul.f32 v2, v1  }
0x115: {  	s8 =	simm.s32 $0x1F980  }
0x116: {  	[tilespmem:s8+$0x0] =	vst.add.f32.msk $0xffff, v1  }
0x117: {  	v1 =	vld [tilespmem:$0x1F190]  }
0x118: {  	v2 =	vld [tilespmem:$0x1F590];
	_ =	sdelay $0x4  }
0x119: {  	v1 =	vmul.f32 v2, v1  }
0x11a: {  	s10 =	simm.s32 $0x1F990  }
0x11b: {  	[tilespmem:s10+$0x0] =	vst.add.f32.msk $0xffff, v1  }
0x11c: {  	v1 =	vld [tilespmem:$0x1F1A0]  }
0x11d: {  	v2 =	vld [tilespmem:$0x1F5A0];
	_ =	sdelay $0x4  }
0x11e: {  	v1 =	vmul.f32 v2, v1  }
0x11f: {  	s13 =	simm.s32 $0x1F9A0  }
0x120: {  	[tilespmem:s13+$0x0] =	vst.add.f32.msk $0xffff, v1  }
0x121: {  	v1 =	vld [tilespmem:$0x1F1B0]  }
0x122: {  	v2 =	vld [tilespmem:$0x1F5B0];
	_ =	sdelay $0x4  }
0x123: {  	v1 =	vmul.f32 v2, v1  }
0x124: {  	s18 =	simm.s32 $0x1F9B0  }
0x125: {  	[tilespmem:s18+$0x0] =	vst.add.f32.msk $0xffff, v1  }
0x126: {  	v1 =	vld [tilespmem:$0x1F1C0]  }
0x127: {  	v2 =	vld [tilespmem:$0x1F5C0];
	_ =	sdelay $0x4  }
0x128: {  	v1 =	vmul.f32 v2, v1  }
0x129: {  	s19 =	simm.s32 $0x1F9C0  }
0x12a: {  	[tilespmem:s19+$0x0] =	vst.add.f32.msk $0xffff, v1  }
0x12b: {  	_ =	swait.ge [sflag:s16], $0x80  }
0x12c: {  	[sflag:s16] =	ssyncset.done $0x0  }
0x12d: {  	[sflag:s16] =	ssyncadd.s32 $0xFFFFFF80  }
0x12e: {  	_ =	swait.ge [sflag:s16], $0x80  }
0x12f: {  	[sflag:s16] =	ssyncset.done $0x0  }
0x130: {  	[sflag:s16] =	ssyncadd.s32 $0xFFFFFF80  }
0x131: {  	v1 =	vld [tilespmem:$0x1F1D0]  }
0x132: {  	v2 =	vld [tilespmem:$0x1F5D0];
	_ =	sdelay $0x4  }
0x133: {  	v1 =	vmul.f32 v2, v1  }
0x134: {  	s21 =	simm.s32 $0x1F9D0  }
0x135: {  	[tilespmem:s21+$0x0] =	vst.add.f32.msk $0xffff, v1  }
0x136: {  	v1 =	vld [tilespmem:$0x1F1E0]  }
0x137: {  	v2 =	vld [tilespmem:$0x1F5E0];
	_ =	sdelay $0x4  }
0x138: {  	v1 =	vmul.f32 v2, v1  }
0x139: {  	s24 =	simm.s32 $0x1F9E0  }
0x13a: {  	[tilespmem:s24+$0x0] =	vst.add.f32.msk $0xffff, v1  }
0x13b: {  	v1 =	vld [tilespmem:$0x1F1F0]  }
0x13c: {  	v2 =	vld [tilespmem:$0x1F5F0];
	_ =	sdelay $0x4  }
0x13d: {  	v1 =	vmul.f32 v2, v1  }
0x13e: {  	s26 =	simm.s32 $0x1F9F0  }
0x13f: {  	[tilespmem:s26+$0x0] =	vst.add.f32.msk $0xffff, v1  }
0x140: {  	v1 =	vld [tilespmem:$0x1F200]  }
0x141: {  	v2 =	vld [tilespmem:$0x1F600];
	_ =	sdelay $0x4  }
0x142: {  	v1 =	vmul.f32 v2, v1  }
0x143: {  	s1 =	simm.s32 $0x1FA00  }
0x144: {  	[tilespmem:s1+$0x0] =	vst.add.f32.msk $0xffff, v1  }
0x145: {  	v1 =	vld [tilespmem:$0x1F210]  }
0x146: {  	v2 =	vld [tilespmem:$0x1F610];
	_ =	sdelay $0x4  }
0x147: {  	v1 =	vmul.f32 v2, v1  }
0x148: {  	s2 =	simm.s32 $0x1FA10  }
0x149: {  	[tilespmem:s2+$0x0] =	vst.add.f32.msk $0xffff, v1  }
0x14a: {  	v1 =	vld [tilespmem:$0x1F220]  }
0x14b: {  	v2 =	vld [tilespmem:$0x1F620];
	_ =	sdelay $0x4  }
0x14c: {  	v1 =	vmul.f32 v2, v1  }
0x14d: {  	s6 =	simm.s32 $0x1FA20  }
0x14e: {  	[tilespmem:s6+$0x0] =	vst.add.f32.msk $0xffff, v1  }
0x14f: {  	v1 =	vld [tilespmem:$0x1F230]  }
0x150: {  	v2 =	vld [tilespmem:$0x1F630];
	_ =	sdelay $0x4  }
0x151: {  	v1 =	vmul.f32 v2, v1  }
0x152: {  	s7 =	simm.s32 $0x1FA30  }
0x153: {  	[tilespmem:s7+$0x0] =	vst.add.f32.msk $0xffff, v1  }
0x154: {  	v1 =	vld [tilespmem:$0x1F240]  }
0x155: {  	v2 =	vld [tilespmem:$0x1F640];
	_ =	sdelay $0x4  }
0x156: {  	v1 =	vmul.f32 v2, v1  }
0x157: {  	s8 =	simm.s32 $0x1FA40  }
0x158: {  	[tilespmem:s8+$0x0] =	vst.add.f32.msk $0xffff, v1  }
0x159: {  	_ =	swait.ge [sflag:s16], $0x80  }
0x15a: {  	[sflag:s16] =	ssyncset.done $0x0  }
0x15b: {  	[sflag:s16] =	ssyncadd.s32 $0xFFFFFF80  }
0x15c: {  	_ =	swait.ge [sflag:s16], $0x80  }
0x15d: {  	[sflag:s16] =	ssyncset.done $0x0  }
0x15e: {  	[sflag:s16] =	ssyncadd.s32 $0xFFFFFF80  }
0x15f: {  	v1 =	vld [tilespmem:$0x1F250]  }
0x160: {  	v2 =	vld [tilespmem:$0x1F650];
	_ =	sdelay $0x4  }
0x161: {  	v1 =	vmul.f32 v2, v1  }
0x162: {  	s10 =	simm.s32 $0x1FA50  }
0x163: {  	[tilespmem:s10+$0x0] =	vst.add.f32.msk $0xffff, v1  }
0x164: {  	v1 =	vld [tilespmem:$0x1F260]  }
0x165: {  	v2 =	vld [tilespmem:$0x1F660];
	_ =	sdelay $0x4  }
0x166: {  	v1 =	vmul.f32 v2, v1  }
0x167: {  	s13 =	simm.s32 $0x1FA60  }
0x168: {  	[tilespmem:s13+$0x0] =	vst.add.f32.msk $0xffff, v1  }
0x169: {  	v1 =	vld [tilespmem:$0x1F270]  }
0x16a: {  	v2 =	vld [tilespmem:$0x1F670];
	_ =	sdelay $0x4  }
0x16b: {  	v1 =	vmul.f32 v2, v1  }
0x16c: {  	s18 =	simm.s32 $0x1FA70  }
0x16d: {  	[tilespmem:s18+$0x0] =	vst.add.f32.msk $0xffff, v1  }
0x16e: {  	v1 =	vld [tilespmem:$0x1F280]  }
0x16f: {  	v2 =	vld [tilespmem:$0x1F680];
	_ =	sdelay $0x4  }
0x170: {  	v1 =	vmul.f32 v2, v1  }
0x171: {  	s19 =	simm.s32 $0x1FA80  }
0x172: {  	[tilespmem:s19+$0x0] =	vst.add.f32.msk $0xffff, v1  }
0x173: {  	v1 =	vld [tilespmem:$0x1F290]  }
0x174: {  	v2 =	vld [tilespmem:$0x1F690];
	_ =	sdelay $0x4  }
0x175: {  	v1 =	vmul.f32 v2, v1  }
0x176: {  	s21 =	simm.s32 $0x1FA90  }
0x177: {  	[tilespmem:s21+$0x0] =	vst.add.f32.msk $0xffff, v1  }
0x178: {  	v1 =	vld [tilespmem:$0x1F2A0]  }
0x179: {  	v2 =	vld [tilespmem:$0x1F6A0];
	_ =	sdelay $0x4  }
0x17a: {  	v1 =	vmul.f32 v2, v1  }
0x17b: {  	s24 =	simm.s32 $0x1FAA0  }
0x17c: {  	[tilespmem:s24+$0x0] =	vst.add.f32.msk $0xffff, v1  }
0x17d: {  	v1 =	vld [tilespmem:$0x1F2B0]  }
0x17e: {  	v2 =	vld [tilespmem:$0x1F6B0];
	_ =	sdelay $0x4  }
0x17f: {  	v1 =	vmul.f32 v2, v1  }
0x180: {  	s26 =	simm.s32 $0x1FAB0  }
0x181: {  	[tilespmem:s26+$0x0] =	vst.add.f32.msk $0xffff, v1  }
0x182: {  	v1 =	vld [tilespmem:$0x1F2C0]  }
0x183: {  	v2 =	vld [tilespmem:$0x1F6C0];
	_ =	sdelay $0x4  }
0x184: {  	v1 =	vmul.f32 v2, v1  }
0x185: {  	s1 =	simm.s32 $0x1FAC0  }
0x186: {  	[tilespmem:s1+$0x0] =	vst.add.f32.msk $0xffff, v1  }
0x187: {  	_ =	swait.ge [sflag:s16], $0x80  }
0x188: {  	[sflag:s16] =	ssyncset.done $0x0  }
0x189: {  	[sflag:s16] =	ssyncadd.s32 $0xFFFFFF80  }
0x18a: {  	_ =	swait.ge [sflag:s16], $0x80  }
0x18b: {  	[sflag:s16] =	ssyncset.done $0x0  }
0x18c: {  	[sflag:s16] =	ssyncadd.s32 $0xFFFFFF80  }
0x18d: {  	v1 =	vld [tilespmem:$0x1F2D0]  }
0x18e: {  	v2 =	vld [tilespmem:$0x1F6D0];
	_ =	sdelay $0x4  }
0x18f: {  	v1 =	vmul.f32 v2, v1  }
0x190: {  	s2 =	simm.s32 $0x1FAD0  }
0x191: {  	[tilespmem:s2+$0x0] =	vst.add.f32.msk $0xffff, v1  }
0x192: {  	v1 =	vld [tilespmem:$0x1F2E0]  }
0x193: {  	v2 =	vld [tilespmem:$0x1F6E0];
	_ =	sdelay $0x4  }
0x194: {  	v1 =	vmul.f32 v2, v1  }
0x195: {  	s6 =	simm.s32 $0x1FAE0  }
0x196: {  	[tilespmem:s6+$0x0] =	vst.add.f32.msk $0xffff, v1  }
0x197: {  	v1 =	vld [tilespmem:$0x1F2F0]  }
0x198: {  	v2 =	vld [tilespmem:$0x1F6F0];
	_ =	sdelay $0x4  }
0x199: {  	v1 =	vmul.f32 v2, v1  }
0x19a: {  	s7 =	simm.s32 $0x1FAF0  }
0x19b: {  	[tilespmem:s7+$0x0] =	vst.add.f32.msk $0xffff, v1  }
0x19c: {  	v1 =	vld [tilespmem:$0x1F300]  }
0x19d: {  	v2 =	vld [tilespmem:$0x1F700];
	_ =	sdelay $0x4  }
0x19e: {  	v1 =	vmul.f32 v2, v1  }
0x19f: {  	s8 =	simm.s32 $0x1FB00  }
0x1a0: {  	[tilespmem:s8+$0x0] =	vst.add.f32.msk $0xffff, v1  }
0x1a1: {  	v1 =	vld [tilespmem:$0x1F310]  }
0x1a2: {  	v2 =	vld [tilespmem:$0x1F710];
	_ =	sdelay $0x4  }
0x1a3: {  	v1 =	vmul.f32 v2, v1  }
0x1a4: {  	s10 =	simm.s32 $0x1FB10  }
0x1a5: {  	[tilespmem:s10+$0x0] =	vst.add.f32.msk $0xffff, v1  }
0x1a6: {  	v1 =	vld [tilespmem:$0x1F320]  }
0x1a7: {  	v2 =	vld [tilespmem:$0x1F720];
	_ =	sdelay $0x4  }
0x1a8: {  	v1 =	vmul.f32 v2, v1  }
0x1a9: {  	s13 =	simm.s32 $0x1FB20  }
0x1aa: {  	[tilespmem:s13+$0x0] =	vst.add.f32.msk $0xffff, v1  }
0x1ab: {  	v1 =	vld [tilespmem:$0x1F330]  }
0x1ac: {  	v2 =	vld [tilespmem:$0x1F730];
	_ =	sdelay $0x4  }
0x1ad: {  	v1 =	vmul.f32 v2, v1  }
0x1ae: {  	s18 =	simm.s32 $0x1FB30  }
0x1af: {  	[tilespmem:s18+$0x0] =	vst.add.f32.msk $0xffff, v1  }
0x1b0: {  	v1 =	vld [tilespmem:$0x1F340]  }
0x1b1: {  	v2 =	vld [tilespmem:$0x1F740];
	_ =	sdelay $0x4  }
0x1b2: {  	v1 =	vmul.f32 v2, v1  }
0x1b3: {  	s19 =	simm.s32 $0x1FB40  }
0x1b4: {  	[tilespmem:s19+$0x0] =	vst.add.f32.msk $0xffff, v1  }
0x1b5: {  	_ =	swait.ge [sflag:s16], $0x80  }
0x1b6: {  	[sflag:s16] =	ssyncset.done $0x0  }
0x1b7: {  	[sflag:s16] =	ssyncadd.s32 $0xFFFFFF80  }
0x1b8: {  	_ =	swait.ge [sflag:s16], $0x80  }
0x1b9: {  	[sflag:s16] =	ssyncset.done $0x0  }
0x1ba: {  	[sflag:s16] =	ssyncadd.s32 $0xFFFFFF80  }
0x1bb: {  	v1 =	vld [tilespmem:$0x1F350]  }
0x1bc: {  	v2 =	vld [tilespmem:$0x1F750];
	_ =	sdelay $0x4  }
0x1bd: {  	v1 =	vmul.f32 v2, v1  }
0x1be: {  	s21 =	simm.s32 $0x1FB50  }
0x1bf: {  	[tilespmem:s21+$0x0] =	vst.add.f32.msk $0xffff, v1  }
0x1c0: {  	v1 =	vld [tilespmem:$0x1F360]  }
0x1c1: {  	v2 =	vld [tilespmem:$0x1F760];
	_ =	sdelay $0x4  }
0x1c2: {  	v1 =	vmul.f32 v2, v1  }
0x1c3: {  	s24 =	simm.s32 $0x1FB60  }
0x1c4: {  	[tilespmem:s24+$0x0] =	vst.add.f32.msk $0xffff, v1  }
0x1c5: {  	v1 =	vld [tilespmem:$0x1F370]  }
0x1c6: {  	v2 =	vld [tilespmem:$0x1F770];
	_ =	sdelay $0x4  }
0x1c7: {  	v1 =	vmul.f32 v2, v1  }
0x1c8: {  	s26 =	simm.s32 $0x1FB70  }
0x1c9: {  	[tilespmem:s26+$0x0] =	vst.add.f32.msk $0xffff, v1  }
0x1ca: {  	v1 =	vld [tilespmem:$0x1F380]  }
0x1cb: {  	v2 =	vld [tilespmem:$0x1F780];
	_ =	sdelay $0x4  }
0x1cc: {  	v1 =	vmul.f32 v2, v1  }
0x1cd: {  	s1 =	simm.s32 $0x1FB80  }
0x1ce: {  	[tilespmem:s1+$0x0] =	vst.add.f32.msk $0xffff, v1  }
0x1cf: {  	v1 =	vld [tilespmem:$0x1F390]  }
0x1d0: {  	v2 =	vld [tilespmem:$0x1F790];
	_ =	sdelay $0x4  }
0x1d1: {  	v1 =	vmul.f32 v2, v1  }
0x1d2: {  	s2 =	simm.s32 $0x1FB90  }
0x1d3: {  	[tilespmem:s2+$0x0] =	vst.add.f32.msk $0xffff, v1  }
0x1d4: {  	v1 =	vld [tilespmem:$0x1F3A0]  }
0x1d5: {  	v2 =	vld [tilespmem:$0x1F7A0];
	_ =	sdelay $0x4  }
0x1d6: {  	v1 =	vmul.f32 v2, v1  }
0x1d7: {  	s6 =	simm.s32 $0x1FBA0  }
0x1d8: {  	[tilespmem:s6+$0x0] =	vst.add.f32.msk $0xffff, v1  }
0x1d9: {  	v1 =	vld [tilespmem:$0x1F3B0]  }
0x1da: {  	v2 =	vld [tilespmem:$0x1F7B0];
	_ =	sdelay $0x4  }
0x1db: {  	v1 =	vmul.f32 v2, v1  }
0x1dc: {  	s7 =	simm.s32 $0x1FBB0  }
0x1dd: {  	[tilespmem:s7+$0x0] =	vst.add.f32.msk $0xffff, v1  }
0x1de: {  	v1 =	vld [tilespmem:$0x1F3C0]  }
0x1df: {  	v2 =	vld [tilespmem:$0x1F7C0];
	_ =	sdelay $0x4  }
0x1e0: {  	v1 =	vmul.f32 v2, v1  }
0x1e1: {  	s8 =	simm.s32 $0x1FBC0  }
0x1e2: {  	[tilespmem:s8+$0x0] =	vst.add.f32.msk $0xffff, v1  }
0x1e3: {  	_ =	swait.ge [sflag:s16], $0x80  }
0x1e4: {  	[sflag:s16] =	ssyncset.done $0x0  }
0x1e5: {  	[sflag:s16] =	ssyncadd.s32 $0xFFFFFF80  }
0x1e6: {  	_ =	swait.ge [sflag:s16], $0x80  }
0x1e7: {  	[sflag:s16] =	ssyncset.done $0x0  }
0x1e8: {  	[sflag:s16] =	ssyncadd.s32 $0xFFFFFF80  }
0x1e9: {  	v1 =	vld [tilespmem:$0x1F3D0]  }
0x1ea: {  	v2 =	vld [tilespmem:$0x1F7D0];
	_ =	sdelay $0x4  }
0x1eb: {  	v1 =	vmul.f32 v2, v1  }
0x1ec: {  	s10 =	simm.s32 $0x1FBD0  }
0x1ed: {  	[tilespmem:s10+$0x0] =	vst.add.f32.msk $0xffff, v1  }
0x1ee: {  	v1 =	vld [tilespmem:$0x1F3E0]  }
0x1ef: {  	v2 =	vld [tilespmem:$0x1F7E0];
	_ =	sdelay $0x4  }
0x1f0: {  	v1 =	vmul.f32 v2, v1  }
0x1f1: {  	s13 =	simm.s32 $0x1FBE0  }
0x1f2: {  	[tilespmem:s13+$0x0] =	vst.add.f32.msk $0xffff, v1  }
0x1f3: {  	v1 =	vld [tilespmem:$0x1F3F0]  }
0x1f4: {  	v2 =	vld [tilespmem:$0x1F7F0];
	_ =	sdelay $0x4  }
0x1f5: {  	v1 =	vmul.f32 v2, v1  }
0x1f6: {  	s18 =	simm.s32 $0x1FBF0  }
0x1f7: {  	[tilespmem:s18+$0x0] =	vst.add.f32.msk $0xffff, v1  }
0x1f8: {  	v1 =	vld [tilespmem:$0x1F400]  }
0x1f9: {  	v2 =	vld [tilespmem:$0x1F800];
	_ =	sdelay $0x4  }
0x1fa: {  	v1 =	vmul.f32 v2, v1  }
0x1fb: {  	s19 =	simm.s32 $0x1FC00  }
0x1fc: {  	[tilespmem:s19+$0x0] =	vst.add.f32.msk $0xffff, v1  }
0x1fd: {  	v1 =	vld [tilespmem:$0x1F410]  }
0x1fe: {  	v2 =	vld [tilespmem:$0x1F810];
	_ =	sdelay $0x4  }
0x1ff: {  	v1 =	vmul.f32 v2, v1  }
0x200: {  	s21 =	simm.s32 $0x1FC10  }
0x201: {  	[tilespmem:s21+$0x0] =	vst.add.f32.msk $0xffff, v1  }
0x202: {  	v1 =	vld [tilespmem:$0x1F420]  }
0x203: {  	v2 =	vld [tilespmem:$0x1F820];
	_ =	sdelay $0x4  }
0x204: {  	v1 =	vmul.f32 v2, v1  }
0x205: {  	s24 =	simm.s32 $0x1FC20  }
0x206: {  	[tilespmem:s24+$0x0] =	vst.add.f32.msk $0xffff, v1  }
0x207: {  	v1 =	vld [tilespmem:$0x1F430]  }
0x208: {  	v2 =	vld [tilespmem:$0x1F830];
	_ =	sdelay $0x4  }
0x209: {  	v1 =	vmul.f32 v2, v1  }
0x20a: {  	s26 =	simm.s32 $0x1FC30  }
0x20b: {  	[tilespmem:s26+$0x0] =	vst.add.f32.msk $0xffff, v1  }
0x20c: {  	v1 =	vld [tilespmem:$0x1F440]  }
0x20d: {  	v2 =	vld [tilespmem:$0x1F840];
	_ =	sdelay $0x4  }
0x20e: {  	v1 =	vmul.f32 v2, v1  }
0x20f: {  	s1 =	simm.s32 $0x1FC40  }
0x210: {  	[tilespmem:s1+$0x0] =	vst.add.f32.msk $0xffff, v1  }
0x211: {  	s2 =	simm.s32 $0x2;
	[bflag:$0x0] =	sbarrier.arrive $0xFFFF  }
0x212: {  	_ =	swait.ge [sflag:s2], $0xF40  }
0x213: {  	[sflag:s2] =	ssyncset.done $0x0  }
0x214: {  	[sflag:s2] =	ssyncadd.s32 $0xFFFFF0C0  }
0x215: {  	_ =	swait.ge [sflag:s2], $0xF40  }
0x216: {  	[sflag:s2] =	ssyncset.done $0x0  }
0x217: {  	s8 =	simm.s32 @!p0 $0x2;
	[sflag:s2] =	ssyncadd.s32 $0xFFFFF0C0  }
0x218: {  	_ =	swait.ge @!p0 [sflag:s8], $0x50  }
0x219: {  	s6 =	rddreg [dreg:$0x1d]  }
0x21a: {  	s0 =	rddreg [dreg:$0x1c];
	p1 =	seq.s32 s6, $0xF00  }
0x21b: {  	s13 =	rddreg [dreg:$0x8];
	s18 =	sadd.s32 @!p1 $0x2, s0  }
0x21c: {  	s0 =	rddreg [dreg:$0x1d];
	s18 =	sshrl.u32 @!p1 s18, $0x3  }
0x21d: {  	s13 =	sadd.s32 @!p1 s0, s13;
	s19 =	smul.u32 @!p1 $0x7A1400, s18  }
0x21e: {  	s13 =	sand.u32 @!p1 $0x300, s13  }
0x21f: {  	[sflag:s8] =	ssyncset.done @!p0 $0x0;
	s19 =	sor.u32 @!p1 s13, s19  }
0x220: {  	s0 =	rddreg [dreg:$0x2];
	s19 =	sshrl.u32 @!p1 s19, $0x3  }
0x221: {  	s24 =	simm.s32 @!p1 $0x1;
	s19 =	sadd.s32 @!p1 s0, s19;
	s0 =	rddreg [dreg:$0x18]  }
0x222: {  	[sflag:s8] =	ssyncadd.s32 @!p0 $0xFFFFFFB0;
	s8 =	sadd.s32 @!p1 s0, s19;
	s0 =	rddreg [dreg:$0x16]  }
0x223: {  	s6 =	simm.s32 @!p1 $0x10;
	s21 =	sshrl.u32 @!p1 s0, $0x3;
	s0 =	simm.s32 @!p1 $0x80  }
0x224: {  	[spmem:s21@s6], [sflag:s23] =	dma.strided @!p1 [hbm:s8@s0], $0xF40, s24, $0x10   }
0x225: {  	s8 =	stileid.u32;
	s21 =	rddreg [dreg:$0x19]  }
0x226: {  	s26 =	rddreg [dreg:$0x17];
	p2 =	sne.s32 @!p1 s8, $0x0  }
0x227: {  	s7 =	simm.s32 $0x1F050;
	s1 =	rddreg [dreg:$0x1b];
	p2 =	por p2, p1  }
0x228: {  	s8 =	sadd.s32 @!p1 s1, s19;
	s19 =	sshrl.u32 @!p1 s21, $0x3;
	s18 =	smul.u32 @!p2 $0x1400, s18  }
0x229: {  	[spmem:s19@s6], [sflag:s23] =	dma.strided @!p1 [hbm:s8@s0], $0xF40, s24, $0x10   }
0x22a: {  	s6 =	sshrl.u32 @!p2 s26, $0x3;
	s1 =	rddreg [dreg:$0x3];
	s0 =	sor.u32 @!p2 s13, s18  }
0x22b: {  	s8 =	simm.s32 @!p2 $0x1;
	s19 =	rddreg [dreg:$0x18];
	s0 =	sshrl.u32 @!p2 s0, $0x3  }
0x22c: {  	s13 =	simm.s32 @!p2 $0x10;
	s18 =	simm.s32 @!p2 $0x80;
	s0 =	sadd.s32 @!p2 s1, s0  }
0x22d: {  	[spmem:s6@s13], [sflag:s23] =	dma.strided @!p2 [hbm:s0@s18], $0x50, s8, $0x10   }
0x22e: {  	s18 =	simm.s32 $0x0;
	s13 =	rddreg [dreg:$0x2];
	[bflag:$0x0] =	sbarrier.arrive $0xFFFF  }
0x22f: {  	[tilespmem:s7], [sflag:$0x3] =	stream.indirect.gather [spmem:s4], $0x1, s18, s12, $0xb8;
	[tilespmem:$0x1FC50] =	vst v63  }
0x230: {  	s8 =	simm.s32 $0x400  }
0x231: {  	[tilespmem:s29], [sflag:$0x3] =	stream.indirect.gather [spmem:s4], $0x1, s8, s12, $0xb8;
	[tilespmem:$0x1FC50] =	vst v63  }
0x232: {  	s7 =	simm.s32 $0x1F0D0  }
0x233: {  	[tilespmem:s7], [sflag:$0x3] =	stream.indirect.gather [spmem:s4], $0x1, s12, s12, $0xb8;
	[tilespmem:$0x1FC50] =	vst v63  }
0x234: {  	s6 =	simm.s32 $0x1F4D0  }
0x235: {  	[tilespmem:s6], [sflag:$0x3] =	stream.indirect.gather [spmem:s4], $0x1, s20, s12, $0xb8;
	[tilespmem:$0x1FC50] =	vst v63  }
0x236: {  	s24 =	simm.s32 $0x1F150  }
0x237: {  	[tilespmem:s24], [sflag:$0x3] =	stream.indirect.gather [spmem:s4], $0x1, s15, s12, $0xb8;
	[tilespmem:$0x1FC50] =	vst v63  }
0x238: {  	s6 =	simm.s32 $0x1F550  }
0x239: {  	[tilespmem:s6], [sflag:$0x3] =	stream.indirect.gather [spmem:s4], $0x1, s30, s12, $0xb8;
	[tilespmem:$0x1FC50] =	vst v63  }
0x23a: {  	s29 =	simm.s32 $0x1F1D0  }
0x23b: {  	[tilespmem:s29], [sflag:$0x3] =	stream.indirect.gather [spmem:s4], $0x1, s17, s12, $0xb8;
	[tilespmem:$0x1FC50] =	vst v63  }
0x23c: {  	s24 =	simm.s32 $0x1F5D0  }
0x23d: {  	[tilespmem:s24], [sflag:$0x3] =	stream.indirect.gather [spmem:s4], $0x1, s14, s12, $0xb8;
	[tilespmem:$0x1FC50] =	vst v63  }
0x23e: {  	s18 =	simm.s32 $0x1F250;
	s20 =	simm.s32 $0x200  }
0x23f: {  	[tilespmem:s18], [sflag:$0x3] =	stream.indirect.gather [spmem:s4], $0x1, s20, s12, $0xb8;
	[tilespmem:$0x1FC50] =	vst v63  }
0x240: {  	s10 =	simm.s32 $0x1F650  }
0x241: {  	[tilespmem:s10], [sflag:$0x3] =	stream.indirect.gather [spmem:s4], $0x1, s31, s12, $0xb8;
	[tilespmem:$0x1FC50] =	vst v63  }
0x242: {  	s8 =	simm.s32 $0x1F2D0  }
0x243: {  	[tilespmem:s8], [sflag:$0x3] =	stream.indirect.gather [spmem:s4], $0x1, s25, s12, $0xb8;
	[tilespmem:$0x1FC50] =	vst v63  }
0x244: {  	s17 =	simm.s32 $0x680;
	s14 =	simm.s32 $0x1F6D0  }
0x245: {  	[tilespmem:s14], [sflag:$0x3] =	stream.indirect.gather [spmem:s4], $0x1, s17, s12, $0xb8;
	[tilespmem:$0x1FC50] =	vst v63  }
0x246: {  	_ = 	snop  }
0x247: {  	[tilespmem:s5], [sflag:$0x3] =	stream.indirect.gather [spmem:s4], $0x1, s3, s12, $0xb8;
	[tilespmem:$0x1FC50] =	vst v63  }
0x248: {  	s24 =	simm.s32 $0x1F750;
	s25 =	simm.s32 $0x700  }
0x249: {  	[tilespmem:s24], [sflag:$0x3] =	stream.indirect.gather [spmem:s4], $0x1, s25, s12, $0xb8;
	[tilespmem:$0x1FC50] =	vst v63  }
0x24a: {  	s22 =	simm.s32 $0x1F3D0;
	s20 =	simm.s32 $0x380  }
0x24b: {  	[tilespmem:s22], [sflag:$0x3] =	stream.indirect.gather [spmem:s4], $0x1, s20, s12, $0xb8;
	[tilespmem:$0x1FC50] =	vst v63  }
0x24c: {  	s18 =	simm.s32 $0x1F7D0  }
0x24d: {  	[tilespmem:s18], [sflag:$0x3] =	stream.indirect.gather [spmem:s4], $0x1, s28, s12, $0xb8;
	[tilespmem:$0x1FC50] =	vst v63  }
0x24e: {  	s0 =	rddreg [dreg:$0x1c];
	_ =	swait.ge [sflag:s16], $0x80  }
0x24f: {  	[sflag:s16] =	ssyncset.done $0x0  }
0x250: {  	[sflag:s16] =	ssyncadd.s32 $0xFFFFFF80  }
0x251: {  	_ =	swait.ge [sflag:s16], $0x80  }
0x252: {  	[sflag:s16] =	ssyncset.done $0x0  }
0x253: {  	[sflag:s16] =	ssyncadd.s32 $0xFFFFFF80  }
0x254: {  	v1 =	vld [tilespmem:$0x1F050]  }
0x255: {  	v2 =	vld [tilespmem:$0x1F450];
	_ =	sdelay $0x4  }
0x256: {  	v1 =	vmul.f32 v2, v1;
	_ =	sdelay $0x1  }
0x257: {  	[tilespmem:s9+$0x0] =	vst.add.f32.msk $0xffff, v1  }
0x258: {  	v1 =	vld [tilespmem:$0x1F060]  }
0x259: {  	v2 =	vld [tilespmem:$0x1F460];
	_ =	sdelay $0x4  }
0x25a: {  	v1 =	vmul.f32 v2, v1  }
0x25b: {  	s31 =	simm.s32 $0x1F860  }
0x25c: {  	[tilespmem:s31+$0x0] =	vst.add.f32.msk $0xffff, v1  }
0x25d: {  	v1 =	vld [tilespmem:$0x1F070]  }
0x25e: {  	v2 =	vld [tilespmem:$0x1F470];
	_ =	sdelay $0x4  }
0x25f: {  	v1 =	vmul.f32 v2, v1  }
0x260: {  	s30 =	simm.s32 $0x1F870  }
0x261: {  	[tilespmem:s30+$0x0] =	vst.add.f32.msk $0xffff, v1  }
0x262: {  	v1 =	vld [tilespmem:$0x1F080]  }
0x263: {  	v2 =	vld [tilespmem:$0x1F480];
	_ =	sdelay $0x4  }
0x264: {  	v1 =	vmul.f32 v2, v1  }
0x265: {  	s29 =	simm.s32 $0x1F880  }
0x266: {  	[tilespmem:s29+$0x0] =	vst.add.f32.msk $0xffff, v1  }
0x267: {  	v1 =	vld [tilespmem:$0x1F090]  }
0x268: {  	v2 =	vld [tilespmem:$0x1F490];
	_ =	sdelay $0x4  }
0x269: {  	v1 =	vmul.f32 v2, v1  }
0x26a: {  	s28 =	simm.s32 $0x1F890  }
0x26b: {  	[tilespmem:s28+$0x0] =	vst.add.f32.msk $0xffff, v1  }
0x26c: {  	v1 =	vld [tilespmem:$0x1F0A0]  }
0x26d: {  	v2 =	vld [tilespmem:$0x1F4A0];
	_ =	sdelay $0x4  }
0x26e: {  	v1 =	vmul.f32 v2, v1  }
0x26f: {  	s10 =	simm.s32 $0x1F8A0  }
0x270: {  	[tilespmem:s10+$0x0] =	vst.add.f32.msk $0xffff, v1  }
0x271: {  	v1 =	vld [tilespmem:$0x1F0B0]  }
0x272: {  	v2 =	vld [tilespmem:$0x1F4B0];
	_ =	sdelay $0x4  }
0x273: {  	v1 =	vmul.f32 v2, v1  }
0x274: {  	s9 =	simm.s32 $0x1F8B0  }
0x275: {  	[tilespmem:s9+$0x0] =	vst.add.f32.msk $0xffff, v1  }
0x276: {  	v1 =	vld [tilespmem:$0x1F0C0]  }
0x277: {  	v2 =	vld [tilespmem:$0x1F4C0];
	_ =	sdelay $0x4  }
0x278: {  	v1 =	vmul.f32 v2, v1  }
0x279: {  	s8 =	simm.s32 $0x1F8C0  }
0x27a: {  	[tilespmem:s8+$0x0] =	vst.add.f32.msk $0xffff, v1  }
0x27b: {  	_ =	swait.ge [sflag:s16], $0x80  }
0x27c: {  	[sflag:s16] =	ssyncset.done $0x0  }
0x27d: {  	[sflag:s16] =	ssyncadd.s32 $0xFFFFFF80  }
0x27e: {  	_ =	swait.ge [sflag:s16], $0x80  }
0x27f: {  	[sflag:s16] =	ssyncset.done $0x0  }
0x280: {  	[sflag:s16] =	ssyncadd.s32 $0xFFFFFF80  }
0x281: {  	v1 =	vld [tilespmem:$0x1F0D0]  }
0x282: {  	v2 =	vld [tilespmem:$0x1F4D0];
	_ =	sdelay $0x4  }
0x283: {  	v1 =	vmul.f32 v2, v1  }
0x284: {  	s7 =	simm.s32 $0x1F8D0  }
0x285: {  	[tilespmem:s7+$0x0] =	vst.add.f32.msk $0xffff, v1  }
0x286: {  	v1 =	vld [tilespmem:$0x1F0E0]  }
0x287: {  	v2 =	vld [tilespmem:$0x1F4E0];
	_ =	sdelay $0x4  }
0x288: {  	v1 =	vmul.f32 v2, v1  }
0x289: {  	s20 =	simm.s32 $0x1F8E0  }
0x28a: {  	[tilespmem:s20+$0x0] =	vst.add.f32.msk $0xffff, v1  }
0x28b: {  	v1 =	vld [tilespmem:$0x1F0F0]  }
0x28c: {  	v2 =	vld [tilespmem:$0x1F4F0];
	_ =	sdelay $0x4  }
0x28d: {  	v1 =	vmul.f32 v2, v1  }
0x28e: {  	s18 =	simm.s32 $0x1F8F0  }
0x28f: {  	[tilespmem:s18+$0x0] =	vst.add.f32.msk $0xffff, v1  }
0x290: {  	v1 =	vld [tilespmem:$0x1F100]  }
0x291: {  	v2 =	vld [tilespmem:$0x1F500];
	_ =	sdelay $0x4  }
0x292: {  	v1 =	vmul.f32 v2, v1  }
0x293: {  	s17 =	simm.s32 $0x1F900  }
0x294: {  	[tilespmem:s17+$0x0] =	vst.add.f32.msk $0xffff, v1  }
0x295: {  	v1 =	vld [tilespmem:$0x1F110]  }
0x296: {  	v2 =	vld [tilespmem:$0x1F510];
	_ =	sdelay $0x4  }
0x297: {  	v1 =	vmul.f32 v2, v1  }
0x298: {  	s14 =	simm.s32 $0x1F910  }
0x299: {  	[tilespmem:s14+$0x0] =	vst.add.f32.msk $0xffff, v1  }
0x29a: {  	v1 =	vld [tilespmem:$0x1F120]  }
0x29b: {  	v2 =	vld [tilespmem:$0x1F520];
	_ =	sdelay $0x4  }
0x29c: {  	v1 =	vmul.f32 v2, v1  }
0x29d: {  	s28 =	simm.s32 $0x1F920  }
0x29e: {  	[tilespmem:s28+$0x0] =	vst.add.f32.msk $0xffff, v1  }
0x29f: {  	v1 =	vld [tilespmem:$0x1F130]  }
0x2a0: {  	v2 =	vld [tilespmem:$0x1F530];
	_ =	sdelay $0x4  }
0x2a1: {  	v1 =	vmul.f32 v2, v1  }
0x2a2: {  	s25 =	simm.s32 $0x1F930  }
0x2a3: {  	[tilespmem:s25+$0x0] =	vst.add.f32.msk $0xffff, v1  }
0x2a4: {  	v1 =	vld [tilespmem:$0x1F140]  }
0x2a5: {  	v2 =	vld [tilespmem:$0x1F540];
	_ =	sdelay $0x4  }
0x2a6: {  	v1 =	vmul.f32 v2, v1  }
0x2a7: {  	s24 =	simm.s32 $0x1F940  }
0x2a8: {  	[tilespmem:s24+$0x0] =	vst.add.f32.msk $0xffff, v1  }
0x2a9: {  	_ =	swait.ge [sflag:s16], $0x80  }
0x2aa: {  	[sflag:s16] =	ssyncset.done $0x0  }
0x2ab: {  	[sflag:s16] =	ssyncadd.s32 $0xFFFFFF80  }
0x2ac: {  	_ =	swait.ge [sflag:s16], $0x80  }
0x2ad: {  	[sflag:s16] =	ssyncset.done $0x0  }
0x2ae: {  	[sflag:s16] =	ssyncadd.s32 $0xFFFFFF80  }
0x2af: {  	v1 =	vld [tilespmem:$0x1F150]  }
0x2b0: {  	v2 =	vld [tilespmem:$0x1F550];
	_ =	sdelay $0x4  }
0x2b1: {  	v1 =	vmul.f32 v2, v1  }
0x2b2: {  	s22 =	simm.s32 $0x1F950  }
0x2b3: {  	[tilespmem:s22+$0x0] =	vst.add.f32.msk $0xffff, v1  }
0x2b4: {  	v1 =	vld [tilespmem:$0x1F160]  }
0x2b5: {  	v2 =	vld [tilespmem:$0x1F560];
	_ =	sdelay $0x4  }
0x2b6: {  	v1 =	vmul.f32 v2, v1  }
0x2b7: {  	s7 =	simm.s32 $0x1F960  }
0x2b8: {  	[tilespmem:s7+$0x0] =	vst.add.f32.msk $0xffff, v1  }
0x2b9: {  	v1 =	vld [tilespmem:$0x1F170]  }
0x2ba: {  	v2 =	vld [tilespmem:$0x1F570];
	_ =	sdelay $0x4  }
0x2bb: {  	v1 =	vmul.f32 v2, v1  }
0x2bc: {  	s31 =	simm.s32 $0x1F970  }
0x2bd: {  	[tilespmem:s31+$0x0] =	vst.add.f32.msk $0xffff, v1  }
0x2be: {  	v1 =	vld [tilespmem:$0x1F180]  }
0x2bf: {  	v2 =	vld [tilespmem:$0x1F580];
	_ =	sdelay $0x4  }
0x2c0: {  	v1 =	vmul.f32 v2, v1  }
0x2c1: {  	s30 =	simm.s32 $0x1F980  }
0x2c2: {  	[tilespmem:s30+$0x0] =	vst.add.f32.msk $0xffff, v1  }
0x2c3: {  	v1 =	vld [tilespmem:$0x1F190]  }
0x2c4: {  	v2 =	vld [tilespmem:$0x1F590];
	_ =	sdelay $0x4  }
0x2c5: {  	v1 =	vmul.f32 v2, v1  }
0x2c6: {  	s29 =	simm.s32 $0x1F990  }
0x2c7: {  	[tilespmem:s29+$0x0] =	vst.add.f32.msk $0xffff, v1  }
0x2c8: {  	v1 =	vld [tilespmem:$0x1F1A0]  }
0x2c9: {  	v2 =	vld [tilespmem:$0x1F5A0];
	_ =	sdelay $0x4  }
0x2ca: {  	v1 =	vmul.f32 v2, v1  }
0x2cb: {  	s14 =	simm.s32 $0x1F9A0  }
0x2cc: {  	[tilespmem:s14+$0x0] =	vst.add.f32.msk $0xffff, v1  }
0x2cd: {  	v1 =	vld [tilespmem:$0x1F1B0]  }
0x2ce: {  	v2 =	vld [tilespmem:$0x1F5B0];
	_ =	sdelay $0x4  }
0x2cf: {  	v1 =	vmul.f32 v2, v1  }
0x2d0: {  	s10 =	simm.s32 $0x1F9B0  }
0x2d1: {  	[tilespmem:s10+$0x0] =	vst.add.f32.msk $0xffff, v1  }
0x2d2: {  	v1 =	vld [tilespmem:$0x1F1C0]  }
0x2d3: {  	v2 =	vld [tilespmem:$0x1F5C0];
	_ =	sdelay $0x4  }
0x2d4: {  	v1 =	vmul.f32 v2, v1  }
0x2d5: {  	s9 =	simm.s32 $0x1F9C0  }
0x2d6: {  	[tilespmem:s9+$0x0] =	vst.add.f32.msk $0xffff, v1  }
0x2d7: {  	_ =	swait.ge [sflag:s16], $0x80  }
0x2d8: {  	[sflag:s16] =	ssyncset.done $0x0  }
0x2d9: {  	[sflag:s16] =	ssyncadd.s32 $0xFFFFFF80  }
0x2da: {  	_ =	swait.ge [sflag:s16], $0x80  }
0x2db: {  	[sflag:s16] =	ssyncset.done $0x0  }
0x2dc: {  	[sflag:s16] =	ssyncadd.s32 $0xFFFFFF80  }
0x2dd: {  	v1 =	vld [tilespmem:$0x1F1D0]  }
0x2de: {  	v2 =	vld [tilespmem:$0x1F5D0];
	_ =	sdelay $0x4  }
0x2df: {  	v1 =	vmul.f32 v2, v1  }
0x2e0: {  	s8 =	simm.s32 $0x1F9D0  }
0x2e1: {  	[tilespmem:s8+$0x0] =	vst.add.f32.msk $0xffff, v1  }
0x2e2: {  	v1 =	vld [tilespmem:$0x1F1E0]  }
0x2e3: {  	v2 =	vld [tilespmem:$0x1F5E0];
	_ =	sdelay $0x4  }
0x2e4: {  	v1 =	vmul.f32 v2, v1  }
0x2e5: {  	s22 =	simm.s32 $0x1F9E0  }
0x2e6: {  	[tilespmem:s22+$0x0] =	vst.add.f32.msk $0xffff, v1  }
0x2e7: {  	v1 =	vld [tilespmem:$0x1F1F0]  }
0x2e8: {  	v2 =	vld [tilespmem:$0x1F5F0];
	_ =	sdelay $0x4  }
0x2e9: {  	v1 =	vmul.f32 v2, v1  }
0x2ea: {  	s20 =	simm.s32 $0x1F9F0  }
0x2eb: {  	[tilespmem:s20+$0x0] =	vst.add.f32.msk $0xffff, v1  }
0x2ec: {  	v1 =	vld [tilespmem:$0x1F200]  }
0x2ed: {  	v2 =	vld [tilespmem:$0x1F600];
	_ =	sdelay $0x4  }
0x2ee: {  	v1 =	vmul.f32 v2, v1  }
0x2ef: {  	s18 =	simm.s32 $0x1FA00  }
0x2f0: {  	[tilespmem:s18+$0x0] =	vst.add.f32.msk $0xffff, v1  }
0x2f1: {  	v1 =	vld [tilespmem:$0x1F210]  }
0x2f2: {  	v2 =	vld [tilespmem:$0x1F610];
	_ =	sdelay $0x4  }
0x2f3: {  	v1 =	vmul.f32 v2, v1  }
0x2f4: {  	s17 =	simm.s32 $0x1FA10  }
0x2f5: {  	[tilespmem:s17+$0x0] =	vst.add.f32.msk $0xffff, v1  }
0x2f6: {  	v1 =	vld [tilespmem:$0x1F220]  }
0x2f7: {  	v2 =	vld [tilespmem:$0x1F620];
	_ =	sdelay $0x4  }
0x2f8: {  	v1 =	vmul.f32 v2, v1  }
0x2f9: {  	s29 =	simm.s32 $0x1FA20  }
0x2fa: {  	[tilespmem:s29+$0x0] =	vst.add.f32.msk $0xffff, v1  }
0x2fb: {  	v1 =	vld [tilespmem:$0x1F230]  }
0x2fc: {  	v2 =	vld [tilespmem:$0x1F630];
	_ =	sdelay $0x4  }
0x2fd: {  	v1 =	vmul.f32 v2, v1  }
0x2fe: {  	s28 =	simm.s32 $0x1FA30  }
0x2ff: {  	[tilespmem:s28+$0x0] =	vst.add.f32.msk $0xffff, v1  }
0x300: {  	v1 =	vld [tilespmem:$0x1F240]  }
0x301: {  	v2 =	vld [tilespmem:$0x1F640];
	_ =	sdelay $0x4  }
0x302: {  	v1 =	vmul.f32 v2, v1  }
0x303: {  	s25 =	simm.s32 $0x1FA40  }
0x304: {  	[tilespmem:s25+$0x0] =	vst.add.f32.msk $0xffff, v1  }
0x305: {  	_ =	swait.ge [sflag:s16], $0x80  }
0x306: {  	[sflag:s16] =	ssyncset.done $0x0  }
0x307: {  	[sflag:s16] =	ssyncadd.s32 $0xFFFFFF80  }
0x308: {  	_ =	swait.ge [sflag:s16], $0x80  }
0x309: {  	[sflag:s16] =	ssyncset.done $0x0  }
0x30a: {  	[sflag:s16] =	ssyncadd.s32 $0xFFFFFF80  }
0x30b: {  	v1 =	vld [tilespmem:$0x1F250]  }
0x30c: {  	v2 =	vld [tilespmem:$0x1F650];
	_ =	sdelay $0x4  }
0x30d: {  	v1 =	vmul.f32 v2, v1  }
0x30e: {  	s24 =	simm.s32 $0x1FA50  }
0x30f: {  	[tilespmem:s24+$0x0] =	vst.add.f32.msk $0xffff, v1  }
0x310: {  	v1 =	vld [tilespmem:$0x1F260]  }
0x311: {  	v2 =	vld [tilespmem:$0x1F660];
	_ =	sdelay $0x4  }
0x312: {  	v1 =	vmul.f32 v2, v1  }
0x313: {  	s8 =	simm.s32 $0x1FA60  }
0x314: {  	[tilespmem:s8+$0x0] =	vst.add.f32.msk $0xffff, v1  }
0x315: {  	v1 =	vld [tilespmem:$0x1F270]  }
0x316: {  	v2 =	vld [tilespmem:$0x1F670];
	_ =	sdelay $0x4  }
0x317: {  	v1 =	vmul.f32 v2, v1  }
0x318: {  	s7 =	simm.s32 $0x1FA70  }
0x319: {  	[tilespmem:s7+$0x0] =	vst.add.f32.msk $0xffff, v1  }
0x31a: {  	v1 =	vld [tilespmem:$0x1F280]  }
0x31b: {  	v2 =	vld [tilespmem:$0x1F680];
	_ =	sdelay $0x4  }
0x31c: {  	v1 =	vmul.f32 v2, v1  }
0x31d: {  	s31 =	simm.s32 $0x1FA80  }
0x31e: {  	[tilespmem:s31+$0x0] =	vst.add.f32.msk $0xffff, v1  }
0x31f: {  	v1 =	vld [tilespmem:$0x1F290]  }
0x320: {  	v2 =	vld [tilespmem:$0x1F690];
	_ =	sdelay $0x4  }
0x321: {  	v1 =	vmul.f32 v2, v1  }
0x322: {  	s30 =	simm.s32 $0x1FA90  }
0x323: {  	[tilespmem:s30+$0x0] =	vst.add.f32.msk $0xffff, v1  }
0x324: {  	v1 =	vld [tilespmem:$0x1F2A0]  }
0x325: {  	v2 =	vld [tilespmem:$0x1F6A0];
	_ =	sdelay $0x4  }
0x326: {  	v1 =	vmul.f32 v2, v1  }
0x327: {  	s17 =	simm.s32 $0x1FAA0  }
0x328: {  	[tilespmem:s17+$0x0] =	vst.add.f32.msk $0xffff, v1  }
0x329: {  	v1 =	vld [tilespmem:$0x1F2B0]  }
0x32a: {  	v2 =	vld [tilespmem:$0x1F6B0];
	_ =	sdelay $0x4  }
0x32b: {  	v1 =	vmul.f32 v2, v1  }
0x32c: {  	s14 =	simm.s32 $0x1FAB0  }
0x32d: {  	[tilespmem:s14+$0x0] =	vst.add.f32.msk $0xffff, v1  }
0x32e: {  	v1 =	vld [tilespmem:$0x1F2C0]  }
0x32f: {  	v2 =	vld [tilespmem:$0x1F6C0];
	_ =	sdelay $0x4  }
0x330: {  	v1 =	vmul.f32 v2, v1  }
0x331: {  	s10 =	simm.s32 $0x1FAC0  }
0x332: {  	[tilespmem:s10+$0x0] =	vst.add.f32.msk $0xffff, v1  }
0x333: {  	_ =	swait.ge [sflag:s16], $0x80  }
0x334: {  	[sflag:s16] =	ssyncset.done $0x0  }
0x335: {  	[sflag:s16] =	ssyncadd.s32 $0xFFFFFF80  }
0x336: {  	_ =	swait.ge [sflag:s16], $0x80  }
0x337: {  	[sflag:s16] =	ssyncset.done $0x0  }
0x338: {  	[sflag:s16] =	ssyncadd.s32 $0xFFFFFF80  }
0x339: {  	v1 =	vld [tilespmem:$0x1F2D0]  }
0x33a: {  	v2 =	vld [tilespmem:$0x1F6D0];
	_ =	sdelay $0x4  }
0x33b: {  	v1 =	vmul.f32 v2, v1  }
0x33c: {  	s9 =	simm.s32 $0x1FAD0  }
0x33d: {  	[tilespmem:s9+$0x0] =	vst.add.f32.msk $0xffff, v1  }
0x33e: {  	v1 =	vld [tilespmem:$0x1F2E0]  }
0x33f: {  	v2 =	vld [tilespmem:$0x1F6E0];
	_ =	sdelay $0x4  }
0x340: {  	v1 =	vmul.f32 v2, v1  }
0x341: {  	s24 =	simm.s32 $0x1FAE0  }
0x342: {  	[tilespmem:s24+$0x0] =	vst.add.f32.msk $0xffff, v1  }
0x343: {  	v1 =	vld [tilespmem:$0x1F2F0]  }
0x344: {  	v2 =	vld [tilespmem:$0x1F6F0];
	_ =	sdelay $0x4  }
0x345: {  	v1 =	vmul.f32 v2, v1  }
0x346: {  	s22 =	simm.s32 $0x1FAF0  }
0x347: {  	[tilespmem:s22+$0x0] =	vst.add.f32.msk $0xffff, v1  }
0x348: {  	v1 =	vld [tilespmem:$0x1F300]  }
0x349: {  	v2 =	vld [tilespmem:$0x1F700];
	_ =	sdelay $0x4  }
0x34a: {  	v1 =	vmul.f32 v2, v1  }
0x34b: {  	s20 =	simm.s32 $0x1FB00  }
0x34c: {  	[tilespmem:s20+$0x0] =	vst.add.f32.msk $0xffff, v1  }
0x34d: {  	v1 =	vld [tilespmem:$0x1F310]  }
0x34e: {  	v2 =	vld [tilespmem:$0x1F710];
	_ =	sdelay $0x4  }
0x34f: {  	v1 =	vmul.f32 v2, v1  }
0x350: {  	s18 =	simm.s32 $0x1FB10  }
0x351: {  	[tilespmem:s18+$0x0] =	vst.add.f32.msk $0xffff, v1  }
0x352: {  	v1 =	vld [tilespmem:$0x1F320]  }
0x353: {  	v2 =	vld [tilespmem:$0x1F720];
	_ =	sdelay $0x4  }
0x354: {  	v1 =	vmul.f32 v2, v1  }
0x355: {  	s30 =	simm.s32 $0x1FB20  }
0x356: {  	[tilespmem:s30+$0x0] =	vst.add.f32.msk $0xffff, v1  }
0x357: {  	v1 =	vld [tilespmem:$0x1F330]  }
0x358: {  	v2 =	vld [tilespmem:$0x1F730];
	_ =	sdelay $0x4  }
0x359: {  	v1 =	vmul.f32 v2, v1  }
0x35a: {  	s29 =	simm.s32 $0x1FB30  }
0x35b: {  	[tilespmem:s29+$0x0] =	vst.add.f32.msk $0xffff, v1  }
0x35c: {  	v1 =	vld [tilespmem:$0x1F340]  }
0x35d: {  	v2 =	vld [tilespmem:$0x1F740];
	_ =	sdelay $0x4  }
0x35e: {  	v1 =	vmul.f32 v2, v1  }
0x35f: {  	s28 =	simm.s32 $0x1FB40  }
0x360: {  	[tilespmem:s28+$0x0] =	vst.add.f32.msk $0xffff, v1  }
0x361: {  	_ =	swait.ge [sflag:s16], $0x80  }
0x362: {  	[sflag:s16] =	ssyncset.done $0x0  }
0x363: {  	[sflag:s16] =	ssyncadd.s32 $0xFFFFFF80  }
0x364: {  	_ =	swait.ge [sflag:s16], $0x80  }
0x365: {  	[sflag:s16] =	ssyncset.done $0x0  }
0x366: {  	[sflag:s16] =	ssyncadd.s32 $0xFFFFFF80  }
0x367: {  	v1 =	vld [tilespmem:$0x1F350]  }
0x368: {  	v2 =	vld [tilespmem:$0x1F750];
	_ =	sdelay $0x4  }
0x369: {  	v1 =	vmul.f32 v2, v1  }
0x36a: {  	s25 =	simm.s32 $0x1FB50  }
0x36b: {  	[tilespmem:s25+$0x0] =	vst.add.f32.msk $0xffff, v1  }
0x36c: {  	v1 =	vld [tilespmem:$0x1F360]  }
0x36d: {  	v2 =	vld [tilespmem:$0x1F760];
	_ =	sdelay $0x4  }
0x36e: {  	v1 =	vmul.f32 v2, v1  }
0x36f: {  	s9 =	simm.s32 $0x1FB60  }
0x370: {  	[tilespmem:s9+$0x0] =	vst.add.f32.msk $0xffff, v1  }
0x371: {  	v1 =	vld [tilespmem:$0x1F370]  }
0x372: {  	v2 =	vld [tilespmem:$0x1F770];
	_ =	sdelay $0x4  }
0x373: {  	v1 =	vmul.f32 v2, v1  }
0x374: {  	s8 =	simm.s32 $0x1FB70  }
0x375: {  	[tilespmem:s8+$0x0] =	vst.add.f32.msk $0xffff, v1  }
0x376: {  	v1 =	vld [tilespmem:$0x1F380]  }
0x377: {  	v2 =	vld [tilespmem:$0x1F780];
	_ =	sdelay $0x4  }
0x378: {  	v1 =	vmul.f32 v2, v1  }
0x379: {  	s7 =	simm.s32 $0x1FB80  }
0x37a: {  	[tilespmem:s7+$0x0] =	vst.add.f32.msk $0xffff, v1  }
0x37b: {  	v1 =	vld [tilespmem:$0x1F390]  }
0x37c: {  	v2 =	vld [tilespmem:$0x1F790];
	_ =	sdelay $0x4  }
0x37d: {  	v1 =	vmul.f32 v2, v1  }
0x37e: {  	s31 =	simm.s32 $0x1FB90  }
0x37f: {  	[tilespmem:s31+$0x0] =	vst.add.f32.msk $0xffff, v1  }
0x380: {  	v1 =	vld [tilespmem:$0x1F3A0]  }
0x381: {  	v2 =	vld [tilespmem:$0x1F7A0];
	_ =	sdelay $0x4  }
0x382: {  	v1 =	vmul.f32 v2, v1  }
0x383: {  	s18 =	simm.s32 $0x1FBA0  }
0x384: {  	[tilespmem:s18+$0x0] =	vst.add.f32.msk $0xffff, v1  }
0x385: {  	v1 =	vld [tilespmem:$0x1F3B0]  }
0x386: {  	v2 =	vld [tilespmem:$0x1F7B0];
	_ =	sdelay $0x4  }
0x387: {  	v1 =	vmul.f32 v2, v1  }
0x388: {  	s17 =	simm.s32 $0x1FBB0  }
0x389: {  	[tilespmem:s17+$0x0] =	vst.add.f32.msk $0xffff, v1  }
0x38a: {  	v1 =	vld [tilespmem:$0x1F3C0]  }
0x38b: {  	v2 =	vld [tilespmem:$0x1F7C0];
	_ =	sdelay $0x4  }
0x38c: {  	v1 =	vmul.f32 v2, v1  }
0x38d: {  	s14 =	simm.s32 $0x1FBC0  }
0x38e: {  	[tilespmem:s14+$0x0] =	vst.add.f32.msk $0xffff, v1  }
0x38f: {  	_ =	swait.ge [sflag:s16], $0x80  }
0x390: {  	[sflag:s16] =	ssyncset.done $0x0  }
0x391: {  	[sflag:s16] =	ssyncadd.s32 $0xFFFFFF80  }
0x392: {  	_ =	swait.ge [sflag:s16], $0x80  }
0x393: {  	[sflag:s16] =	ssyncset.done $0x0  }
0x394: {  	[sflag:s16] =	ssyncadd.s32 $0xFFFFFF80  }
0x395: {  	v1 =	vld [tilespmem:$0x1F3D0]  }
0x396: {  	v2 =	vld [tilespmem:$0x1F7D0];
	_ =	sdelay $0x4  }
0x397: {  	v1 =	vmul.f32 v2, v1  }
0x398: {  	s10 =	simm.s32 $0x1FBD0  }
0x399: {  	[tilespmem:s10+$0x0] =	vst.add.f32.msk $0xffff, v1  }
0x39a: {  	v1 =	vld [tilespmem:$0x1F3E0]  }
0x39b: {  	v2 =	vld [tilespmem:$0x1F7E0];
	_ =	sdelay $0x4  }
0x39c: {  	v1 =	vmul.f32 v2, v1  }
0x39d: {  	s25 =	simm.s32 $0x1FBE0  }
0x39e: {  	[tilespmem:s25+$0x0] =	vst.add.f32.msk $0xffff, v1  }
0x39f: {  	v1 =	vld [tilespmem:$0x1F3F0]  }
0x3a0: {  	v2 =	vld [tilespmem:$0x1F7F0];
	_ =	sdelay $0x4  }
0x3a1: {  	v1 =	vmul.f32 v2, v1  }
0x3a2: {  	s24 =	simm.s32 $0x1FBF0  }
0x3a3: {  	[tilespmem:s24+$0x0] =	vst.add.f32.msk $0xffff, v1  }
0x3a4: {  	v1 =	vld [tilespmem:$0x1F400]  }
0x3a5: {  	v2 =	vld [tilespmem:$0x1F800];
	_ =	sdelay $0x4  }
0x3a6: {  	v1 =	vmul.f32 v2, v1  }
0x3a7: {  	s22 =	simm.s32 $0x1FC00  }
0x3a8: {  	[tilespmem:s22+$0x0] =	vst.add.f32.msk $0xffff, v1  }
0x3a9: {  	v1 =	vld [tilespmem:$0x1F410]  }
0x3aa: {  	v2 =	vld [tilespmem:$0x1F810];
	_ =	sdelay $0x4  }
0x3ab: {  	v1 =	vmul.f32 v2, v1  }
0x3ac: {  	s20 =	simm.s32 $0x1FC10  }
0x3ad: {  	[tilespmem:s20+$0x0] =	vst.add.f32.msk $0xffff, v1  }
0x3ae: {  	v1 =	vld [tilespmem:$0x1F420]  }
0x3af: {  	v2 =	vld [tilespmem:$0x1F820];
	_ =	sdelay $0x4  }
0x3b0: {  	v1 =	vmul.f32 v2, v1  }
0x3b1: {  	s30 =	simm.s32 $0x1FC20  }
0x3b2: {  	[tilespmem:s30+$0x0] =	vst.add.f32.msk $0xffff, v1  }
0x3b3: {  	v1 =	vld [tilespmem:$0x1F430]  }
0x3b4: {  	v2 =	vld [tilespmem:$0x1F830];
	_ =	sdelay $0x4  }
0x3b5: {  	v1 =	vmul.f32 v2, v1  }
0x3b6: {  	s29 =	simm.s32 $0x1FC30  }
0x3b7: {  	[tilespmem:s29+$0x0] =	vst.add.f32.msk $0xffff, v1  }
0x3b8: {  	v1 =	vld [tilespmem:$0x1F440]  }
0x3b9: {  	v2 =	vld [tilespmem:$0x1F840];
	_ =	sdelay $0x1  }
0x3ba: {  	s31 =	rddreg [dreg:$0x1d]  }
0x3bb: {  	s2 =	sadd.s32 $0x100, s31  }
0x3bc: {  	p1 =	sne.s32 s2, $0x1000  }
.Ltmp0:
0x3bd: {  	v1 =	vmul.f32 v2, v1;
	(pc) =	sbr.rel @p1 .LBB2_2-.Ltmp0, $4  }
0x3be: {  	s28 =	simm.s32 $0x1FC40  }
0x3bf: {  	[tilespmem:s28+$0x0] =	vst.add.f32.msk $0xffff, v1  }
0x3c0: {  	[bflag:$0x0] =	sbarrier.arrive $0xFFFF  }
0x3c1: {  	s0 =	sadd.s32 $0x2, s0;
	s6 =	simm.s32 $0x1F850  }
0x3c2: {  	s1 =	rddreg [dreg:$0x11];
	s7 =	simm.s32 $0x4  }
0x3c3: {  	[hbm4b:s1+s12] =	stream.strided.scatter [tilespmem:s6], [sflag:$0x4], $0x400, s15, s12, $0x38;
	[tilespmem:$0x1FC50] =	vst v63  }
0x3c4: {  	_ =	swait.ge [sflag:s7], $0x400  }
0x3c5: {  	s2 =	rddreg [dreg:$0x1a]  }
0x3c6: {  	s31 =	rddreg [dreg:$0x12];
	s2 =	sadd.s32 $0x1, s2  }
0x3c7: {  	p1 =	sne.s32 s2, s31  }
.Ltmp1:
0x3c8: {  	_ = 	snop;
	(pc) =	sbr.rel @p1 .LBB2_1-.Ltmp1, $3  }
0x3c9: {  	_ =	sdelay $0x1  }
0x3ca: {  	s8 =	simm.s32 $0x10;
	[sflag:s7] =	ssyncset.done $0x0  }
0x3cb: {  	s10 =	simm.s32 $0x1;
	s3 =	rddreg [dreg:$0x1b];
	[sflag:s7] =	ssyncadd.s32 $0xFFFFFC00  }
0x3cc: {  	_ =	sfence.sel $0x180000  }
0x3cd: {  	[bflag:$0x0] =	sbarrier.arrive $0xFFFF  }
0x3ce: {  	_ =	strace $0x90000047  }
0x3cf: {  	[bflag:$0x2] =	sbarrier.arrive $0xFFFF  }
0x3d0: {  	s0 =	rddreg [dreg:$0x7]  }
0x3d1: {  	s0 =	sadd.s32 @!p0 $0x100000, s0  }
0x3d2: {  	[sflag:s0] =	ssyncadd.tile.s32 @!p0 $0x1;
	_ =	shalt  }
.Lfunc_end2:
_tile_overlayer_lowered:
.L_overlay_start_2:
0x3d3: {  	(tag) =	ssettag $0x2  }
0x3d4: {  	s0 =	rddreg [dreg:$0x0];
	s2 =	stileid.u32  }
0x3d5: {  	s1 =	rddreg [dreg:$0x1];
	p0 =	sne.s32 s2, $0x0  }
0x3d6: {  	s3 =	rddreg [dreg:$0x2];
	[bflag:$0x3] =	sbarrier.arrive $0xFFFF;
	s2 =	simm.s32 @!p0 $0x1C04  }
0x3d7: {  	[timem:s3], [sflag:s2] =	dma.local @!p0 [hbm:s0], s1  }
0x3d8: {  	s0 =	simm.s32 @!p0 $0x4  }
0x3d9: {  	_ =	swait.ge @!p0 [sflag:s0], s1  }
0x3da: {  	s1 =	ssub.s32 @!p0 $0x0, s1;
	[sflag:s0] =	ssyncset.done @!p0 $0x0  }
0x3db: {  	[sflag:s0] =	ssyncadd.s32 @!p0 s1  }
0x3dc: {  	[bflag:$0x3] =	sbarrier.arrive $0xFFFF  }
0x3dd: {  	_ =	shalt  }

</sc_bundles>
